<compile_context>
chip_gen: v7x
topology: tpu7x:2x2x1
jax: 0.10.2.dev20260603
libtpu: 0.0.44.dev20260713+nightly
codegen_flags: <defaults>
</compile_context>

<pallas_src>
import functools

import jax
import jax.numpy as jnp
from jax import lax
from jax.experimental import pallas as pl
from jax.experimental.pallas import tpu as pltpu
from jax.experimental.pallas import tpu_sc as plsc

N = 10000
NP = 10240
E = 160000
NFEAT = 128
NHID = 64

NC = 2
NS = 16
NW = NC * NS
EPW = 5120
EP = NW * EPW
CH = 128
NCHUNK = EPW // CH
NPT = NP // NS

_MESH = dict(core_axis_name="c", subcore_axis_name="s", num_cores=NC,
             num_subcores=NS)



def _degree_kernel(src_flat, dst_flat):
    mesh = plsc.VectorSubcoreMesh(**_MESH)

    @functools.partial(
        pl.kernel,
        out_type=[jax.ShapeDtypeStruct((NW, NP), jnp.float32),
                  jax.ShapeDtypeStruct((NW, NP), jnp.float32)],
        mesh=mesh,
        scratch_types=[pltpu.VMEM((EPW,), jnp.int32),
                       pltpu.VMEM((EPW,), jnp.int32),
                       pltpu.VMEM((NP,), jnp.float32),
                       pltpu.VMEM((NP,), jnp.float32)],
        compiler_params=pltpu.CompilerParams(needs_layout_passes=False),
    )
    def k(src_hbm, dst_hbm, outd_hbm, ind_hbm, src_v, dst_v, hs_v, hd_v):
        cid = lax.axis_index("c")
        sid = lax.axis_index("s")
        wid = sid * NC + cid
        pltpu.sync_copy(src_hbm.at[wid], src_v)
        pltpu.sync_copy(dst_hbm.at[wid], dst_v)

        zeros16 = jnp.zeros((16,), jnp.float32)

        def zbody(i, carry):
            hs_v[pl.ds(i * 16, 16)] = zeros16
            hd_v[pl.ds(i * 16, 16)] = zeros16
            return carry
        lax.fori_loop(0, NP // 16, zbody, 0)

        ones16 = jnp.ones((16,), jnp.float32)

        def body(i, carry):
            si = src_v[pl.ds(i * 16, 16)]
            plsc.addupdate_scatter(hs_v, [si], ones16)
            di = dst_v[pl.ds(i * 16, 16)]
            plsc.addupdate_scatter(hd_v, [di], ones16)
            return carry
        lax.fori_loop(0, EPW // 16, body, 0)

        pltpu.sync_copy(hs_v, outd_hbm.at[wid])
        pltpu.sync_copy(hd_v, ind_hbm.at[wid])

    return k(src_flat, dst_flat)


def _mp_kernel(feat, src3, dst3, d):
    mesh = plsc.VectorSubcoreMesh(**_MESH)

    @functools.partial(
        pl.kernel,
        out_type=jax.ShapeDtypeStruct((NC, NP, d), jnp.float32),
        mesh=mesh,
        scratch_types=[pltpu.VMEM((NCHUNK, CH), jnp.int32),
                       pltpu.VMEM((NCHUNK, CH), jnp.int32),
                       pltpu.VMEM((CH, d), jnp.float32),
                       pltpu.VMEM((CH, d), jnp.float32),
                       pltpu.VMEM_SHARED((NP, d), jnp.float32),
                       pltpu.SemaphoreType.DMA],
        compiler_params=pltpu.CompilerParams(use_tc_tiling_on_sc=False),
    )
    def k(feat_hbm, src_hbm, dst_hbm, out_hbm, src_v, dst_v, rows_a, rows_b,
          acc_sh, gsem):
        cid = lax.axis_index("c")
        sid = lax.axis_index("s")
        wid = sid * NC + cid
        pltpu.sync_copy(src_hbm.at[wid], src_v)
        pltpu.sync_copy(dst_hbm.at[wid], dst_v)

        zeros16 = jnp.zeros((16,), jnp.float32)

        def zbody(i, carry):
            for q in range(d // 16):
                rows_b[i, pl.ds(q * 16, 16)] = zeros16
            return carry
        lax.fori_loop(0, CH, zbody, 0)
        for t in range(NPT // CH):
            pltpu.sync_copy(rows_b, acc_sh.at[pl.ds(sid * NPT + t * CH, CH)])
        plsc.subcore_barrier()

        def chunk(j, carry):
            cp = pltpu.async_copy(feat_hbm.at[src_v.at[j]], rows_a, gsem)
            cp.wait()
            pltpu.sync_copy(rows_a, acc_sh.at[dst_v.at[j]], add=True)
            return carry
        lax.fori_loop(0, NCHUNK, chunk, 0)

        plsc.subcore_barrier()
        pltpu.sync_copy(acc_sh.at[pl.ds(sid * NPT, NPT)],
                        out_hbm.at[cid, pl.ds(sid * NPT, NPT)])

    return k(feat, src3, dst3)



_BM = 512


def _norm_feat_kernel(outd_part, ind_part, x):
    grid = NP // _BM

    def body(od_ref, id_ref, x_ref, on_ref, in_ref, f_ref):
        i = pl.program_id(0)
        od = jnp.sum(od_ref[...], axis=0)
        idg = jnp.sum(id_ref[...], axis=0)
        onorm = lax.rsqrt(jnp.maximum(od, 1.0))[:, None]
        inorm = lax.rsqrt(jnp.maximum(idg, 1.0))[:, None]
        on_ref[...] = onorm
        in_ref[...] = inorm
        rows = i * _BM + lax.broadcasted_iota(jnp.int32, (_BM, 1), 0)
        f_ref[...] = jnp.where(rows < N, x_ref[...] * onorm, 0.0)

    return pl.pallas_call(
        body,
        grid=(grid,),
        in_specs=[pl.BlockSpec((NW, _BM), lambda i: (0, i)),
                  pl.BlockSpec((NW, _BM), lambda i: (0, i)),
                  pl.BlockSpec((_BM, NFEAT), lambda i: (i, 0))],
        out_specs=[pl.BlockSpec((_BM, 1), lambda i: (i, 0)),
                   pl.BlockSpec((_BM, 1), lambda i: (i, 0)),
                   pl.BlockSpec((_BM, NFEAT), lambda i: (i, 0))],
        out_shape=[jax.ShapeDtypeStruct((NP, 1), jnp.float32),
                   jax.ShapeDtypeStruct((NP, 1), jnp.float32),
                   jax.ShapeDtypeStruct((NP, NFEAT), jnp.float32)],
    )(outd_part, ind_part, x)


def _layer_kernel(aggp, inn, outn, Ws, bs, scale_out):
    din = aggp.shape[-1]
    grid = NP // _BM
    nout = len(Ws)

    def body(*refs):
        agg_ref, inn_ref, outn_ref = refs[:3]
        w_refs = refs[3:3 + nout]
        b_refs = refs[3 + nout:3 + 2 * nout]
        o_refs = refs[3 + 2 * nout:]
        agg = (agg_ref[0] + agg_ref[1]) * inn_ref[...]
        for w_ref, b_ref, o_ref, sc in zip(w_refs, b_refs, o_refs, scale_out):
            y = jnp.dot(agg, w_ref[...], preferred_element_type=jnp.float32)
            y = jnp.maximum(y + b_ref[...], 0.0)
            if sc:
                y = y * outn_ref[...]
            o_ref[...] = y

    in_specs = [pl.BlockSpec((NC, _BM, din), lambda i: (0, i, 0)),
                pl.BlockSpec((_BM, 1), lambda i: (i, 0)),
                pl.BlockSpec((_BM, 1), lambda i: (i, 0))]
    for W in Ws:
        in_specs.append(pl.BlockSpec(W.shape, lambda i: (0, 0)))
    bs2 = [b[None, :] for b in bs]
    for b2 in bs2:
        in_specs.append(pl.BlockSpec(b2.shape, lambda i: (0, 0)))

    out = pl.pallas_call(
        body,
        grid=(grid,),
        in_specs=in_specs,
        out_specs=[pl.BlockSpec((_BM, W.shape[1]), lambda i: (i, 0))
                   for W in Ws],
        out_shape=[jax.ShapeDtypeStruct((NP, W.shape[1]), jnp.float32)
                   for W in Ws],
    )(aggp, inn, outn, *Ws, *bs2)
    return out


def _xhat_kernel(aggp, inn, W, b):
    grid = NP // _BM
    din = aggp.shape[-1]

    def body(agg_ref, inn_ref, w_ref, b_ref, o_ref):
        agg = (agg_ref[0] + agg_ref[1]) * inn_ref[...]
        y = jnp.dot(agg, w_ref[...], preferred_element_type=jnp.float32)
        o_ref[...] = jnp.maximum(y + b_ref[...], 0.0)

    return pl.pallas_call(
        body,
        grid=(grid,),
        in_specs=[pl.BlockSpec((NC, _BM, din), lambda i: (0, i, 0)),
                  pl.BlockSpec((_BM, 1), lambda i: (i, 0)),
                  pl.BlockSpec(W.shape, lambda i: (0, 0)),
                  pl.BlockSpec((1, W.shape[1]), lambda i: (0, 0))],
        out_specs=pl.BlockSpec((_BM, W.shape[1]), lambda i: (i, 0)),
        out_shape=jax.ShapeDtypeStruct((N, W.shape[1]), jnp.float32),
    )(aggp, inn, W, b[None, :])


_BMI = 256
_BNJ = 2048


def _struct_kernel(s):
    gj = NP // _BNJ
    gi = pl.cdiv(N, _BMI)

    def body(si_ref, sj_ref, o_ref):
        o_ref[...] = lax.dot_general(
            si_ref[...], sj_ref[...], (((1,), (1,)), ((), ())),
            preferred_element_type=jnp.float32)

    return pl.pallas_call(
        body,
        grid=(gj, gi),
        in_specs=[pl.BlockSpec((_BMI, NHID), lambda j, i: (i, 0)),
                  pl.BlockSpec((_BNJ, NHID), lambda j, i: (j, 0))],
        out_specs=pl.BlockSpec((_BMI, _BNJ), lambda j, i: (i, j)),
        out_shape=jax.ShapeDtypeStruct((N, N), jnp.float32),
    )(s, s)



def kernel(x, edge_index, W_e1, b_e1, W_e2, b_e2, W_a1, b_a1, W_a2, b_a2,
           W_s1, b_s1):
    src = edge_index[0].astype(jnp.int32)
    dst = edge_index[1].astype(jnp.int32)
    pad = jnp.full((EP - E,), N, jnp.int32)
    src_p = jnp.concatenate([src, pad]).reshape(NW, EPW)
    dst_p = jnp.concatenate([dst, pad]).reshape(NW, EPW)
    src3 = src_p.reshape(NW, NCHUNK, CH)
    dst3 = dst_p.reshape(NW, NCHUNK, CH)

    outd_part, ind_part = _degree_kernel(src_p, dst_p)
    outn, inn, feat1 = _norm_feat_kernel(outd_part, ind_part, x)

    agg1 = _mp_kernel(feat1, src3, dst3, NFEAT)
    (feat2,) = _layer_kernel(agg1, inn, outn, [W_e1], [b_e1], [True])

    agg2 = _mp_kernel(feat2, src3, dst3, NHID)
    (feat3,) = _layer_kernel(agg2, inn, outn, [W_e2], [b_e2], [True])

    agg3 = _mp_kernel(feat3, src3, dst3, NHID)
    feat4, s = _layer_kernel(agg3, inn, outn, [W_a1, W_s1], [b_a1, b_s1],
                             [True, False])

    agg4 = _mp_kernel(feat4, src3, dst3, NHID)
    x_hat = _xhat_kernel(agg4, inn, W_a2, b_a2)

    struct = _struct_kernel(s)
    return (struct, x_hat)

# --- scband reference (transcript-rebuilt; emitter-appended) ---
"""Pipeline reference for scband-dominant-54649163875011 (READ-ONLY COPY).

The authoritative reference and input builder live on the scoring server;
editing this copy changes nothing except your own understanding.
"""

import jax, jax.numpy as jnp
import numpy as np

N = 10000
E = 160000
NFEAT = 128
NHID = 64


def _init_w(key, shape, scale=0.1):
    return jax.random.normal(key, shape, dtype=jnp.float32) * scale


def setup_inputs(seed: int = 0):
    key = jax.random.key(seed)
    ks = jax.random.split(key, 8)
    x = jax.random.normal(ks[0], (N, NFEAT), dtype=jnp.float32)
    edge_index = jax.random.randint(ks[1], (2, E), 0, N)
    W_e1 = _init_w(ks[2], (NFEAT, NHID))
    b_e1 = jnp.zeros((NHID,), jnp.float32)
    W_e2 = _init_w(ks[3], (NHID, NHID))
    b_e2 = jnp.zeros((NHID,), jnp.float32)
    W_a1 = _init_w(ks[4], (NHID, NHID))
    b_a1 = jnp.zeros((NHID,), jnp.float32)
    W_a2 = _init_w(ks[5], (NHID, NFEAT))
    b_a2 = jnp.zeros((NFEAT,), jnp.float32)
    W_s1 = _init_w(ks[6], (NHID, NHID))
    b_s1 = jnp.zeros((NHID,), jnp.float32)
    return {"x": x, "edge_index": edge_index,
            "W_e1": W_e1, "b_e1": b_e1, "W_e2": W_e2, "b_e2": b_e2,
            "W_a1": W_a1, "b_a1": b_a1, "W_a2": W_a2, "b_a2": b_a2,
            "W_s1": W_s1, "b_s1": b_s1}


def _gcn(h, src, dst, out_norm, in_norm, W, b):
    # DGL GraphConv with norm='both':
    #   rst = D_dst^{-1/2} (A @ (D_src^{-1/2} h)) @ W + b
    feat = h * out_norm[:, None]
    agg = jax.ops.segment_sum(feat[src], dst, num_segments=N)
    return (agg * in_norm[:, None]) @ W + b


def reference(x, edge_index, W_e1, b_e1, W_e2, b_e2, W_a1, b_a1, W_a2, b_a2, W_s1, b_s1):
    src = edge_index[0]
    dst = edge_index[1]
    ones = jnp.ones((E,), jnp.float32)
    out_deg = jnp.maximum(jax.ops.segment_sum(ones, src, num_segments=N), 1.0)
    in_deg = jnp.maximum(jax.ops.segment_sum(ones, dst, num_segments=N), 1.0)
    out_norm = out_deg ** -0.5
    in_norm = in_deg ** -0.5
    # Encoder (dropout is identity in eval mode)
    h = jax.nn.relu(_gcn(x, src, dst, out_norm, in_norm, W_e1, b_e1))
    h = jax.nn.relu(_gcn(h, src, dst, out_norm, in_norm, W_e2, b_e2))
    # Attribute decoder
    a = jax.nn.relu(_gcn(h, src, dst, out_norm, in_norm, W_a1, b_a1))
    x_hat = jax.nn.relu(_gcn(a, src, dst, out_norm, in_norm, W_a2, b_a2))
    # Structure decoder
    s = jax.nn.relu(_gcn(h, src, dst, out_norm, in_norm, W_s1, b_s1))
    struct_reconstructed = s @ s.T
    return (struct_reconstructed, x_hat)

if __name__ == "__main__":
    import jax
    _d = setup_inputs()
    print(jax.jit(kernel)(*tuple(_d.values())))

</pallas_src>

<mosaic_0001>
#map = affine_map<(d0, d1) -> (0, 0)>
module attributes {stable_mosaic.version = 14 : i64} {
  func.func @k(%arg0: i32, %arg1: i32, %arg2: memref<32x5120xi32, #tpu.memory_space<hbm>>, %arg3: memref<32x5120xi32, #tpu.memory_space<hbm>>, %arg4: memref<32x10240xf32, #tpu.memory_space<hbm>>, %arg5: memref<32x10240xf32, #tpu.memory_space<hbm>>, %arg6: memref<5120xi32, #tpu.memory_space<vmem>>, %arg7: memref<5120xi32, #tpu.memory_space<vmem>>, %arg8: memref<10240xf32, #tpu.memory_space<vmem>>, %arg9: memref<10240xf32, #tpu.memory_space<vmem>>) attributes {dimension_semantics = [#tpu.dimension_semantics<core_parallel>, #tpu.dimension_semantics<subcore_parallel>], iteration_bounds = array<i64: 2, 16>, scalar_prefetch = 0 : i64, scratch_operands = 4 : i64, tpu.core_type = #tpu.core_type<sc_vector_subcore>, window_params = [{transform_indices = #map}, {transform_indices = #map}, {transform_indices = #map}, {transform_indices = #map}]} {
    %mul3A = arith.constant 2 : i32
    %mul3A_0 = arith.muli %arg1, %mul3A : i32
    %add3A = arith.addi %mul3A_0, %arg0 : i32
    "tpu.region"() ({
      %run_scoped3A = tpu.sem_alloc : memref<!tpu.dma_semaphore, #tpu.memory_space<semaphore_mem>>
      %dma_start3A = arith.constant 0 : i32
      %dma_start3A_15 = tpu.memref_slice %arg2[%add3A, %dma_start3A] : memref<32x5120xi32, #tpu.memory_space<hbm>> -> memref<1x5120xi32, #tpu.memory_space<hbm>>
      %dma_start3A_16 = tpu.memref_squeeze %dma_start3A_15 : memref<1x5120xi32, #tpu.memory_space<hbm>> -> memref<5120xi32, #tpu.memory_space<hbm>>
      %dma_start3A_17 = arith.constant 0 : i32
      %dma_start3A_18 = tpu.memref_slice %arg2[%add3A, %dma_start3A_17] : memref<32x5120xi32, #tpu.memory_space<hbm>> -> memref<1x5120xi32, #tpu.memory_space<hbm>>
      %dma_start3A_19 = tpu.memref_squeeze %dma_start3A_18 : memref<1x5120xi32, #tpu.memory_space<hbm>> -> memref<5120xi32, #tpu.memory_space<hbm>>
      tpu.enqueue_dma source(%dma_start3A_19 : memref<5120xi32, #tpu.memory_space<hbm>>) target(%arg6 : memref<5120xi32, #tpu.memory_space<vmem>>) target_semaphore(%run_scoped3A : memref<!tpu.dma_semaphore, #tpu.memory_space<semaphore_mem>>)
      %dma_wait3A = arith.constant 0 : i32
      %dma_wait3A_20 = tpu.memref_slice %arg2[%add3A, %dma_wait3A] : memref<32x5120xi32, #tpu.memory_space<hbm>> -> memref<1x5120xi32, #tpu.memory_space<hbm>>
      %dma_wait3A_21 = tpu.memref_squeeze %dma_wait3A_20 : memref<1x5120xi32, #tpu.memory_space<hbm>> -> memref<5120xi32, #tpu.memory_space<hbm>>
      %dma_wait3A_22 = arith.constant 0 : i32
      %dma_wait3A_23 = tpu.memref_slice %arg2[%add3A, %dma_wait3A_22] : memref<32x5120xi32, #tpu.memory_space<hbm>> -> memref<1x5120xi32, #tpu.memory_space<hbm>>
      %dma_wait3A_24 = tpu.memref_squeeze %dma_wait3A_23 : memref<1x5120xi32, #tpu.memory_space<hbm>> -> memref<5120xi32, #tpu.memory_space<hbm>>
      tpu.wait_dma2 semaphore(%run_scoped3A : memref<!tpu.dma_semaphore, #tpu.memory_space<semaphore_mem>>) src(%dma_wait3A_24 : memref<5120xi32, #tpu.memory_space<hbm>>) dst(%arg6 : memref<5120xi32, #tpu.memory_space<vmem>>)
      tpu.yield
    }) : () -> ()
    "tpu.region"() ({
      %run_scoped3A = tpu.sem_alloc : memref<!tpu.dma_semaphore, #tpu.memory_space<semaphore_mem>>
      %dma_start3A = arith.constant 0 : i32
      %dma_start3A_15 = tpu.memref_slice %arg3[%add3A, %dma_start3A] : memref<32x5120xi32, #tpu.memory_space<hbm>> -> memref<1x5120xi32, #tpu.memory_space<hbm>>
      %dma_start3A_16 = tpu.memref_squeeze %dma_start3A_15 : memref<1x5120xi32, #tpu.memory_space<hbm>> -> memref<5120xi32, #tpu.memory_space<hbm>>
      %dma_start3A_17 = arith.constant 0 : i32
      %dma_start3A_18 = tpu.memref_slice %arg3[%add3A, %dma_start3A_17] : memref<32x5120xi32, #tpu.memory_space<hbm>> -> memref<1x5120xi32, #tpu.memory_space<hbm>>
      %dma_start3A_19 = tpu.memref_squeeze %dma_start3A_18 : memref<1x5120xi32, #tpu.memory_space<hbm>> -> memref<5120xi32, #tpu.memory_space<hbm>>
      tpu.enqueue_dma source(%dma_start3A_19 : memref<5120xi32, #tpu.memory_space<hbm>>) target(%arg7 : memref<5120xi32, #tpu.memory_space<vmem>>) target_semaphore(%run_scoped3A : memref<!tpu.dma_semaphore, #tpu.memory_space<semaphore_mem>>)
      %dma_wait3A = arith.constant 0 : i32
      %dma_wait3A_20 = tpu.memref_slice %arg3[%add3A, %dma_wait3A] : memref<32x5120xi32, #tpu.memory_space<hbm>> -> memref<1x5120xi32, #tpu.memory_space<hbm>>
      %dma_wait3A_21 = tpu.memref_squeeze %dma_wait3A_20 : memref<1x5120xi32, #tpu.memory_space<hbm>> -> memref<5120xi32, #tpu.memory_space<hbm>>
      %dma_wait3A_22 = arith.constant 0 : i32
      %dma_wait3A_23 = tpu.memref_slice %arg3[%add3A, %dma_wait3A_22] : memref<32x5120xi32, #tpu.memory_space<hbm>> -> memref<1x5120xi32, #tpu.memory_space<hbm>>
      %dma_wait3A_24 = tpu.memref_squeeze %dma_wait3A_23 : memref<1x5120xi32, #tpu.memory_space<hbm>> -> memref<5120xi32, #tpu.memory_space<hbm>>
      tpu.wait_dma2 semaphore(%run_scoped3A : memref<!tpu.dma_semaphore, #tpu.memory_space<semaphore_mem>>) src(%dma_wait3A_24 : memref<5120xi32, #tpu.memory_space<hbm>>) dst(%arg7 : memref<5120xi32, #tpu.memory_space<vmem>>)
      tpu.yield
    }) : () -> ()
    %broadcast_in_dim3A = arith.constant 0.000000e+00 : f32
    %broadcast_in_dim3A_1 = vector.broadcast %broadcast_in_dim3A : f32 to vector<16xf32>
    %scan3A = arith.constant 0 : i32
    %scan3A_2 = arith.constant 0 : i32
    %scan3A_3 = arith.constant 640 : i32
    %scan3A_4 = arith.addi %scan3A_2, %scan3A_3 : i32
    %scan3A_5 = arith.constant 1 : i32
    scf.for %scan3A_15 = %scan3A_2 to %scan3A_4 step %scan3A_5  : i32 {
      %mul3A_16 = arith.constant 16 : i32
      %mul3A_17 = arith.muli %scan3A_15, %mul3A_16 : i32
      %swap3A = arith.index_cast %mul3A_17 : i32 to index
      %swap3A_18 = tpu.vector_load %arg8[%swap3A] {strides = array<i32>} : memref<10240xf32, #tpu.memory_space<vmem>>, vector<16xf32>,
      tpu.vector_store %arg8[%swap3A], %broadcast_in_dim3A_1 {strides = array<i32>} : memref<10240xf32, #tpu.memory_space<vmem>>, vector<16xf32>,
      %mul3A_19 = arith.constant 16 : i32
      %mul3A_20 = arith.muli %scan3A_15, %mul3A_19 : i32
      %swap3A_21 = arith.index_cast %mul3A_20 : i32 to index
      %swap3A_22 = tpu.vector_load %arg9[%swap3A_21] {strides = array<i32>} : memref<10240xf32, #tpu.memory_space<vmem>>, vector<16xf32>,
      tpu.vector_store %arg9[%swap3A_21], %broadcast_in_dim3A_1 {strides = array<i32>} : memref<10240xf32, #tpu.memory_space<vmem>>, vector<16xf32>,
    }
    %scan3A_6 = arith.constant 640 : i32
    %broadcast_in_dim3A_7 = arith.constant 1.000000e+00 : f32
    %broadcast_in_dim3A_8 = vector.broadcast %broadcast_in_dim3A_7 : f32 to vector<16xf32>
    %scan3A_9 = arith.constant 0 : i32
    %scan3A_10 = arith.constant 0 : i32
    %scan3A_11 = arith.constant 320 : i32
    %scan3A_12 = arith.addi %scan3A_10, %scan3A_11 : i32
    %scan3A_13 = arith.constant 1 : i32
    scf.for %scan3A_15 = %scan3A_10 to %scan3A_12 step %scan3A_13  : i32 {
      %mul3A_16 = arith.constant 16 : i32
      %mul3A_17 = arith.muli %scan3A_15, %mul3A_16 : i32
      %get3A = arith.index_cast %mul3A_17 : i32 to index
      %get3A_18 = tpu.vector_load %arg6[%get3A] {strides = array<i32>} : memref<5120xi32, #tpu.memory_space<vmem>>, vector<16xi32>,
      tpu.vector_store_idx %arg8[%get3A_18], %broadcast_in_dim3A_8 {add = true} : memref<10240xf32, #tpu.memory_space<vmem>>[vector<16xi32>], vector<16xf32>,
      %mul3A_19 = arith.constant 16 : i32
      %mul3A_20 = arith.muli %scan3A_15, %mul3A_19 : i32
      %get3A_21 = arith.index_cast %mul3A_20 : i32 to index
      %get3A_22 = tpu.vector_load %arg7[%get3A_21] {strides = array<i32>} : memref<5120xi32, #tpu.memory_space<vmem>>, vector<16xi32>,
      tpu.vector_store_idx %arg9[%get3A_22], %broadcast_in_dim3A_8 {add = true} : memref<10240xf32, #tpu.memory_space<vmem>>[vector<16xi32>], vector<16xf32>,
    }
    %scan3A_14 = arith.constant 320 : i32
    "tpu.region"() ({
      %run_scoped3A = tpu.sem_alloc : memref<!tpu.dma_semaphore, #tpu.memory_space<semaphore_mem>>
      %dma_start3A = arith.constant 0 : i32
      %dma_start3A_15 = tpu.memref_slice %arg4[%add3A, %dma_start3A] : memref<32x10240xf32, #tpu.memory_space<hbm>> -> memref<1x10240xf32, #tpu.memory_space<hbm>>
      %dma_start3A_16 = tpu.memref_squeeze %dma_start3A_15 : memref<1x10240xf32, #tpu.memory_space<hbm>> -> memref<10240xf32, #tpu.memory_space<hbm>>
      %dma_start3A_17 = arith.constant 0 : i32
      %dma_start3A_18 = tpu.memref_slice %arg4[%add3A, %dma_start3A_17] : memref<32x10240xf32, #tpu.memory_space<hbm>> -> memref<1x10240xf32, #tpu.memory_space<hbm>>
      %dma_start3A_19 = tpu.memref_squeeze %dma_start3A_18 : memref<1x10240xf32, #tpu.memory_space<hbm>> -> memref<10240xf32, #tpu.memory_space<hbm>>
      tpu.enqueue_dma source(%arg8 : memref<10240xf32, #tpu.memory_space<vmem>>) target(%dma_start3A_19 : memref<10240xf32, #tpu.memory_space<hbm>>) target_semaphore(%run_scoped3A : memref<!tpu.dma_semaphore, #tpu.memory_space<semaphore_mem>>)
      %dma_wait3A = arith.constant 0 : i32
      %dma_wait3A_20 = tpu.memref_slice %arg4[%add3A, %dma_wait3A] : memref<32x10240xf32, #tpu.memory_space<hbm>> -> memref<1x10240xf32, #tpu.memory_space<hbm>>
      %dma_wait3A_21 = tpu.memref_squeeze %dma_wait3A_20 : memref<1x10240xf32, #tpu.memory_space<hbm>> -> memref<10240xf32, #tpu.memory_space<hbm>>
      %dma_wait3A_22 = arith.constant 0 : i32
      %dma_wait3A_23 = tpu.memref_slice %arg4[%add3A, %dma_wait3A_22] : memref<32x10240xf32, #tpu.memory_space<hbm>> -> memref<1x10240xf32, #tpu.memory_space<hbm>>
      %dma_wait3A_24 = tpu.memref_squeeze %dma_wait3A_23 : memref<1x10240xf32, #tpu.memory_space<hbm>> -> memref<10240xf32, #tpu.memory_space<hbm>>
      tpu.wait_dma2 semaphore(%run_scoped3A : memref<!tpu.dma_semaphore, #tpu.memory_space<semaphore_mem>>) src(%arg8 : memref<10240xf32, #tpu.memory_space<vmem>>) dst(%dma_wait3A_24 : memref<10240xf32, #tpu.memory_space<hbm>>)
      tpu.yield
    }) : () -> ()
    "tpu.region"() ({
      %run_scoped3A = tpu.sem_alloc : memref<!tpu.dma_semaphore, #tpu.memory_space<semaphore_mem>>
      %dma_start3A = arith.constant 0 : i32
      %dma_start3A_15 = tpu.memref_slice %arg5[%add3A, %dma_start3A] : memref<32x10240xf32, #tpu.memory_space<hbm>> -> memref<1x10240xf32, #tpu.memory_space<hbm>>
      %dma_start3A_16 = tpu.memref_squeeze %dma_start3A_15 : memref<1x10240xf32, #tpu.memory_space<hbm>> -> memref<10240xf32, #tpu.memory_space<hbm>>
      %dma_start3A_17 = arith.constant 0 : i32
      %dma_start3A_18 = tpu.memref_slice %arg5[%add3A, %dma_start3A_17] : memref<32x10240xf32, #tpu.memory_space<hbm>> -> memref<1x10240xf32, #tpu.memory_space<hbm>>
      %dma_start3A_19 = tpu.memref_squeeze %dma_start3A_18 : memref<1x10240xf32, #tpu.memory_space<hbm>> -> memref<10240xf32, #tpu.memory_space<hbm>>
      tpu.enqueue_dma source(%arg9 : memref<10240xf32, #tpu.memory_space<vmem>>) target(%dma_start3A_19 : memref<10240xf32, #tpu.memory_space<hbm>>) target_semaphore(%run_scoped3A : memref<!tpu.dma_semaphore, #tpu.memory_space<semaphore_mem>>)
      %dma_wait3A = arith.constant 0 : i32
      %dma_wait3A_20 = tpu.memref_slice %arg5[%add3A, %dma_wait3A] : memref<32x10240xf32, #tpu.memory_space<hbm>> -> memref<1x10240xf32, #tpu.memory_space<hbm>>
      %dma_wait3A_21 = tpu.memref_squeeze %dma_wait3A_20 : memref<1x10240xf32, #tpu.memory_space<hbm>> -> memref<10240xf32, #tpu.memory_space<hbm>>
      %dma_wait3A_22 = arith.constant 0 : i32
      %dma_wait3A_23 = tpu.memref_slice %arg5[%add3A, %dma_wait3A_22] : memref<32x10240xf32, #tpu.memory_space<hbm>> -> memref<1x10240xf32, #tpu.memory_space<hbm>>
      %dma_wait3A_24 = tpu.memref_squeeze %dma_wait3A_23 : memref<1x10240xf32, #tpu.memory_space<hbm>> -> memref<10240xf32, #tpu.memory_space<hbm>>
      tpu.wait_dma2 semaphore(%run_scoped3A : memref<!tpu.dma_semaphore, #tpu.memory_space<semaphore_mem>>) src(%arg9 : memref<10240xf32, #tpu.memory_space<vmem>>) dst(%dma_wait3A_24 : memref<10240xf32, #tpu.memory_space<hbm>>)
      tpu.yield
    }) : () -> ()
    return
  }
}

#map = affine_map<(d0, d1) -> (0, 0)>
#map1 = affine_map<(d0, d1) -> (0, 0, 0)>
module attributes {stable_mosaic.version = 14 : i64} {
  func.func @k(%arg0: i32, %arg1: i32, %arg2: memref<10240x64xf32, #tpu.memory_space<hbm>>, %arg3: memref<32x40x128xi32, #tpu.memory_space<hbm>>, %arg4: memref<32x40x128xi32, #tpu.memory_space<hbm>>, %arg5: memref<2x10240x64xf32, #tpu.memory_space<hbm>>, %arg6: memref<40x128xi32, #tpu.memory_space<vmem>>, %arg7: memref<40x128xi32, #tpu.memory_space<vmem>>, %arg8: memref<128x64xf32, #tpu.memory_space<vmem>>, %arg9: memref<128x64xf32, #tpu.memory_space<vmem>>, %arg10: memref<10240x64xf32, #tpu.memory_space<vmem_shared>>, %arg11: memref<!tpu.dma_semaphore, #tpu.memory_space<semaphore_mem>>) attributes {dimension_semantics = [#tpu.dimension_semantics<core_parallel>, #tpu.dimension_semantics<subcore_parallel>], iteration_bounds = array<i64: 2, 16>, scalar_prefetch = 0 : i64, scratch_operands = 6 : i64, tpu.core_type = #tpu.core_type<sc_vector_subcore>, window_params = [{transform_indices = #map}, {transform_indices = #map1}, {transform_indices = #map1}, {transform_indices = #map1}]} {
    %mul3A = arith.constant 2 : i32
    %mul3A_0 = arith.muli %arg1, %mul3A : i32
    %add3A = arith.addi %mul3A_0, %arg0 : i32
    "tpu.region"() ({
      %run_scoped3A = tpu.sem_alloc : memref<!tpu.dma_semaphore, #tpu.memory_space<semaphore_mem>>
      %dma_start3A = arith.constant 0 : i32
      %dma_start3A_38 = arith.constant 0 : i32
      %dma_start3A_39 = tpu.memref_slice %arg3[%add3A, %dma_start3A, %dma_start3A_38] : memref<32x40x128xi32, #tpu.memory_space<hbm>> -> memref<1x40x128xi32, #tpu.memory_space<hbm>>
      %dma_start3A_40 = tpu.memref_squeeze %dma_start3A_39 : memref<1x40x128xi32, #tpu.memory_space<hbm>> -> memref<40x128xi32, #tpu.memory_space<hbm>>
      %dma_start3A_41 = arith.constant 0 : i32
      %dma_start3A_42 = arith.constant 0 : i32
      %dma_start3A_43 = tpu.memref_slice %arg3[%add3A, %dma_start3A_41, %dma_start3A_42] : memref<32x40x128xi32, #tpu.memory_space<hbm>> -> memref<1x40x128xi32, #tpu.memory_space<hbm>>
      %dma_start3A_44 = tpu.memref_squeeze %dma_start3A_43 : memref<1x40x128xi32, #tpu.memory_space<hbm>> -> memref<40x128xi32, #tpu.memory_space<hbm>>
      tpu.enqueue_dma source(%dma_start3A_44 : memref<40x128xi32, #tpu.memory_space<hbm>>) target(%arg6 : memref<40x128xi32, #tpu.memory_space<vmem>>) target_semaphore(%run_scoped3A : memref<!tpu.dma_semaphore, #tpu.memory_space<semaphore_mem>>)
      %dma_wait3A = arith.constant 0 : i32
      %dma_wait3A_45 = arith.constant 0 : i32
      %dma_wait3A_46 = tpu.memref_slice %arg3[%add3A, %dma_wait3A, %dma_wait3A_45] : memref<32x40x128xi32, #tpu.memory_space<hbm>> -> memref<1x40x128xi32, #tpu.memory_space<hbm>>
      %dma_wait3A_47 = tpu.memref_squeeze %dma_wait3A_46 : memref<1x40x128xi32, #tpu.memory_space<hbm>> -> memref<40x128xi32, #tpu.memory_space<hbm>>
      %dma_wait3A_48 = arith.constant 0 : i32
      %dma_wait3A_49 = arith.constant 0 : i32
      %dma_wait3A_50 = tpu.memref_slice %arg3[%add3A, %dma_wait3A_48, %dma_wait3A_49] : memref<32x40x128xi32, #tpu.memory_space<hbm>> -> memref<1x40x128xi32, #tpu.memory_space<hbm>>
      %dma_wait3A_51 = tpu.memref_squeeze %dma_wait3A_50 : memref<1x40x128xi32, #tpu.memory_space<hbm>> -> memref<40x128xi32, #tpu.memory_space<hbm>>
      tpu.wait_dma2 semaphore(%run_scoped3A : memref<!tpu.dma_semaphore, #tpu.memory_space<semaphore_mem>>) src(%dma_wait3A_51 : memref<40x128xi32, #tpu.memory_space<hbm>>) dst(%arg6 : memref<40x128xi32, #tpu.memory_space<vmem>>)
      tpu.yield
    }) : () -> ()
    "tpu.region"() ({
      %run_scoped3A = tpu.sem_alloc : memref<!tpu.dma_semaphore, #tpu.memory_space<semaphore_mem>>
      %dma_start3A = arith.constant 0 : i32
      %dma_start3A_38 = arith.constant 0 : i32
      %dma_start3A_39 = tpu.memref_slice %arg4[%add3A, %dma_start3A, %dma_start3A_38] : memref<32x40x128xi32, #tpu.memory_space<hbm>> -> memref<1x40x128xi32, #tpu.memory_space<hbm>>
      %dma_start3A_40 = tpu.memref_squeeze %dma_start3A_39 : memref<1x40x128xi32, #tpu.memory_space<hbm>> -> memref<40x128xi32, #tpu.memory_space<hbm>>
      %dma_start3A_41 = arith.constant 0 : i32
      %dma_start3A_42 = arith.constant 0 : i32
      %dma_start3A_43 = tpu.memref_slice %arg4[%add3A, %dma_start3A_41, %dma_start3A_42] : memref<32x40x128xi32, #tpu.memory_space<hbm>> -> memref<1x40x128xi32, #tpu.memory_space<hbm>>
      %dma_start3A_44 = tpu.memref_squeeze %dma_start3A_43 : memref<1x40x128xi32, #tpu.memory_space<hbm>> -> memref<40x128xi32, #tpu.memory_space<hbm>>
      tpu.enqueue_dma source(%dma_start3A_44 : memref<40x128xi32, #tpu.memory_space<hbm>>) target(%arg7 : memref<40x128xi32, #tpu.memory_space<vmem>>) target_semaphore(%run_scoped3A : memref<!tpu.dma_semaphore, #tpu.memory_space<semaphore_mem>>)
      %dma_wait3A = arith.constant 0 : i32
      %dma_wait3A_45 = arith.constant 0 : i32
      %dma_wait3A_46 = tpu.memref_slice %arg4[%add3A, %dma_wait3A, %dma_wait3A_45] : memref<32x40x128xi32, #tpu.memory_space<hbm>> -> memref<1x40x128xi32, #tpu.memory_space<hbm>>
      %dma_wait3A_47 = tpu.memref_squeeze %dma_wait3A_46 : memref<1x40x128xi32, #tpu.memory_space<hbm>> -> memref<40x128xi32, #tpu.memory_space<hbm>>
      %dma_wait3A_48 = arith.constant 0 : i32
      %dma_wait3A_49 = arith.constant 0 : i32
      %dma_wait3A_50 = tpu.memref_slice %arg4[%add3A, %dma_wait3A_48, %dma_wait3A_49] : memref<32x40x128xi32, #tpu.memory_space<hbm>> -> memref<1x40x128xi32, #tpu.memory_space<hbm>>
      %dma_wait3A_51 = tpu.memref_squeeze %dma_wait3A_50 : memref<1x40x128xi32, #tpu.memory_space<hbm>> -> memref<40x128xi32, #tpu.memory_space<hbm>>
      tpu.wait_dma2 semaphore(%run_scoped3A : memref<!tpu.dma_semaphore, #tpu.memory_space<semaphore_mem>>) src(%dma_wait3A_51 : memref<40x128xi32, #tpu.memory_space<hbm>>) dst(%arg7 : memref<40x128xi32, #tpu.memory_space<vmem>>)
      tpu.yield
    }) : () -> ()
    %broadcast_in_dim3A = arith.constant 0.000000e+00 : f32
    %broadcast_in_dim3A_1 = vector.broadcast %broadcast_in_dim3A : f32 to vector<16xf32>
    %scan3A = arith.constant 0 : i32
    %scan3A_2 = arith.constant 0 : i32
    %scan3A_3 = arith.constant 128 : i32
    %scan3A_4 = arith.addi %scan3A_2, %scan3A_3 : i32
    %scan3A_5 = arith.constant 1 : i32
    scf.for %scan3A_38 = %scan3A_2 to %scan3A_4 step %scan3A_5  : i32 {
      %swap3A = arith.index_cast %scan3A_38 : i32 to index
      %swap3A_39 = arith.constant 0 : index
      %swap3A_40 = tpu.vector_load %arg9[%swap3A, %swap3A_39] {strides = array<i32>} : memref<128x64xf32, #tpu.memory_space<vmem>>, vector<1x16xf32>,
      %swap3A_41 = vector.shape_cast %swap3A_40 : vector<1x16xf32> to vector<16xf32>
      %swap3A_42 = vector.shape_cast %broadcast_in_dim3A_1 : vector<16xf32> to vector<1x16xf32>
      tpu.vector_store %arg9[%swap3A, %swap3A_39], %swap3A_42 {strides = array<i32>} : memref<128x64xf32, #tpu.memory_space<vmem>>, vector<1x16xf32>,
      %swap3A_43 = arith.index_cast %scan3A_38 : i32 to index
      %swap3A_44 = arith.constant 16 : index
      %swap3A_45 = tpu.vector_load %arg9[%swap3A_43, %swap3A_44] {strides = array<i32>} : memref<128x64xf32, #tpu.memory_space<vmem>>, vector<1x16xf32>,
      %swap3A_46 = vector.shape_cast %swap3A_45 : vector<1x16xf32> to vector<16xf32>
      %swap3A_47 = vector.shape_cast %broadcast_in_dim3A_1 : vector<16xf32> to vector<1x16xf32>
      tpu.vector_store %arg9[%swap3A_43, %swap3A_44], %swap3A_47 {strides = array<i32>} : memref<128x64xf32, #tpu.memory_space<vmem>>, vector<1x16xf32>,
      %swap3A_48 = arith.index_cast %scan3A_38 : i32 to index
      %swap3A_49 = arith.constant 32 : index
      %swap3A_50 = tpu.vector_load %arg9[%swap3A_48, %swap3A_49] {strides = array<i32>} : memref<128x64xf32, #tpu.memory_space<vmem>>, vector<1x16xf32>,
      %swap3A_51 = vector.shape_cast %swap3A_50 : vector<1x16xf32> to vector<16xf32>
      %swap3A_52 = vector.shape_cast %broadcast_in_dim3A_1 : vector<16xf32> to vector<1x16xf32>
      tpu.vector_store %arg9[%swap3A_48, %swap3A_49], %swap3A_52 {strides = array<i32>} : memref<128x64xf32, #tpu.memory_space<vmem>>, vector<1x16xf32>,
      %swap3A_53 = arith.index_cast %scan3A_38 : i32 to index
      %swap3A_54 = arith.constant 48 : index
      %swap3A_55 = tpu.vector_load %arg9[%swap3A_53, %swap3A_54] {strides = array<i32>} : memref<128x64xf32, #tpu.memory_space<vmem>>, vector<1x16xf32>,
      %swap3A_56 = vector.shape_cast %swap3A_55 : vector<1x16xf32> to vector<16xf32>
      %swap3A_57 = vector.shape_cast %broadcast_in_dim3A_1 : vector<16xf32> to vector<1x16xf32>
      tpu.vector_store %arg9[%swap3A_53, %swap3A_54], %swap3A_57 {strides = array<i32>} : memref<128x64xf32, #tpu.memory_space<vmem>>, vector<1x16xf32>,
    }
    %scan3A_6 = arith.constant 128 : i32
    %mul3A_7 = arith.constant 640 : i32
    %mul3A_8 = arith.muli %arg1, %mul3A_7 : i32
    %add3A_9 = arith.constant 0 : i32
    %add3A_10 = arith.addi %mul3A_8, %add3A_9 : i32
    "tpu.region"() ({
      %run_scoped3A = tpu.sem_alloc : memref<!tpu.dma_semaphore, #tpu.memory_space<semaphore_mem>>
      %dma_start3A = arith.constant 0 : i32
      %dma_start3A_38 = tpu.memref_slice %arg10[%add3A_10, %dma_start3A] : memref<10240x64xf32, #tpu.memory_space<vmem_shared>> -> memref<128x64xf32, #tpu.memory_space<vmem_shared>>
      %dma_start3A_39 = arith.constant 0 : i32
      %dma_start3A_40 = tpu.memref_slice %arg10[%add3A_10, %dma_start3A_39] : memref<10240x64xf32, #tpu.memory_space<vmem_shared>> -> memref<128x64xf32, #tpu.memory_space<vmem_shared>>
      tpu.enqueue_dma source(%arg9 : memref<128x64xf32, #tpu.memory_space<vmem>>) target(%dma_start3A_40 : memref<128x64xf32, #tpu.memory_space<vmem_shared>>) target_semaphore(%run_scoped3A : memref<!tpu.dma_semaphore, #tpu.memory_space<semaphore_mem>>)
      %dma_wait3A = arith.constant 0 : i32
      %dma_wait3A_41 = tpu.memref_slice %arg10[%add3A_10, %dma_wait3A] : memref<10240x64xf32, #tpu.memory_space<vmem_shared>> -> memref<128x64xf32, #tpu.memory_space<vmem_shared>>
      %dma_wait3A_42 = arith.constant 0 : i32
      %dma_wait3A_43 = tpu.memref_slice %arg10[%add3A_10, %dma_wait3A_42] : memref<10240x64xf32, #tpu.memory_space<vmem_shared>> -> memref<128x64xf32, #tpu.memory_space<vmem_shared>>
      tpu.wait_dma2 semaphore(%run_scoped3A : memref<!tpu.dma_semaphore, #tpu.memory_space<semaphore_mem>>) src(%arg9 : memref<128x64xf32, #tpu.memory_space<vmem>>) dst(%dma_wait3A_43 : memref<128x64xf32, #tpu.memory_space<vmem_shared>>)
      tpu.yield
    }) : () -> ()
    %mul3A_11 = arith.constant 640 : i32
    %mul3A_12 = arith.muli %arg1, %mul3A_11 : i32
    %add3A_13 = arith.constant 128 : i32
    %add3A_14 = arith.addi %mul3A_12, %add3A_13 : i32
    "tpu.region"() ({
      %run_scoped3A = tpu.sem_alloc : memref<!tpu.dma_semaphore, #tpu.memory_space<semaphore_mem>>
      %dma_start3A = arith.constant 0 : i32
      %dma_start3A_38 = tpu.memref_slice %arg10[%add3A_14, %dma_start3A] : memref<10240x64xf32, #tpu.memory_space<vmem_shared>> -> memref<128x64xf32, #tpu.memory_space<vmem_shared>>
      %dma_start3A_39 = arith.constant 0 : i32
      %dma_start3A_40 = tpu.memref_slice %arg10[%add3A_14, %dma_start3A_39] : memref<10240x64xf32, #tpu.memory_space<vmem_shared>> -> memref<128x64xf32, #tpu.memory_space<vmem_shared>>
      tpu.enqueue_dma source(%arg9 : memref<128x64xf32, #tpu.memory_space<vmem>>) target(%dma_start3A_40 : memref<128x64xf32, #tpu.memory_space<vmem_shared>>) target_semaphore(%run_scoped3A : memref<!tpu.dma_semaphore, #tpu.memory_space<semaphore_mem>>)
      %dma_wait3A = arith.constant 0 : i32
      %dma_wait3A_41 = tpu.memref_slice %arg10[%add3A_14, %dma_wait3A] : memref<10240x64xf32, #tpu.memory_space<vmem_shared>> -> memref<128x64xf32, #tpu.memory_space<vmem_shared>>
      %dma_wait3A_42 = arith.constant 0 : i32
      %dma_wait3A_43 = tpu.memref_slice %arg10[%add3A_14, %dma_wait3A_42] : memref<10240x64xf32, #tpu.memory_space<vmem_shared>> -> memref<128x64xf32, #tpu.memory_space<vmem_shared>>
      tpu.wait_dma2 semaphore(%run_scoped3A : memref<!tpu.dma_semaphore, #tpu.memory_space<semaphore_mem>>) src(%arg9 : memref<128x64xf32, #tpu.memory_space<vmem>>) dst(%dma_wait3A_43 : memref<128x64xf32, #tpu.memory_space<vmem_shared>>)
      tpu.yield
    }) : () -> ()
    %mul3A_15 = arith.constant 640 : i32
    %mul3A_16 = arith.muli %arg1, %mul3A_15 : i32
    %add3A_17 = arith.constant 256 : i32
    %add3A_18 = arith.addi %mul3A_16, %add3A_17 : i32
    "tpu.region"() ({
      %run_scoped3A = tpu.sem_alloc : memref<!tpu.dma_semaphore, #tpu.memory_space<semaphore_mem>>
      %dma_start3A = arith.constant 0 : i32
      %dma_start3A_38 = tpu.memref_slice %arg10[%add3A_18, %dma_start3A] : memref<10240x64xf32, #tpu.memory_space<vmem_shared>> -> memref<128x64xf32, #tpu.memory_space<vmem_shared>>
      %dma_start3A_39 = arith.constant 0 : i32
      %dma_start3A_40 = tpu.memref_slice %arg10[%add3A_18, %dma_start3A_39] : memref<10240x64xf32, #tpu.memory_space<vmem_shared>> -> memref<128x64xf32, #tpu.memory_space<vmem_shared>>
      tpu.enqueue_dma source(%arg9 : memref<128x64xf32, #tpu.memory_space<vmem>>) target(%dma_start3A_40 : memref<128x64xf32, #tpu.memory_space<vmem_shared>>) target_semaphore(%run_scoped3A : memref<!tpu.dma_semaphore, #tpu.memory_space<semaphore_mem>>)
      %dma_wait3A = arith.constant 0 : i32
      %dma_wait3A_41 = tpu.memref_slice %arg10[%add3A_18, %dma_wait3A] : memref<10240x64xf32, #tpu.memory_space<vmem_shared>> -> memref<128x64xf32, #tpu.memory_space<vmem_shared>>
      %dma_wait3A_42 = arith.constant 0 : i32
      %dma_wait3A_43 = tpu.memref_slice %arg10[%add3A_18, %dma_wait3A_42] : memref<10240x64xf32, #tpu.memory_space<vmem_shared>> -> memref<128x64xf32, #tpu.memory_space<vmem_shared>>
      tpu.wait_dma2 semaphore(%run_scoped3A : memref<!tpu.dma_semaphore, #tpu.memory_space<semaphore_mem>>) src(%arg9 : memref<128x64xf32, #tpu.memory_space<vmem>>) dst(%dma_wait3A_43 : memref<128x64xf32, #tpu.memory_space<vmem_shared>>)
      tpu.yield
    }) : () -> ()
    %mul3A_19 = arith.constant 640 : i32
    %mul3A_20 = arith.muli %arg1, %mul3A_19 : i32
    %add3A_21 = arith.constant 384 : i32
    %add3A_22 = arith.addi %mul3A_20, %add3A_21 : i32
    "tpu.region"() ({
      %run_scoped3A = tpu.sem_alloc : memref<!tpu.dma_semaphore, #tpu.memory_space<semaphore_mem>>
      %dma_start3A = arith.constant 0 : i32
      %dma_start3A_38 = tpu.memref_slice %arg10[%add3A_22, %dma_start3A] : memref<10240x64xf32, #tpu.memory_space<vmem_shared>> -> memref<128x64xf32, #tpu.memory_space<vmem_shared>>
      %dma_start3A_39 = arith.constant 0 : i32
      %dma_start3A_40 = tpu.memref_slice %arg10[%add3A_22, %dma_start3A_39] : memref<10240x64xf32, #tpu.memory_space<vmem_shared>> -> memref<128x64xf32, #tpu.memory_space<vmem_shared>>
      tpu.enqueue_dma source(%arg9 : memref<128x64xf32, #tpu.memory_space<vmem>>) target(%dma_start3A_40 : memref<128x64xf32, #tpu.memory_space<vmem_shared>>) target_semaphore(%run_scoped3A : memref<!tpu.dma_semaphore, #tpu.memory_space<semaphore_mem>>)
      %dma_wait3A = arith.constant 0 : i32
      %dma_wait3A_41 = tpu.memref_slice %arg10[%add3A_22, %dma_wait3A] : memref<10240x64xf32, #tpu.memory_space<vmem_shared>> -> memref<128x64xf32, #tpu.memory_space<vmem_shared>>
      %dma_wait3A_42 = arith.constant 0 : i32
      %dma_wait3A_43 = tpu.memref_slice %arg10[%add3A_22, %dma_wait3A_42] : memref<10240x64xf32, #tpu.memory_space<vmem_shared>> -> memref<128x64xf32, #tpu.memory_space<vmem_shared>>
      tpu.wait_dma2 semaphore(%run_scoped3A : memref<!tpu.dma_semaphore, #tpu.memory_space<semaphore_mem>>) src(%arg9 : memref<128x64xf32, #tpu.memory_space<vmem>>) dst(%dma_wait3A_43 : memref<128x64xf32, #tpu.memory_space<vmem_shared>>)
      tpu.yield
    }) : () -> ()
    %mul3A_23 = arith.constant 640 : i32
    %mul3A_24 = arith.muli %arg1, %mul3A_23 : i32
    %add3A_25 = arith.constant 512 : i32
    %add3A_26 = arith.addi %mul3A_24, %add3A_25 : i32
    "tpu.region"() ({
      %run_scoped3A = tpu.sem_alloc : memref<!tpu.dma_semaphore, #tpu.memory_space<semaphore_mem>>
      %dma_start3A = arith.constant 0 : i32
      %dma_start3A_38 = tpu.memref_slice %arg10[%add3A_26, %dma_start3A] : memref<10240x64xf32, #tpu.memory_space<vmem_shared>> -> memref<128x64xf32, #tpu.memory_space<vmem_shared>>
      %dma_start3A_39 = arith.constant 0 : i32
      %dma_start3A_40 = tpu.memref_slice %arg10[%add3A_26, %dma_start3A_39] : memref<10240x64xf32, #tpu.memory_space<vmem_shared>> -> memref<128x64xf32, #tpu.memory_space<vmem_shared>>
      tpu.enqueue_dma source(%arg9 : memref<128x64xf32, #tpu.memory_space<vmem>>) target(%dma_start3A_40 : memref<128x64xf32, #tpu.memory_space<vmem_shared>>) target_semaphore(%run_scoped3A : memref<!tpu.dma_semaphore, #tpu.memory_space<semaphore_mem>>)
      %dma_wait3A = arith.constant 0 : i32
      %dma_wait3A_41 = tpu.memref_slice %arg10[%add3A_26, %dma_wait3A] : memref<10240x64xf32, #tpu.memory_space<vmem_shared>> -> memref<128x64xf32, #tpu.memory_space<vmem_shared>>
      %dma_wait3A_42 = arith.constant 0 : i32
      %dma_wait3A_43 = tpu.memref_slice %arg10[%add3A_26, %dma_wait3A_42] : memref<10240x64xf32, #tpu.memory_space<vmem_shared>> -> memref<128x64xf32, #tpu.memory_space<vmem_shared>>
      tpu.wait_dma2 semaphore(%run_scoped3A : memref<!tpu.dma_semaphore, #tpu.memory_space<semaphore_mem>>) src(%arg9 : memref<128x64xf32, #tpu.memory_space<vmem>>) dst(%dma_wait3A_43 : memref<128x64xf32, #tpu.memory_space<vmem_shared>>)
      tpu.yield
    }) : () -> ()
    %barrier3A = arith.constant 0 : index
    tpu.barrier barrier_id(%barrier3A)
    %scan3A_27 = arith.constant 0 : i32
    %scan3A_28 = arith.constant 0 : i32
    %scan3A_29 = arith.constant 40 : i32
    %scan3A_30 = arith.addi %scan3A_28, %scan3A_29 : i32
    %scan3A_31 = arith.constant 1 : i32
    scf.for %scan3A_38 = %scan3A_28 to %scan3A_30 step %scan3A_31  : i32 {
      %dma_start3A = arith.constant 0 : i32
      %dma_start3A_39 = tpu.memref_slice %arg6[%scan3A_38, %dma_start3A] : memref<40x128xi32, #tpu.memory_space<vmem>> -> memref<1x128xi32, #tpu.memory_space<vmem>>
      %dma_start3A_40 = tpu.memref_squeeze %dma_start3A_39 : memref<1x128xi32, #tpu.memory_space<vmem>> -> memref<128xi32, #tpu.memory_space<vmem>>
      %dma_start3A_41 = arith.constant 0 : i32
      %dma_start3A_42 = arith.constant 0 : i32
      %dma_start3A_43 = tpu.memref_slice %arg2[%dma_start3A_41, %dma_start3A_42] : memref<10240x64xf32, #tpu.memory_space<hbm>> -> memref<10240x64xf32, #tpu.memory_space<hbm>>
      tpu.enqueue_indirect_dma source(%dma_start3A_43 : memref<10240x64xf32, #tpu.memory_space<hbm>>) target(%arg8 : memref<128x64xf32, #tpu.memory_space<vmem>>) offsets(%dma_start3A_40 : memref<128xi32, #tpu.memory_space<vmem>>) semaphore(%arg11 : memref<!tpu.dma_semaphore, #tpu.memory_space<semaphore_mem>>)
      %dma_wait3A = arith.constant 0 : i32
      %dma_wait3A_44 = tpu.memref_slice %arg6[%scan3A_38, %dma_wait3A] : memref<40x128xi32, #tpu.memory_space<vmem>> -> memref<1x128xi32, #tpu.memory_space<vmem>>
      %dma_wait3A_45 = tpu.memref_squeeze %dma_wait3A_44 : memref<1x128xi32, #tpu.memory_space<vmem>> -> memref<128xi32, #tpu.memory_space<vmem>>
      %dma_wait3A_46 = arith.constant 0 : i32
      %dma_wait3A_47 = arith.constant 0 : i32
      %dma_wait3A_48 = tpu.memref_slice %arg2[%dma_wait3A_46, %dma_wait3A_47] : memref<10240x64xf32, #tpu.memory_space<hbm>> -> memref<10240x64xf32, #tpu.memory_space<hbm>>
      tpu.wait_indirect_dma semaphore(%arg11 : memref<!tpu.dma_semaphore, #tpu.memory_space<semaphore_mem>>) src(%dma_wait3A_48 : memref<10240x64xf32, #tpu.memory_space<hbm>>) dst(%arg8 : memref<128x64xf32, #tpu.memory_space<vmem>>)
      "tpu.region"() ({
        %run_scoped3A = tpu.sem_alloc : memref<!tpu.dma_semaphore, #tpu.memory_space<semaphore_mem>>
        %dma_start3A_49 = arith.constant 0 : i32
        %dma_start3A_50 = tpu.memref_slice %arg7[%scan3A_38, %dma_start3A_49] : memref<40x128xi32, #tpu.memory_space<vmem>> -> memref<1x128xi32, #tpu.memory_space<vmem>>
        %dma_start3A_51 = tpu.memref_squeeze %dma_start3A_50 : memref<1x128xi32, #tpu.memory_space<vmem>> -> memref<128xi32, #tpu.memory_space<vmem>>
        %dma_start3A_52 = arith.constant 0 : i32
        %dma_start3A_53 = arith.constant 0 : i32
        %dma_start3A_54 = tpu.memref_slice %arg10[%dma_start3A_52, %dma_start3A_53] : memref<10240x64xf32, #tpu.memory_space<vmem_shared>> -> memref<10240x64xf32, #tpu.memory_space<vmem_shared>>
        tpu.enqueue_indirect_dma source(%arg8 : memref<128x64xf32, #tpu.memory_space<vmem>>) target(%dma_start3A_54 : memref<10240x64xf32, #tpu.memory_space<vmem_shared>>) offsets(%dma_start3A_51 : memref<128xi32, #tpu.memory_space<vmem>>) semaphore(%run_scoped3A : memref<!tpu.dma_semaphore, #tpu.memory_space<semaphore_mem>>) {add = true}
        %dma_wait3A_55 = arith.constant 0 : i32
        %dma_wait3A_56 = tpu.memref_slice %arg7[%scan3A_38, %dma_wait3A_55] : memref<40x128xi32, #tpu.memory_space<vmem>> -> memref<1x128xi32, #tpu.memory_space<vmem>>
        %dma_wait3A_57 = tpu.memref_squeeze %dma_wait3A_56 : memref<1x128xi32, #tpu.memory_space<vmem>> -> memref<128xi32, #tpu.memory_space<vmem>>
        %dma_wait3A_58 = arith.constant 0 : i32
        %dma_wait3A_59 = arith.constant 0 : i32
        %dma_wait3A_60 = tpu.memref_slice %arg10[%dma_wait3A_58, %dma_wait3A_59] : memref<10240x64xf32, #tpu.memory_space<vmem_shared>> -> memref<10240x64xf32, #tpu.memory_space<vmem_shared>>
        tpu.wait_indirect_dma semaphore(%run_scoped3A : memref<!tpu.dma_semaphore, #tpu.memory_space<semaphore_mem>>) src(%arg8 : memref<128x64xf32, #tpu.memory_space<vmem>>) dst(%dma_wait3A_60 : memref<10240x64xf32, #tpu.memory_space<vmem_shared>>)
        tpu.yield
      }) : () -> ()
    }
    %scan3A_32 = arith.constant 40 : i32
    %barrier3A_33 = arith.constant 0 : index
    tpu.barrier barrier_id(%barrier3A_33)
    %mul3A_34 = arith.constant 640 : i32
    %mul3A_35 = arith.muli %arg1, %mul3A_34 : i32
    %mul3A_36 = arith.constant 640 : i32
    %mul3A_37 = arith.muli %arg1, %mul3A_36 : i32
    "tpu.region"() ({
      %run_scoped3A = tpu.sem_alloc : memref<!tpu.dma_semaphore, #tpu.memory_space<semaphore_mem>>
      %dma_start3A = arith.constant 0 : i32
      %dma_start3A_38 = tpu.memref_slice %arg5[%arg0, %mul3A_37, %dma_start3A] : memref<2x10240x64xf32, #tpu.memory_space<hbm>> -> memref<1x640x64xf32, #tpu.memory_space<hbm>>
      %dma_start3A_39 = tpu.memref_squeeze %dma_start3A_38 : memref<1x640x64xf32, #tpu.memory_space<hbm>> -> memref<640x64xf32, #tpu.memory_space<hbm>>
      %dma_start3A_40 = arith.constant 0 : i32
      %dma_start3A_41 = tpu.memref_slice %arg10[%mul3A_35, %dma_start3A_40] : memref<10240x64xf32, #tpu.memory_space<vmem_shared>> -> memref<640x64xf32, #tpu.memory_space<vmem_shared>>
      tpu.enqueue_dma source(%dma_start3A_41 : memref<640x64xf32, #tpu.memory_space<vmem_shared>>) target(%dma_start3A_39 : memref<640x64xf32, #tpu.memory_space<hbm>>) target_semaphore(%run_scoped3A : memref<!tpu.dma_semaphore, #tpu.memory_space<semaphore_mem>>)
      %dma_wait3A = arith.constant 0 : i32
      %dma_wait3A_42 = tpu.memref_slice %arg5[%arg0, %mul3A_37, %dma_wait3A] : memref<2x10240x64xf32, #tpu.memory_space<hbm>> -> memref<1x640x64xf32, #tpu.memory_space<hbm>>
      %dma_wait3A_43 = tpu.memref_squeeze %dma_wait3A_42 : memref<1x640x64xf32, #tpu.memory_space<hbm>> -> memref<640x64xf32, #tpu.memory_space<hbm>>
      %dma_wait3A_44 = arith.constant 0 : i32
      %dma_wait3A_45 = tpu.memref_slice %arg10[%mul3A_35, %dma_wait3A_44] : memref<10240x64xf32, #tpu.memory_space<vmem_shared>> -> memref<640x64xf32, #tpu.memory_space<vmem_shared>>
      tpu.wait_dma2 semaphore(%run_scoped3A : memref<!tpu.dma_semaphore, #tpu.memory_space<semaphore_mem>>) src(%dma_wait3A_45 : memref<640x64xf32, #tpu.memory_space<vmem_shared>>) dst(%dma_wait3A_43 : memref<640x64xf32, #tpu.memory_space<hbm>>)
      tpu.yield
    }) : () -> ()
    return
  }
}

#map = affine_map<(d0, d1) -> (0, 0)>
#map1 = affine_map<(d0, d1) -> (0, 0, 0)>
module attributes {stable_mosaic.version = 14 : i64} {
  func.func @k(%arg0: i32, %arg1: i32, %arg2: memref<10240x64xf32, #tpu.memory_space<hbm>>, %arg3: memref<32x40x128xi32, #tpu.memory_space<hbm>>, %arg4: memref<32x40x128xi32, #tpu.memory_space<hbm>>, %arg5: memref<2x10240x64xf32, #tpu.memory_space<hbm>>, %arg6: memref<40x128xi32, #tpu.memory_space<vmem>>, %arg7: memref<40x128xi32, #tpu.memory_space<vmem>>, %arg8: memref<128x64xf32, #tpu.memory_space<vmem>>, %arg9: memref<128x64xf32, #tpu.memory_space<vmem>>, %arg10: memref<10240x64xf32, #tpu.memory_space<vmem_shared>>, %arg11: memref<!tpu.dma_semaphore, #tpu.memory_space<semaphore_mem>>) attributes {dimension_semantics = [#tpu.dimension_semantics<core_parallel>, #tpu.dimension_semantics<subcore_parallel>], iteration_bounds = array<i64: 2, 16>, scalar_prefetch = 0 : i64, scratch_operands = 6 : i64, tpu.core_type = #tpu.core_type<sc_vector_subcore>, window_params = [{transform_indices = #map}, {transform_indices = #map1}, {transform_indices = #map1}, {transform_indices = #map1}]} {
    %mul3A = arith.constant 2 : i32
    %mul3A_0 = arith.muli %arg1, %mul3A : i32
    %add3A = arith.addi %mul3A_0, %arg0 : i32
    "tpu.region"() ({
      %run_scoped3A = tpu.sem_alloc : memref<!tpu.dma_semaphore, #tpu.memory_space<semaphore_mem>>
      %dma_start3A = arith.constant 0 : i32
      %dma_start3A_38 = arith.constant 0 : i32
      %dma_start3A_39 = tpu.memref_slice %arg3[%add3A, %dma_start3A, %dma_start3A_38] : memref<32x40x128xi32, #tpu.memory_space<hbm>> -> memref<1x40x128xi32, #tpu.memory_space<hbm>>
      %dma_start3A_40 = tpu.memref_squeeze %dma_start3A_39 : memref<1x40x128xi32, #tpu.memory_space<hbm>> -> memref<40x128xi32, #tpu.memory_space<hbm>>
      %dma_start3A_41 = arith.constant 0 : i32
      %dma_start3A_42 = arith.constant 0 : i32
      %dma_start3A_43 = tpu.memref_slice %arg3[%add3A, %dma_start3A_41, %dma_start3A_42] : memref<32x40x128xi32, #tpu.memory_space<hbm>> -> memref<1x40x128xi32, #tpu.memory_space<hbm>>
      %dma_start3A_44 = tpu.memref_squeeze %dma_start3A_43 : memref<1x40x128xi32, #tpu.memory_space<hbm>> -> memref<40x128xi32, #tpu.memory_space<hbm>>
      tpu.enqueue_dma source(%dma_start3A_44 : memref<40x128xi32, #tpu.memory_space<hbm>>) target(%arg6 : memref<40x128xi32, #tpu.memory_space<vmem>>) target_semaphore(%run_scoped3A : memref<!tpu.dma_semaphore, #tpu.memory_space<semaphore_mem>>)
      %dma_wait3A = arith.constant 0 : i32
      %dma_wait3A_45 = arith.constant 0 : i32
      %dma_wait3A_46 = tpu.memref_slice %arg3[%add3A, %dma_wait3A, %dma_wait3A_45] : memref<32x40x128xi32, #tpu.memory_space<hbm>> -> memref<1x40x128xi32, #tpu.memory_space<hbm>>
      %dma_wait3A_47 = tpu.memref_squeeze %dma_wait3A_46 : memref<1x40x128xi32, #tpu.memory_space<hbm>> -> memref<40x128xi32, #tpu.memory_space<hbm>>
      %dma_wait3A_48 = arith.constant 0 : i32
      %dma_wait3A_49 = arith.constant 0 : i32
      %dma_wait3A_50 = tpu.memref_slice %arg3[%add3A, %dma_wait3A_48, %dma_wait3A_49] : memref<32x40x128xi32, #tpu.memory_space<hbm>> -> memref<1x40x128xi32, #tpu.memory_space<hbm>>
      %dma_wait3A_51 = tpu.memref_squeeze %dma_wait3A_50 : memref<1x40x128xi32, #tpu.memory_space<hbm>> -> memref<40x128xi32, #tpu.memory_space<hbm>>
      tpu.wait_dma2 semaphore(%run_scoped3A : memref<!tpu.dma_semaphore, #tpu.memory_space<semaphore_mem>>) src(%dma_wait3A_51 : memref<40x128xi32, #tpu.memory_space<hbm>>) dst(%arg6 : memref<40x128xi32, #tpu.memory_space<vmem>>)
      tpu.yield
    }) : () -> ()
    "tpu.region"() ({
      %run_scoped3A = tpu.sem_alloc : memref<!tpu.dma_semaphore, #tpu.memory_space<semaphore_mem>>
      %dma_start3A = arith.constant 0 : i32
      %dma_start3A_38 = arith.constant 0 : i32
      %dma_start3A_39 = tpu.memref_slice %arg4[%add3A, %dma_start3A, %dma_start3A_38] : memref<32x40x128xi32, #tpu.memory_space<hbm>> -> memref<1x40x128xi32, #tpu.memory_space<hbm>>
      %dma_start3A_40 = tpu.memref_squeeze %dma_start3A_39 : memref<1x40x128xi32, #tpu.memory_space<hbm>> -> memref<40x128xi32, #tpu.memory_space<hbm>>
      %dma_start3A_41 = arith.constant 0 : i32
      %dma_start3A_42 = arith.constant 0 : i32
      %dma_start3A_43 = tpu.memref_slice %arg4[%add3A, %dma_start3A_41, %dma_start3A_42] : memref<32x40x128xi32, #tpu.memory_space<hbm>> -> memref<1x40x128xi32, #tpu.memory_space<hbm>>
      %dma_start3A_44 = tpu.memref_squeeze %dma_start3A_43 : memref<1x40x128xi32, #tpu.memory_space<hbm>> -> memref<40x128xi32, #tpu.memory_space<hbm>>
      tpu.enqueue_dma source(%dma_start3A_44 : memref<40x128xi32, #tpu.memory_space<hbm>>) target(%arg7 : memref<40x128xi32, #tpu.memory_space<vmem>>) target_semaphore(%run_scoped3A : memref<!tpu.dma_semaphore, #tpu.memory_space<semaphore_mem>>)
      %dma_wait3A = arith.constant 0 : i32
      %dma_wait3A_45 = arith.constant 0 : i32
      %dma_wait3A_46 = tpu.memref_slice %arg4[%add3A, %dma_wait3A, %dma_wait3A_45] : memref<32x40x128xi32, #tpu.memory_space<hbm>> -> memref<1x40x128xi32, #tpu.memory_space<hbm>>
      %dma_wait3A_47 = tpu.memref_squeeze %dma_wait3A_46 : memref<1x40x128xi32, #tpu.memory_space<hbm>> -> memref<40x128xi32, #tpu.memory_space<hbm>>
      %dma_wait3A_48 = arith.constant 0 : i32
      %dma_wait3A_49 = arith.constant 0 : i32
      %dma_wait3A_50 = tpu.memref_slice %arg4[%add3A, %dma_wait3A_48, %dma_wait3A_49] : memref<32x40x128xi32, #tpu.memory_space<hbm>> -> memref<1x40x128xi32, #tpu.memory_space<hbm>>
      %dma_wait3A_51 = tpu.memref_squeeze %dma_wait3A_50 : memref<1x40x128xi32, #tpu.memory_space<hbm>> -> memref<40x128xi32, #tpu.memory_space<hbm>>
      tpu.wait_dma2 semaphore(%run_scoped3A : memref<!tpu.dma_semaphore, #tpu.memory_space<semaphore_mem>>) src(%dma_wait3A_51 : memref<40x128xi32, #tpu.memory_space<hbm>>) dst(%arg7 : memref<40x128xi32, #tpu.memory_space<vmem>>)
      tpu.yield
    }) : () -> ()
    %broadcast_in_dim3A = arith.constant 0.000000e+00 : f32
    %broadcast_in_dim3A_1 = vector.broadcast %broadcast_in_dim3A : f32 to vector<16xf32>
    %scan3A = arith.constant 0 : i32
    %scan3A_2 = arith.constant 0 : i32
    %scan3A_3 = arith.constant 128 : i32
    %scan3A_4 = arith.addi %scan3A_2, %scan3A_3 : i32
    %scan3A_5 = arith.constant 1 : i32
    scf.for %scan3A_38 = %scan3A_2 to %scan3A_4 step %scan3A_5  : i32 {
      %swap3A = arith.index_cast %scan3A_38 : i32 to index
      %swap3A_39 = arith.constant 0 : index
      %swap3A_40 = tpu.vector_load %arg9[%swap3A, %swap3A_39] {strides = array<i32>} : memref<128x64xf32, #tpu.memory_space<vmem>>, vector<1x16xf32>,
      %swap3A_41 = vector.shape_cast %swap3A_40 : vector<1x16xf32> to vector<16xf32>
      %swap3A_42 = vector.shape_cast %broadcast_in_dim3A_1 : vector<16xf32> to vector<1x16xf32>
      tpu.vector_store %arg9[%swap3A, %swap3A_39], %swap3A_42 {strides = array<i32>} : memref<128x64xf32, #tpu.memory_space<vmem>>, vector<1x16xf32>,
      %swap3A_43 = arith.index_cast %scan3A_38 : i32 to index
      %swap3A_44 = arith.constant 16 : index
      %swap3A_45 = tpu.vector_load %arg9[%swap3A_43, %swap3A_44] {strides = array<i32>} : memref<128x64xf32, #tpu.memory_space<vmem>>, vector<1x16xf32>,
      %swap3A_46 = vector.shape_cast %swap3A_45 : vector<1x16xf32> to vector<16xf32>
      %swap3A_47 = vector.shape_cast %broadcast_in_dim3A_1 : vector<16xf32> to vector<1x16xf32>
      tpu.vector_store %arg9[%swap3A_43, %swap3A_44], %swap3A_47 {strides = array<i32>} : memref<128x64xf32, #tpu.memory_space<vmem>>, vector<1x16xf32>,
      %swap3A_48 = arith.index_cast %scan3A_38 : i32 to index
      %swap3A_49 = arith.constant 32 : index
      %swap3A_50 = tpu.vector_load %arg9[%swap3A_48, %swap3A_49] {strides = array<i32>} : memref<128x64xf32, #tpu.memory_space<vmem>>, vector<1x16xf32>,
      %swap3A_51 = vector.shape_cast %swap3A_50 : vector<1x16xf32> to vector<16xf32>
      %swap3A_52 = vector.shape_cast %broadcast_in_dim3A_1 : vector<16xf32> to vector<1x16xf32>
      tpu.vector_store %arg9[%swap3A_48, %swap3A_49], %swap3A_52 {strides = array<i32>} : memref<128x64xf32, #tpu.memory_space<vmem>>, vector<1x16xf32>,
      %swap3A_53 = arith.index_cast %scan3A_38 : i32 to index
      %swap3A_54 = arith.constant 48 : index
      %swap3A_55 = tpu.vector_load %arg9[%swap3A_53, %swap3A_54] {strides = array<i32>} : memref<128x64xf32, #tpu.memory_space<vmem>>, vector<1x16xf32>,
      %swap3A_56 = vector.shape_cast %swap3A_55 : vector<1x16xf32> to vector<16xf32>
      %swap3A_57 = vector.shape_cast %broadcast_in_dim3A_1 : vector<16xf32> to vector<1x16xf32>
      tpu.vector_store %arg9[%swap3A_53, %swap3A_54], %swap3A_57 {strides = array<i32>} : memref<128x64xf32, #tpu.memory_space<vmem>>, vector<1x16xf32>,
    }
    %scan3A_6 = arith.constant 128 : i32
    %mul3A_7 = arith.constant 640 : i32
    %mul3A_8 = arith.muli %arg1, %mul3A_7 : i32
    %add3A_9 = arith.constant 0 : i32
    %add3A_10 = arith.addi %mul3A_8, %add3A_9 : i32
    "tpu.region"() ({
      %run_scoped3A = tpu.sem_alloc : memref<!tpu.dma_semaphore, #tpu.memory_space<semaphore_mem>>
      %dma_start3A = arith.constant 0 : i32
      %dma_start3A_38 = tpu.memref_slice %arg10[%add3A_10, %dma_start3A] : memref<10240x64xf32, #tpu.memory_space<vmem_shared>> -> memref<128x64xf32, #tpu.memory_space<vmem_shared>>
      %dma_start3A_39 = arith.constant 0 : i32
      %dma_start3A_40 = tpu.memref_slice %arg10[%add3A_10, %dma_start3A_39] : memref<10240x64xf32, #tpu.memory_space<vmem_shared>> -> memref<128x64xf32, #tpu.memory_space<vmem_shared>>
      tpu.enqueue_dma source(%arg9 : memref<128x64xf32, #tpu.memory_space<vmem>>) target(%dma_start3A_40 : memref<128x64xf32, #tpu.memory_space<vmem_shared>>) target_semaphore(%run_scoped3A : memref<!tpu.dma_semaphore, #tpu.memory_space<semaphore_mem>>)
      %dma_wait3A = arith.constant 0 : i32
      %dma_wait3A_41 = tpu.memref_slice %arg10[%add3A_10, %dma_wait3A] : memref<10240x64xf32, #tpu.memory_space<vmem_shared>> -> memref<128x64xf32, #tpu.memory_space<vmem_shared>>
      %dma_wait3A_42 = arith.constant 0 : i32
      %dma_wait3A_43 = tpu.memref_slice %arg10[%add3A_10, %dma_wait3A_42] : memref<10240x64xf32, #tpu.memory_space<vmem_shared>> -> memref<128x64xf32, #tpu.memory_space<vmem_shared>>
      tpu.wait_dma2 semaphore(%run_scoped3A : memref<!tpu.dma_semaphore, #tpu.memory_space<semaphore_mem>>) src(%arg9 : memref<128x64xf32, #tpu.memory_space<vmem>>) dst(%dma_wait3A_43 : memref<128x64xf32, #tpu.memory_space<vmem_shared>>)
      tpu.yield
    }) : () -> ()
    %mul3A_11 = arith.constant 640 : i32
    %mul3A_12 = arith.muli %arg1, %mul3A_11 : i32
    %add3A_13 = arith.constant 128 : i32
    %add3A_14 = arith.addi %mul3A_12, %add3A_13 : i32
    "tpu.region"() ({
      %run_scoped3A = tpu.sem_alloc : memref<!tpu.dma_semaphore, #tpu.memory_space<semaphore_mem>>
      %dma_start3A = arith.constant 0 : i32
      %dma_start3A_38 = tpu.memref_slice %arg10[%add3A_14, %dma_start3A] : memref<10240x64xf32, #tpu.memory_space<vmem_shared>> -> memref<128x64xf32, #tpu.memory_space<vmem_shared>>
      %dma_start3A_39 = arith.constant 0 : i32
      %dma_start3A_40 = tpu.memref_slice %arg10[%add3A_14, %dma_start3A_39] : memref<10240x64xf32, #tpu.memory_space<vmem_shared>> -> memref<128x64xf32, #tpu.memory_space<vmem_shared>>
      tpu.enqueue_dma source(%arg9 : memref<128x64xf32, #tpu.memory_space<vmem>>) target(%dma_start3A_40 : memref<128x64xf32, #tpu.memory_space<vmem_shared>>) target_semaphore(%run_scoped3A : memref<!tpu.dma_semaphore, #tpu.memory_space<semaphore_mem>>)
      %dma_wait3A = arith.constant 0 : i32
      %dma_wait3A_41 = tpu.memref_slice %arg10[%add3A_14, %dma_wait3A] : memref<10240x64xf32, #tpu.memory_space<vmem_shared>> -> memref<128x64xf32, #tpu.memory_space<vmem_shared>>
      %dma_wait3A_42 = arith.constant 0 : i32
      %dma_wait3A_43 = tpu.memref_slice %arg10[%add3A_14, %dma_wait3A_42] : memref<10240x64xf32, #tpu.memory_space<vmem_shared>> -> memref<128x64xf32, #tpu.memory_space<vmem_shared>>
      tpu.wait_dma2 semaphore(%run_scoped3A : memref<!tpu.dma_semaphore, #tpu.memory_space<semaphore_mem>>) src(%arg9 : memref<128x64xf32, #tpu.memory_space<vmem>>) dst(%dma_wait3A_43 : memref<128x64xf32, #tpu.memory_space<vmem_shared>>)
      tpu.yield
    }) : () -> ()
    %mul3A_15 = arith.constant 640 : i32
    %mul3A_16 = arith.muli %arg1, %mul3A_15 : i32
    %add3A_17 = arith.constant 256 : i32
    %add3A_18 = arith.addi %mul3A_16, %add3A_17 : i32
    "tpu.region"() ({
      %run_scoped3A = tpu.sem_alloc : memref<!tpu.dma_semaphore, #tpu.memory_space<semaphore_mem>>
      %dma_start3A = arith.constant 0 : i32
      %dma_start3A_38 = tpu.memref_slice %arg10[%add3A_18, %dma_start3A] : memref<10240x64xf32, #tpu.memory_space<vmem_shared>> -> memref<128x64xf32, #tpu.memory_space<vmem_shared>>
      %dma_start3A_39 = arith.constant 0 : i32
      %dma_start3A_40 = tpu.memref_slice %arg10[%add3A_18, %dma_start3A_39] : memref<10240x64xf32, #tpu.memory_space<vmem_shared>> -> memref<128x64xf32, #tpu.memory_space<vmem_shared>>
      tpu.enqueue_dma source(%arg9 : memref<128x64xf32, #tpu.memory_space<vmem>>) target(%dma_start3A_40 : memref<128x64xf32, #tpu.memory_space<vmem_shared>>) target_semaphore(%run_scoped3A : memref<!tpu.dma_semaphore, #tpu.memory_space<semaphore_mem>>)
      %dma_wait3A = arith.constant 0 : i32
      %dma_wait3A_41 = tpu.memref_slice %arg10[%add3A_18, %dma_wait3A] : memref<10240x64xf32, #tpu.memory_space<vmem_shared>> -> memref<128x64xf32, #tpu.memory_space<vmem_shared>>
      %dma_wait3A_42 = arith.constant 0 : i32
      %dma_wait3A_43 = tpu.memref_slice %arg10[%add3A_18, %dma_wait3A_42] : memref<10240x64xf32, #tpu.memory_space<vmem_shared>> -> memref<128x64xf32, #tpu.memory_space<vmem_shared>>
      tpu.wait_dma2 semaphore(%run_scoped3A : memref<!tpu.dma_semaphore, #tpu.memory_space<semaphore_mem>>) src(%arg9 : memref<128x64xf32, #tpu.memory_space<vmem>>) dst(%dma_wait3A_43 : memref<128x64xf32, #tpu.memory_space<vmem_shared>>)
      tpu.yield
    }) : () -> ()
    %mul3A_19 = arith.constant 640 : i32
    %mul3A_20 = arith.muli %arg1, %mul3A_19 : i32
    %add3A_21 = arith.constant 384 : i32
    %add3A_22 = arith.addi %mul3A_20, %add3A_21 : i32
    "tpu.region"() ({
      %run_scoped3A = tpu.sem_alloc : memref<!tpu.dma_semaphore, #tpu.memory_space<semaphore_mem>>
      %dma_start3A = arith.constant 0 : i32
      %dma_start3A_38 = tpu.memref_slice %arg10[%add3A_22, %dma_start3A] : memref<10240x64xf32, #tpu.memory_space<vmem_shared>> -> memref<128x64xf32, #tpu.memory_space<vmem_shared>>
      %dma_start3A_39 = arith.constant 0 : i32
      %dma_start3A_40 = tpu.memref_slice %arg10[%add3A_22, %dma_start3A_39] : memref<10240x64xf32, #tpu.memory_space<vmem_shared>> -> memref<128x64xf32, #tpu.memory_space<vmem_shared>>
      tpu.enqueue_dma source(%arg9 : memref<128x64xf32, #tpu.memory_space<vmem>>) target(%dma_start3A_40 : memref<128x64xf32, #tpu.memory_space<vmem_shared>>) target_semaphore(%run_scoped3A : memref<!tpu.dma_semaphore, #tpu.memory_space<semaphore_mem>>)
      %dma_wait3A = arith.constant 0 : i32
      %dma_wait3A_41 = tpu.memref_slice %arg10[%add3A_22, %dma_wait3A] : memref<10240x64xf32, #tpu.memory_space<vmem_shared>> -> memref<128x64xf32, #tpu.memory_space<vmem_shared>>
      %dma_wait3A_42 = arith.constant 0 : i32
      %dma_wait3A_43 = tpu.memref_slice %arg10[%add3A_22, %dma_wait3A_42] : memref<10240x64xf32, #tpu.memory_space<vmem_shared>> -> memref<128x64xf32, #tpu.memory_space<vmem_shared>>
      tpu.wait_dma2 semaphore(%run_scoped3A : memref<!tpu.dma_semaphore, #tpu.memory_space<semaphore_mem>>) src(%arg9 : memref<128x64xf32, #tpu.memory_space<vmem>>) dst(%dma_wait3A_43 : memref<128x64xf32, #tpu.memory_space<vmem_shared>>)
      tpu.yield
    }) : () -> ()
    %mul3A_23 = arith.constant 640 : i32
    %mul3A_24 = arith.muli %arg1, %mul3A_23 : i32
    %add3A_25 = arith.constant 512 : i32
    %add3A_26 = arith.addi %mul3A_24, %add3A_25 : i32
    "tpu.region"() ({
      %run_scoped3A = tpu.sem_alloc : memref<!tpu.dma_semaphore, #tpu.memory_space<semaphore_mem>>
      %dma_start3A = arith.constant 0 : i32
      %dma_start3A_38 = tpu.memref_slice %arg10[%add3A_26, %dma_start3A] : memref<10240x64xf32, #tpu.memory_space<vmem_shared>> -> memref<128x64xf32, #tpu.memory_space<vmem_shared>>
      %dma_start3A_39 = arith.constant 0 : i32
      %dma_start3A_40 = tpu.memref_slice %arg10[%add3A_26, %dma_start3A_39] : memref<10240x64xf32, #tpu.memory_space<vmem_shared>> -> memref<128x64xf32, #tpu.memory_space<vmem_shared>>
      tpu.enqueue_dma source(%arg9 : memref<128x64xf32, #tpu.memory_space<vmem>>) target(%dma_start3A_40 : memref<128x64xf32, #tpu.memory_space<vmem_shared>>) target_semaphore(%run_scoped3A : memref<!tpu.dma_semaphore, #tpu.memory_space<semaphore_mem>>)
      %dma_wait3A = arith.constant 0 : i32
      %dma_wait3A_41 = tpu.memref_slice %arg10[%add3A_26, %dma_wait3A] : memref<10240x64xf32, #tpu.memory_space<vmem_shared>> -> memref<128x64xf32, #tpu.memory_space<vmem_shared>>
      %dma_wait3A_42 = arith.constant 0 : i32
      %dma_wait3A_43 = tpu.memref_slice %arg10[%add3A_26, %dma_wait3A_42] : memref<10240x64xf32, #tpu.memory_space<vmem_shared>> -> memref<128x64xf32, #tpu.memory_space<vmem_shared>>
      tpu.wait_dma2 semaphore(%run_scoped3A : memref<!tpu.dma_semaphore, #tpu.memory_space<semaphore_mem>>) src(%arg9 : memref<128x64xf32, #tpu.memory_space<vmem>>) dst(%dma_wait3A_43 : memref<128x64xf32, #tpu.memory_space<vmem_shared>>)
      tpu.yield
    }) : () -> ()
    %barrier3A = arith.constant 0 : index
    tpu.barrier barrier_id(%barrier3A)
    %scan3A_27 = arith.constant 0 : i32
    %scan3A_28 = arith.constant 0 : i32
    %scan3A_29 = arith.constant 40 : i32
    %scan3A_30 = arith.addi %scan3A_28, %scan3A_29 : i32
    %scan3A_31 = arith.constant 1 : i32
    scf.for %scan3A_38 = %scan3A_28 to %scan3A_30 step %scan3A_31  : i32 {
      %dma_start3A = arith.constant 0 : i32
      %dma_start3A_39 = tpu.memref_slice %arg6[%scan3A_38, %dma_start3A] : memref<40x128xi32, #tpu.memory_space<vmem>> -> memref<1x128xi32, #tpu.memory_space<vmem>>
      %dma_start3A_40 = tpu.memref_squeeze %dma_start3A_39 : memref<1x128xi32, #tpu.memory_space<vmem>> -> memref<128xi32, #tpu.memory_space<vmem>>
      %dma_start3A_41 = arith.constant 0 : i32
      %dma_start3A_42 = arith.constant 0 : i32
      %dma_start3A_43 = tpu.memref_slice %arg2[%dma_start3A_41, %dma_start3A_42] : memref<10240x64xf32, #tpu.memory_space<hbm>> -> memref<10240x64xf32, #tpu.memory_space<hbm>>
      tpu.enqueue_indirect_dma source(%dma_start3A_43 : memref<10240x64xf32, #tpu.memory_space<hbm>>) target(%arg8 : memref<128x64xf32, #tpu.memory_space<vmem>>) offsets(%dma_start3A_40 : memref<128xi32, #tpu.memory_space<vmem>>) semaphore(%arg11 : memref<!tpu.dma_semaphore, #tpu.memory_space<semaphore_mem>>)
      %dma_wait3A = arith.constant 0 : i32
      %dma_wait3A_44 = tpu.memref_slice %arg6[%scan3A_38, %dma_wait3A] : memref<40x128xi32, #tpu.memory_space<vmem>> -> memref<1x128xi32, #tpu.memory_space<vmem>>
      %dma_wait3A_45 = tpu.memref_squeeze %dma_wait3A_44 : memref<1x128xi32, #tpu.memory_space<vmem>> -> memref<128xi32, #tpu.memory_space<vmem>>
      %dma_wait3A_46 = arith.constant 0 : i32
      %dma_wait3A_47 = arith.constant 0 : i32
      %dma_wait3A_48 = tpu.memref_slice %arg2[%dma_wait3A_46, %dma_wait3A_47] : memref<10240x64xf32, #tpu.memory_space<hbm>> -> memref<10240x64xf32, #tpu.memory_space<hbm>>
      tpu.wait_indirect_dma semaphore(%arg11 : memref<!tpu.dma_semaphore, #tpu.memory_space<semaphore_mem>>) src(%dma_wait3A_48 : memref<10240x64xf32, #tpu.memory_space<hbm>>) dst(%arg8 : memref<128x64xf32, #tpu.memory_space<vmem>>)
      "tpu.region"() ({
        %run_scoped3A = tpu.sem_alloc : memref<!tpu.dma_semaphore, #tpu.memory_space<semaphore_mem>>
        %dma_start3A_49 = arith.constant 0 : i32
        %dma_start3A_50 = tpu.memref_slice %arg7[%scan3A_38, %dma_start3A_49] : memref<40x128xi32, #tpu.memory_space<vmem>> -> memref<1x128xi32, #tpu.memory_space<vmem>>
        %dma_start3A_51 = tpu.memref_squeeze %dma_start3A_50 : memref<1x128xi32, #tpu.memory_space<vmem>> -> memref<128xi32, #tpu.memory_space<vmem>>
        %dma_start3A_52 = arith.constant 0 : i32
        %dma_start3A_53 = arith.constant 0 : i32
        %dma_start3A_54 = tpu.memref_slice %arg10[%dma_start3A_52, %dma_start3A_53] : memref<10240x64xf32, #tpu.memory_space<vmem_shared>> -> memref<10240x64xf32, #tpu.memory_space<vmem_shared>>
        tpu.enqueue_indirect_dma source(%arg8 : memref<128x64xf32, #tpu.memory_space<vmem>>) target(%dma_start3A_54 : memref<10240x64xf32, #tpu.memory_space<vmem_shared>>) offsets(%dma_start3A_51 : memref<128xi32, #tpu.memory_space<vmem>>) semaphore(%run_scoped3A : memref<!tpu.dma_semaphore, #tpu.memory_space<semaphore_mem>>) {add = true}
        %dma_wait3A_55 = arith.constant 0 : i32
        %dma_wait3A_56 = tpu.memref_slice %arg7[%scan3A_38, %dma_wait3A_55] : memref<40x128xi32, #tpu.memory_space<vmem>> -> memref<1x128xi32, #tpu.memory_space<vmem>>
        %dma_wait3A_57 = tpu.memref_squeeze %dma_wait3A_56 : memref<1x128xi32, #tpu.memory_space<vmem>> -> memref<128xi32, #tpu.memory_space<vmem>>
        %dma_wait3A_58 = arith.constant 0 : i32
        %dma_wait3A_59 = arith.constant 0 : i32
        %dma_wait3A_60 = tpu.memref_slice %arg10[%dma_wait3A_58, %dma_wait3A_59] : memref<10240x64xf32, #tpu.memory_space<vmem_shared>> -> memref<10240x64xf32, #tpu.memory_space<vmem_shared>>
        tpu.wait_indirect_dma semaphore(%run_scoped3A : memref<!tpu.dma_semaphore, #tpu.memory_space<semaphore_mem>>) src(%arg8 : memref<128x64xf32, #tpu.memory_space<vmem>>) dst(%dma_wait3A_60 : memref<10240x64xf32, #tpu.memory_space<vmem_shared>>)
        tpu.yield
      }) : () -> ()
    }
    %scan3A_32 = arith.constant 40 : i32
    %barrier3A_33 = arith.constant 0 : index
    tpu.barrier barrier_id(%barrier3A_33)
    %mul3A_34 = arith.constant 640 : i32
    %mul3A_35 = arith.muli %arg1, %mul3A_34 : i32
    %mul3A_36 = arith.constant 640 : i32
    %mul3A_37 = arith.muli %arg1, %mul3A_36 : i32
    "tpu.region"() ({
      %run_scoped3A = tpu.sem_alloc : memref<!tpu.dma_semaphore, #tpu.memory_space<semaphore_mem>>
      %dma_start3A = arith.constant 0 : i32
      %dma_start3A_38 = tpu.memref_slice %arg5[%arg0, %mul3A_37, %dma_start3A] : memref<2x10240x64xf32, #tpu.memory_space<hbm>> -> memref<1x640x64xf32, #tpu.memory_space<hbm>>
      %dma_start3A_39 = tpu.memref_squeeze %dma_start3A_38 : memref<1x640x64xf32, #tpu.memory_space<hbm>> -> memref<640x64xf32, #tpu.memory_space<hbm>>
      %dma_start3A_40 = arith.constant 0 : i32
      %dma_start3A_41 = tpu.memref_slice %arg10[%mul3A_35, %dma_start3A_40] : memref<10240x64xf32, #tpu.memory_space<vmem_shared>> -> memref<640x64xf32, #tpu.memory_space<vmem_shared>>
      tpu.enqueue_dma source(%dma_start3A_41 : memref<640x64xf32, #tpu.memory_space<vmem_shared>>) target(%dma_start3A_39 : memref<640x64xf32, #tpu.memory_space<hbm>>) target_semaphore(%run_scoped3A : memref<!tpu.dma_semaphore, #tpu.memory_space<semaphore_mem>>)
      %dma_wait3A = arith.constant 0 : i32
      %dma_wait3A_42 = tpu.memref_slice %arg5[%arg0, %mul3A_37, %dma_wait3A] : memref<2x10240x64xf32, #tpu.memory_space<hbm>> -> memref<1x640x64xf32, #tpu.memory_space<hbm>>
      %dma_wait3A_43 = tpu.memref_squeeze %dma_wait3A_42 : memref<1x640x64xf32, #tpu.memory_space<hbm>> -> memref<640x64xf32, #tpu.memory_space<hbm>>
      %dma_wait3A_44 = arith.constant 0 : i32
      %dma_wait3A_45 = tpu.memref_slice %arg10[%mul3A_35, %dma_wait3A_44] : memref<10240x64xf32, #tpu.memory_space<vmem_shared>> -> memref<640x64xf32, #tpu.memory_space<vmem_shared>>
      tpu.wait_dma2 semaphore(%run_scoped3A : memref<!tpu.dma_semaphore, #tpu.memory_space<semaphore_mem>>) src(%dma_wait3A_45 : memref<640x64xf32, #tpu.memory_space<vmem_shared>>) dst(%dma_wait3A_43 : memref<640x64xf32, #tpu.memory_space<hbm>>)
      tpu.yield
    }) : () -> ()
    return
  }
}

#map = affine_map<(d0, d1) -> (0, 0)>
#map1 = affine_map<(d0, d1) -> (0, 0, 0)>
module attributes {stable_mosaic.version = 14 : i64} {
  func.func @k(%arg0: i32, %arg1: i32, %arg2: memref<10240x128xf32, #tpu.memory_space<hbm>>, %arg3: memref<32x40x128xi32, #tpu.memory_space<hbm>>, %arg4: memref<32x40x128xi32, #tpu.memory_space<hbm>>, %arg5: memref<2x10240x128xf32, #tpu.memory_space<hbm>>, %arg6: memref<40x128xi32, #tpu.memory_space<vmem>>, %arg7: memref<40x128xi32, #tpu.memory_space<vmem>>, %arg8: memref<128x128xf32, #tpu.memory_space<vmem>>, %arg9: memref<128x128xf32, #tpu.memory_space<vmem>>, %arg10: memref<10240x128xf32, #tpu.memory_space<vmem_shared>>, %arg11: memref<!tpu.dma_semaphore, #tpu.memory_space<semaphore_mem>>) attributes {dimension_semantics = [#tpu.dimension_semantics<core_parallel>, #tpu.dimension_semantics<subcore_parallel>], iteration_bounds = array<i64: 2, 16>, scalar_prefetch = 0 : i64, scratch_operands = 6 : i64, tpu.core_type = #tpu.core_type<sc_vector_subcore>, window_params = [{transform_indices = #map}, {transform_indices = #map1}, {transform_indices = #map1}, {transform_indices = #map1}]} {
    %mul3A = arith.constant 2 : i32
    %mul3A_0 = arith.muli %arg1, %mul3A : i32
    %add3A = arith.addi %mul3A_0, %arg0 : i32
    "tpu.region"() ({
      %run_scoped3A = tpu.sem_alloc : memref<!tpu.dma_semaphore, #tpu.memory_space<semaphore_mem>>
      %dma_start3A = arith.constant 0 : i32
      %dma_start3A_38 = arith.constant 0 : i32
      %dma_start3A_39 = tpu.memref_slice %arg3[%add3A, %dma_start3A, %dma_start3A_38] : memref<32x40x128xi32, #tpu.memory_space<hbm>> -> memref<1x40x128xi32, #tpu.memory_space<hbm>>
      %dma_start3A_40 = tpu.memref_squeeze %dma_start3A_39 : memref<1x40x128xi32, #tpu.memory_space<hbm>> -> memref<40x128xi32, #tpu.memory_space<hbm>>
      %dma_start3A_41 = arith.constant 0 : i32
      %dma_start3A_42 = arith.constant 0 : i32
      %dma_start3A_43 = tpu.memref_slice %arg3[%add3A, %dma_start3A_41, %dma_start3A_42] : memref<32x40x128xi32, #tpu.memory_space<hbm>> -> memref<1x40x128xi32, #tpu.memory_space<hbm>>
      %dma_start3A_44 = tpu.memref_squeeze %dma_start3A_43 : memref<1x40x128xi32, #tpu.memory_space<hbm>> -> memref<40x128xi32, #tpu.memory_space<hbm>>
      tpu.enqueue_dma source(%dma_start3A_44 : memref<40x128xi32, #tpu.memory_space<hbm>>) target(%arg6 : memref<40x128xi32, #tpu.memory_space<vmem>>) target_semaphore(%run_scoped3A : memref<!tpu.dma_semaphore, #tpu.memory_space<semaphore_mem>>)
      %dma_wait3A = arith.constant 0 : i32
      %dma_wait3A_45 = arith.constant 0 : i32
      %dma_wait3A_46 = tpu.memref_slice %arg3[%add3A, %dma_wait3A, %dma_wait3A_45] : memref<32x40x128xi32, #tpu.memory_space<hbm>> -> memref<1x40x128xi32, #tpu.memory_space<hbm>>
      %dma_wait3A_47 = tpu.memref_squeeze %dma_wait3A_46 : memref<1x40x128xi32, #tpu.memory_space<hbm>> -> memref<40x128xi32, #tpu.memory_space<hbm>>
      %dma_wait3A_48 = arith.constant 0 : i32
      %dma_wait3A_49 = arith.constant 0 : i32
      %dma_wait3A_50 = tpu.memref_slice %arg3[%add3A, %dma_wait3A_48, %dma_wait3A_49] : memref<32x40x128xi32, #tpu.memory_space<hbm>> -> memref<1x40x128xi32, #tpu.memory_space<hbm>>
      %dma_wait3A_51 = tpu.memref_squeeze %dma_wait3A_50 : memref<1x40x128xi32, #tpu.memory_space<hbm>> -> memref<40x128xi32, #tpu.memory_space<hbm>>
      tpu.wait_dma2 semaphore(%run_scoped3A : memref<!tpu.dma_semaphore, #tpu.memory_space<semaphore_mem>>) src(%dma_wait3A_51 : memref<40x128xi32, #tpu.memory_space<hbm>>) dst(%arg6 : memref<40x128xi32, #tpu.memory_space<vmem>>)
      tpu.yield
    }) : () -> ()
    "tpu.region"() ({
      %run_scoped3A = tpu.sem_alloc : memref<!tpu.dma_semaphore, #tpu.memory_space<semaphore_mem>>
      %dma_start3A = arith.constant 0 : i32
      %dma_start3A_38 = arith.constant 0 : i32
      %dma_start3A_39 = tpu.memref_slice %arg4[%add3A, %dma_start3A, %dma_start3A_38] : memref<32x40x128xi32, #tpu.memory_space<hbm>> -> memref<1x40x128xi32, #tpu.memory_space<hbm>>
      %dma_start3A_40 = tpu.memref_squeeze %dma_start3A_39 : memref<1x40x128xi32, #tpu.memory_space<hbm>> -> memref<40x128xi32, #tpu.memory_space<hbm>>
      %dma_start3A_41 = arith.constant 0 : i32
      %dma_start3A_42 = arith.constant 0 : i32
      %dma_start3A_43 = tpu.memref_slice %arg4[%add3A, %dma_start3A_41, %dma_start3A_42] : memref<32x40x128xi32, #tpu.memory_space<hbm>> -> memref<1x40x128xi32, #tpu.memory_space<hbm>>
      %dma_start3A_44 = tpu.memref_squeeze %dma_start3A_43 : memref<1x40x128xi32, #tpu.memory_space<hbm>> -> memref<40x128xi32, #tpu.memory_space<hbm>>
      tpu.enqueue_dma source(%dma_start3A_44 : memref<40x128xi32, #tpu.memory_space<hbm>>) target(%arg7 : memref<40x128xi32, #tpu.memory_space<vmem>>) target_semaphore(%run_scoped3A : memref<!tpu.dma_semaphore, #tpu.memory_space<semaphore_mem>>)
      %dma_wait3A = arith.constant 0 : i32
      %dma_wait3A_45 = arith.constant 0 : i32
      %dma_wait3A_46 = tpu.memref_slice %arg4[%add3A, %dma_wait3A, %dma_wait3A_45] : memref<32x40x128xi32, #tpu.memory_space<hbm>> -> memref<1x40x128xi32, #tpu.memory_space<hbm>>
      %dma_wait3A_47 = tpu.memref_squeeze %dma_wait3A_46 : memref<1x40x128xi32, #tpu.memory_space<hbm>> -> memref<40x128xi32, #tpu.memory_space<hbm>>
      %dma_wait3A_48 = arith.constant 0 : i32
      %dma_wait3A_49 = arith.constant 0 : i32
      %dma_wait3A_50 = tpu.memref_slice %arg4[%add3A, %dma_wait3A_48, %dma_wait3A_49] : memref<32x40x128xi32, #tpu.memory_space<hbm>> -> memref<1x40x128xi32, #tpu.memory_space<hbm>>
      %dma_wait3A_51 = tpu.memref_squeeze %dma_wait3A_50 : memref<1x40x128xi32, #tpu.memory_space<hbm>> -> memref<40x128xi32, #tpu.memory_space<hbm>>
      tpu.wait_dma2 semaphore(%run_scoped3A : memref<!tpu.dma_semaphore, #tpu.memory_space<semaphore_mem>>) src(%dma_wait3A_51 : memref<40x128xi32, #tpu.memory_space<hbm>>) dst(%arg7 : memref<40x128xi32, #tpu.memory_space<vmem>>)
      tpu.yield
    }) : () -> ()
    %broadcast_in_dim3A = arith.constant 0.000000e+00 : f32
    %broadcast_in_dim3A_1 = vector.broadcast %broadcast_in_dim3A : f32 to vector<16xf32>
    %scan3A = arith.constant 0 : i32
    %scan3A_2 = arith.constant 0 : i32
    %scan3A_3 = arith.constant 128 : i32
    %scan3A_4 = arith.addi %scan3A_2, %scan3A_3 : i32
    %scan3A_5 = arith.constant 1 : i32
    scf.for %scan3A_38 = %scan3A_2 to %scan3A_4 step %scan3A_5  : i32 {
      %swap3A = arith.index_cast %scan3A_38 : i32 to index
      %swap3A_39 = arith.constant 0 : index
      %swap3A_40 = tpu.vector_load %arg9[%swap3A, %swap3A_39] {strides = array<i32>} : memref<128x128xf32, #tpu.memory_space<vmem>>, vector<1x16xf32>,
      %swap3A_41 = vector.shape_cast %swap3A_40 : vector<1x16xf32> to vector<16xf32>
      %swap3A_42 = vector.shape_cast %broadcast_in_dim3A_1 : vector<16xf32> to vector<1x16xf32>
      tpu.vector_store %arg9[%swap3A, %swap3A_39], %swap3A_42 {strides = array<i32>} : memref<128x128xf32, #tpu.memory_space<vmem>>, vector<1x16xf32>,
      %swap3A_43 = arith.index_cast %scan3A_38 : i32 to index
      %swap3A_44 = arith.constant 16 : index
      %swap3A_45 = tpu.vector_load %arg9[%swap3A_43, %swap3A_44] {strides = array<i32>} : memref<128x128xf32, #tpu.memory_space<vmem>>, vector<1x16xf32>,
      %swap3A_46 = vector.shape_cast %swap3A_45 : vector<1x16xf32> to vector<16xf32>
      %swap3A_47 = vector.shape_cast %broadcast_in_dim3A_1 : vector<16xf32> to vector<1x16xf32>
      tpu.vector_store %arg9[%swap3A_43, %swap3A_44], %swap3A_47 {strides = array<i32>} : memref<128x128xf32, #tpu.memory_space<vmem>>, vector<1x16xf32>,
      %swap3A_48 = arith.index_cast %scan3A_38 : i32 to index
      %swap3A_49 = arith.constant 32 : index
      %swap3A_50 = tpu.vector_load %arg9[%swap3A_48, %swap3A_49] {strides = array<i32>} : memref<128x128xf32, #tpu.memory_space<vmem>>, vector<1x16xf32>,
      %swap3A_51 = vector.shape_cast %swap3A_50 : vector<1x16xf32> to vector<16xf32>
      %swap3A_52 = vector.shape_cast %broadcast_in_dim3A_1 : vector<16xf32> to vector<1x16xf32>
      tpu.vector_store %arg9[%swap3A_48, %swap3A_49], %swap3A_52 {strides = array<i32>} : memref<128x128xf32, #tpu.memory_space<vmem>>, vector<1x16xf32>,
      %swap3A_53 = arith.index_cast %scan3A_38 : i32 to index
      %swap3A_54 = arith.constant 48 : index
      %swap3A_55 = tpu.vector_load %arg9[%swap3A_53, %swap3A_54] {strides = array<i32>} : memref<128x128xf32, #tpu.memory_space<vmem>>, vector<1x16xf32>,
      %swap3A_56 = vector.shape_cast %swap3A_55 : vector<1x16xf32> to vector<16xf32>
      %swap3A_57 = vector.shape_cast %broadcast_in_dim3A_1 : vector<16xf32> to vector<1x16xf32>
      tpu.vector_store %arg9[%swap3A_53, %swap3A_54], %swap3A_57 {strides = array<i32>} : memref<128x128xf32, #tpu.memory_space<vmem>>, vector<1x16xf32>,
      %swap3A_58 = arith.index_cast %scan3A_38 : i32 to index
      %swap3A_59 = arith.constant 64 : index
      %swap3A_60 = tpu.vector_load %arg9[%swap3A_58, %swap3A_59] {strides = array<i32>} : memref<128x128xf32, #tpu.memory_space<vmem>>, vector<1x16xf32>,
      %swap3A_61 = vector.shape_cast %swap3A_60 : vector<1x16xf32> to vector<16xf32>
      %swap3A_62 = vector.shape_cast %broadcast_in_dim3A_1 : vector<16xf32> to vector<1x16xf32>
      tpu.vector_store %arg9[%swap3A_58, %swap3A_59], %swap3A_62 {strides = array<i32>} : memref<128x128xf32, #tpu.memory_space<vmem>>, vector<1x16xf32>,
      %swap3A_63 = arith.index_cast %scan3A_38 : i32 to index
      %swap3A_64 = arith.constant 80 : index
      %swap3A_65 = tpu.vector_load %arg9[%swap3A_63, %swap3A_64] {strides = array<i32>} : memref<128x128xf32, #tpu.memory_space<vmem>>, vector<1x16xf32>,
      %swap3A_66 = vector.shape_cast %swap3A_65 : vector<1x16xf32> to vector<16xf32>
      %swap3A_67 = vector.shape_cast %broadcast_in_dim3A_1 : vector<16xf32> to vector<1x16xf32>
      tpu.vector_store %arg9[%swap3A_63, %swap3A_64], %swap3A_67 {strides = array<i32>} : memref<128x128xf32, #tpu.memory_space<vmem>>, vector<1x16xf32>,
      %swap3A_68 = arith.index_cast %scan3A_38 : i32 to index
      %swap3A_69 = arith.constant 96 : index
      %swap3A_70 = tpu.vector_load %arg9[%swap3A_68, %swap3A_69] {strides = array<i32>} : memref<128x128xf32, #tpu.memory_space<vmem>>, vector<1x16xf32>,
      %swap3A_71 = vector.shape_cast %swap3A_70 : vector<1x16xf32> to vector<16xf32>
      %swap3A_72 = vector.shape_cast %broadcast_in_dim3A_1 : vector<16xf32> to vector<1x16xf32>
      tpu.vector_store %arg9[%swap3A_68, %swap3A_69], %swap3A_72 {strides = array<i32>} : memref<128x128xf32, #tpu.memory_space<vmem>>, vector<1x16xf32>,
      %swap3A_73 = arith.index_cast %scan3A_38 : i32 to index
      %swap3A_74 = arith.constant 112 : index
      %swap3A_75 = tpu.vector_load %arg9[%swap3A_73, %swap3A_74] {strides = array<i32>} : memref<128x128xf32, #tpu.memory_space<vmem>>, vector<1x16xf32>,
      %swap3A_76 = vector.shape_cast %swap3A_75 : vector<1x16xf32> to vector<16xf32>
      %swap3A_77 = vector.shape_cast %broadcast_in_dim3A_1 : vector<16xf32> to vector<1x16xf32>
      tpu.vector_store %arg9[%swap3A_73, %swap3A_74], %swap3A_77 {strides = array<i32>} : memref<128x128xf32, #tpu.memory_space<vmem>>, vector<1x16xf32>,
    }
    %scan3A_6 = arith.constant 128 : i32
    %mul3A_7 = arith.constant 640 : i32
    %mul3A_8 = arith.muli %arg1, %mul3A_7 : i32
    %add3A_9 = arith.constant 0 : i32
    %add3A_10 = arith.addi %mul3A_8, %add3A_9 : i32
    "tpu.region"() ({
      %run_scoped3A = tpu.sem_alloc : memref<!tpu.dma_semaphore, #tpu.memory_space<semaphore_mem>>
      %dma_start3A = arith.constant 0 : i32
      %dma_start3A_38 = tpu.memref_slice %arg10[%add3A_10, %dma_start3A] : memref<10240x128xf32, #tpu.memory_space<vmem_shared>> -> memref<128x128xf32, #tpu.memory_space<vmem_shared>>
      %dma_start3A_39 = arith.constant 0 : i32
      %dma_start3A_40 = tpu.memref_slice %arg10[%add3A_10, %dma_start3A_39] : memref<10240x128xf32, #tpu.memory_space<vmem_shared>> -> memref<128x128xf32, #tpu.memory_space<vmem_shared>>
      tpu.enqueue_dma source(%arg9 : memref<128x128xf32, #tpu.memory_space<vmem>>) target(%dma_start3A_40 : memref<128x128xf32, #tpu.memory_space<vmem_shared>>) target_semaphore(%run_scoped3A : memref<!tpu.dma_semaphore, #tpu.memory_space<semaphore_mem>>)
      %dma_wait3A = arith.constant 0 : i32
      %dma_wait3A_41 = tpu.memref_slice %arg10[%add3A_10, %dma_wait3A] : memref<10240x128xf32, #tpu.memory_space<vmem_shared>> -> memref<128x128xf32, #tpu.memory_space<vmem_shared>>
      %dma_wait3A_42 = arith.constant 0 : i32
      %dma_wait3A_43 = tpu.memref_slice %arg10[%add3A_10, %dma_wait3A_42] : memref<10240x128xf32, #tpu.memory_space<vmem_shared>> -> memref<128x128xf32, #tpu.memory_space<vmem_shared>>
      tpu.wait_dma2 semaphore(%run_scoped3A : memref<!tpu.dma_semaphore, #tpu.memory_space<semaphore_mem>>) src(%arg9 : memref<128x128xf32, #tpu.memory_space<vmem>>) dst(%dma_wait3A_43 : memref<128x128xf32, #tpu.memory_space<vmem_shared>>)
      tpu.yield
    }) : () -> ()
    %mul3A_11 = arith.constant 640 : i32
    %mul3A_12 = arith.muli %arg1, %mul3A_11 : i32
    %add3A_13 = arith.constant 128 : i32
    %add3A_14 = arith.addi %mul3A_12, %add3A_13 : i32
    "tpu.region"() ({
      %run_scoped3A = tpu.sem_alloc : memref<!tpu.dma_semaphore, #tpu.memory_space<semaphore_mem>>
      %dma_start3A = arith.constant 0 : i32
      %dma_start3A_38 = tpu.memref_slice %arg10[%add3A_14, %dma_start3A] : memref<10240x128xf32, #tpu.memory_space<vmem_shared>> -> memref<128x128xf32, #tpu.memory_space<vmem_shared>>
      %dma_start3A_39 = arith.constant 0 : i32
      %dma_start3A_40 = tpu.memref_slice %arg10[%add3A_14, %dma_start3A_39] : memref<10240x128xf32, #tpu.memory_space<vmem_shared>> -> memref<128x128xf32, #tpu.memory_space<vmem_shared>>
      tpu.enqueue_dma source(%arg9 : memref<128x128xf32, #tpu.memory_space<vmem>>) target(%dma_start3A_40 : memref<128x128xf32, #tpu.memory_space<vmem_shared>>) target_semaphore(%run_scoped3A : memref<!tpu.dma_semaphore, #tpu.memory_space<semaphore_mem>>)
      %dma_wait3A = arith.constant 0 : i32
      %dma_wait3A_41 = tpu.memref_slice %arg10[%add3A_14, %dma_wait3A] : memref<10240x128xf32, #tpu.memory_space<vmem_shared>> -> memref<128x128xf32, #tpu.memory_space<vmem_shared>>
      %dma_wait3A_42 = arith.constant 0 : i32
      %dma_wait3A_43 = tpu.memref_slice %arg10[%add3A_14, %dma_wait3A_42] : memref<10240x128xf32, #tpu.memory_space<vmem_shared>> -> memref<128x128xf32, #tpu.memory_space<vmem_shared>>
      tpu.wait_dma2 semaphore(%run_scoped3A : memref<!tpu.dma_semaphore, #tpu.memory_space<semaphore_mem>>) src(%arg9 : memref<128x128xf32, #tpu.memory_space<vmem>>) dst(%dma_wait3A_43 : memref<128x128xf32, #tpu.memory_space<vmem_shared>>)
      tpu.yield
    }) : () -> ()
    %mul3A_15 = arith.constant 640 : i32
    %mul3A_16 = arith.muli %arg1, %mul3A_15 : i32
    %add3A_17 = arith.constant 256 : i32
    %add3A_18 = arith.addi %mul3A_16, %add3A_17 : i32
    "tpu.region"() ({
      %run_scoped3A = tpu.sem_alloc : memref<!tpu.dma_semaphore, #tpu.memory_space<semaphore_mem>>
      %dma_start3A = arith.constant 0 : i32
      %dma_start3A_38 = tpu.memref_slice %arg10[%add3A_18, %dma_start3A] : memref<10240x128xf32, #tpu.memory_space<vmem_shared>> -> memref<128x128xf32, #tpu.memory_space<vmem_shared>>
      %dma_start3A_39 = arith.constant 0 : i32
      %dma_start3A_40 = tpu.memref_slice %arg10[%add3A_18, %dma_start3A_39] : memref<10240x128xf32, #tpu.memory_space<vmem_shared>> -> memref<128x128xf32, #tpu.memory_space<vmem_shared>>
      tpu.enqueue_dma source(%arg9 : memref<128x128xf32, #tpu.memory_space<vmem>>) target(%dma_start3A_40 : memref<128x128xf32, #tpu.memory_space<vmem_shared>>) target_semaphore(%run_scoped3A : memref<!tpu.dma_semaphore, #tpu.memory_space<semaphore_mem>>)
      %dma_wait3A = arith.constant 0 : i32
      %dma_wait3A_41 = tpu.memref_slice %arg10[%add3A_18, %dma_wait3A] : memref<10240x128xf32, #tpu.memory_space<vmem_shared>> -> memref<128x128xf32, #tpu.memory_space<vmem_shared>>
      %dma_wait3A_42 = arith.constant 0 : i32
      %dma_wait3A_43 = tpu.memref_slice %arg10[%add3A_18, %dma_wait3A_42] : memref<10240x128xf32, #tpu.memory_space<vmem_shared>> -> memref<128x128xf32, #tpu.memory_space<vmem_shared>>
      tpu.wait_dma2 semaphore(%run_scoped3A : memref<!tpu.dma_semaphore, #tpu.memory_space<semaphore_mem>>) src(%arg9 : memref<128x128xf32, #tpu.memory_space<vmem>>) dst(%dma_wait3A_43 : memref<128x128xf32, #tpu.memory_space<vmem_shared>>)
      tpu.yield
    }) : () -> ()
    %mul3A_19 = arith.constant 640 : i32
    %mul3A_20 = arith.muli %arg1, %mul3A_19 : i32
    %add3A_21 = arith.constant 384 : i32
    %add3A_22 = arith.addi %mul3A_20, %add3A_21 : i32
    "tpu.region"() ({
      %run_scoped3A = tpu.sem_alloc : memref<!tpu.dma_semaphore, #tpu.memory_space<semaphore_mem>>
      %dma_start3A = arith.constant 0 : i32
      %dma_start3A_38 = tpu.memref_slice %arg10[%add3A_22, %dma_start3A] : memref<10240x128xf32, #tpu.memory_space<vmem_shared>> -> memref<128x128xf32, #tpu.memory_space<vmem_shared>>
      %dma_start3A_39 = arith.constant 0 : i32
      %dma_start3A_40 = tpu.memref_slice %arg10[%add3A_22, %dma_start3A_39] : memref<10240x128xf32, #tpu.memory_space<vmem_shared>> -> memref<128x128xf32, #tpu.memory_space<vmem_shared>>
      tpu.enqueue_dma source(%arg9 : memref<128x128xf32, #tpu.memory_space<vmem>>) target(%dma_start3A_40 : memref<128x128xf32, #tpu.memory_space<vmem_shared>>) target_semaphore(%run_scoped3A : memref<!tpu.dma_semaphore, #tpu.memory_space<semaphore_mem>>)
      %dma_wait3A = arith.constant 0 : i32
      %dma_wait3A_41 = tpu.memref_slice %arg10[%add3A_22, %dma_wait3A] : memref<10240x128xf32, #tpu.memory_space<vmem_shared>> -> memref<128x128xf32, #tpu.memory_space<vmem_shared>>
      %dma_wait3A_42 = arith.constant 0 : i32
      %dma_wait3A_43 = tpu.memref_slice %arg10[%add3A_22, %dma_wait3A_42] : memref<10240x128xf32, #tpu.memory_space<vmem_shared>> -> memref<128x128xf32, #tpu.memory_space<vmem_shared>>
      tpu.wait_dma2 semaphore(%run_scoped3A : memref<!tpu.dma_semaphore, #tpu.memory_space<semaphore_mem>>) src(%arg9 : memref<128x128xf32, #tpu.memory_space<vmem>>) dst(%dma_wait3A_43 : memref<128x128xf32, #tpu.memory_space<vmem_shared>>)
      tpu.yield
    }) : () -> ()
    %mul3A_23 = arith.constant 640 : i32
    %mul3A_24 = arith.muli %arg1, %mul3A_23 : i32
    %add3A_25 = arith.constant 512 : i32
    %add3A_26 = arith.addi %mul3A_24, %add3A_25 : i32
    "tpu.region"() ({
      %run_scoped3A = tpu.sem_alloc : memref<!tpu.dma_semaphore, #tpu.memory_space<semaphore_mem>>
      %dma_start3A = arith.constant 0 : i32
      %dma_start3A_38 = tpu.memref_slice %arg10[%add3A_26, %dma_start3A] : memref<10240x128xf32, #tpu.memory_space<vmem_shared>> -> memref<128x128xf32, #tpu.memory_space<vmem_shared>>
      %dma_start3A_39 = arith.constant 0 : i32
      %dma_start3A_40 = tpu.memref_slice %arg10[%add3A_26, %dma_start3A_39] : memref<10240x128xf32, #tpu.memory_space<vmem_shared>> -> memref<128x128xf32, #tpu.memory_space<vmem_shared>>
      tpu.enqueue_dma source(%arg9 : memref<128x128xf32, #tpu.memory_space<vmem>>) target(%dma_start3A_40 : memref<128x128xf32, #tpu.memory_space<vmem_shared>>) target_semaphore(%run_scoped3A : memref<!tpu.dma_semaphore, #tpu.memory_space<semaphore_mem>>)
      %dma_wait3A = arith.constant 0 : i32
      %dma_wait3A_41 = tpu.memref_slice %arg10[%add3A_26, %dma_wait3A] : memref<10240x128xf32, #tpu.memory_space<vmem_shared>> -> memref<128x128xf32, #tpu.memory_space<vmem_shared>>
      %dma_wait3A_42 = arith.constant 0 : i32
      %dma_wait3A_43 = tpu.memref_slice %arg10[%add3A_26, %dma_wait3A_42] : memref<10240x128xf32, #tpu.memory_space<vmem_shared>> -> memref<128x128xf32, #tpu.memory_space<vmem_shared>>
      tpu.wait_dma2 semaphore(%run_scoped3A : memref<!tpu.dma_semaphore, #tpu.memory_space<semaphore_mem>>) src(%arg9 : memref<128x128xf32, #tpu.memory_space<vmem>>) dst(%dma_wait3A_43 : memref<128x128xf32, #tpu.memory_space<vmem_shared>>)
      tpu.yield
    }) : () -> ()
    %barrier3A = arith.constant 0 : index
    tpu.barrier barrier_id(%barrier3A)
    %scan3A_27 = arith.constant 0 : i32
    %scan3A_28 = arith.constant 0 : i32
    %scan3A_29 = arith.constant 40 : i32
    %scan3A_30 = arith.addi %scan3A_28, %scan3A_29 : i32
    %scan3A_31 = arith.constant 1 : i32
    scf.for %scan3A_38 = %scan3A_28 to %scan3A_30 step %scan3A_31  : i32 {
      %dma_start3A = arith.constant 0 : i32
      %dma_start3A_39 = tpu.memref_slice %arg6[%scan3A_38, %dma_start3A] : memref<40x128xi32, #tpu.memory_space<vmem>> -> memref<1x128xi32, #tpu.memory_space<vmem>>
      %dma_start3A_40 = tpu.memref_squeeze %dma_start3A_39 : memref<1x128xi32, #tpu.memory_space<vmem>> -> memref<128xi32, #tpu.memory_space<vmem>>
      %dma_start3A_41 = arith.constant 0 : i32
      %dma_start3A_42 = arith.constant 0 : i32
      %dma_start3A_43 = tpu.memref_slice %arg2[%dma_start3A_41, %dma_start3A_42] : memref<10240x128xf32, #tpu.memory_space<hbm>> -> memref<10240x128xf32, #tpu.memory_space<hbm>>
      tpu.enqueue_indirect_dma source(%dma_start3A_43 : memref<10240x128xf32, #tpu.memory_space<hbm>>) target(%arg8 : memref<128x128xf32, #tpu.memory_space<vmem>>) offsets(%dma_start3A_40 : memref<128xi32, #tpu.memory_space<vmem>>) semaphore(%arg11 : memref<!tpu.dma_semaphore, #tpu.memory_space<semaphore_mem>>)
      %dma_wait3A = arith.constant 0 : i32
      %dma_wait3A_44 = tpu.memref_slice %arg6[%scan3A_38, %dma_wait3A] : memref<40x128xi32, #tpu.memory_space<vmem>> -> memref<1x128xi32, #tpu.memory_space<vmem>>
      %dma_wait3A_45 = tpu.memref_squeeze %dma_wait3A_44 : memref<1x128xi32, #tpu.memory_space<vmem>> -> memref<128xi32, #tpu.memory_space<vmem>>
      %dma_wait3A_46 = arith.constant 0 : i32
      %dma_wait3A_47 = arith.constant 0 : i32
      %dma_wait3A_48 = tpu.memref_slice %arg2[%dma_wait3A_46, %dma_wait3A_47] : memref<10240x128xf32, #tpu.memory_space<hbm>> -> memref<10240x128xf32, #tpu.memory_space<hbm>>
      tpu.wait_indirect_dma semaphore(%arg11 : memref<!tpu.dma_semaphore, #tpu.memory_space<semaphore_mem>>) src(%dma_wait3A_48 : memref<10240x128xf32, #tpu.memory_space<hbm>>) dst(%arg8 : memref<128x128xf32, #tpu.memory_space<vmem>>)
      "tpu.region"() ({
        %run_scoped3A = tpu.sem_alloc : memref<!tpu.dma_semaphore, #tpu.memory_space<semaphore_mem>>
        %dma_start3A_49 = arith.constant 0 : i32
        %dma_start3A_50 = tpu.memref_slice %arg7[%scan3A_38, %dma_start3A_49] : memref<40x128xi32, #tpu.memory_space<vmem>> -> memref<1x128xi32, #tpu.memory_space<vmem>>
        %dma_start3A_51 = tpu.memref_squeeze %dma_start3A_50 : memref<1x128xi32, #tpu.memory_space<vmem>> -> memref<128xi32, #tpu.memory_space<vmem>>
        %dma_start3A_52 = arith.constant 0 : i32
        %dma_start3A_53 = arith.constant 0 : i32
        %dma_start3A_54 = tpu.memref_slice %arg10[%dma_start3A_52, %dma_start3A_53] : memref<10240x128xf32, #tpu.memory_space<vmem_shared>> -> memref<10240x128xf32, #tpu.memory_space<vmem_shared>>
        tpu.enqueue_indirect_dma source(%arg8 : memref<128x128xf32, #tpu.memory_space<vmem>>) target(%dma_start3A_54 : memref<10240x128xf32, #tpu.memory_space<vmem_shared>>) offsets(%dma_start3A_51 : memref<128xi32, #tpu.memory_space<vmem>>) semaphore(%run_scoped3A : memref<!tpu.dma_semaphore, #tpu.memory_space<semaphore_mem>>) {add = true}
        %dma_wait3A_55 = arith.constant 0 : i32
        %dma_wait3A_56 = tpu.memref_slice %arg7[%scan3A_38, %dma_wait3A_55] : memref<40x128xi32, #tpu.memory_space<vmem>> -> memref<1x128xi32, #tpu.memory_space<vmem>>
        %dma_wait3A_57 = tpu.memref_squeeze %dma_wait3A_56 : memref<1x128xi32, #tpu.memory_space<vmem>> -> memref<128xi32, #tpu.memory_space<vmem>>
        %dma_wait3A_58 = arith.constant 0 : i32
        %dma_wait3A_59 = arith.constant 0 : i32
        %dma_wait3A_60 = tpu.memref_slice %arg10[%dma_wait3A_58, %dma_wait3A_59] : memref<10240x128xf32, #tpu.memory_space<vmem_shared>> -> memref<10240x128xf32, #tpu.memory_space<vmem_shared>>
        tpu.wait_indirect_dma semaphore(%run_scoped3A : memref<!tpu.dma_semaphore, #tpu.memory_space<semaphore_mem>>) src(%arg8 : memref<128x128xf32, #tpu.memory_space<vmem>>) dst(%dma_wait3A_60 : memref<10240x128xf32, #tpu.memory_space<vmem_shared>>)
        tpu.yield
      }) : () -> ()
    }
    %scan3A_32 = arith.constant 40 : i32
    %barrier3A_33 = arith.constant 0 : index
    tpu.barrier barrier_id(%barrier3A_33)
    %mul3A_34 = arith.constant 640 : i32
    %mul3A_35 = arith.muli %arg1, %mul3A_34 : i32
    %mul3A_36 = arith.constant 640 : i32
    %mul3A_37 = arith.muli %arg1, %mul3A_36 : i32
    "tpu.region"() ({
      %run_scoped3A = tpu.sem_alloc : memref<!tpu.dma_semaphore, #tpu.memory_space<semaphore_mem>>
      %dma_start3A = arith.constant 0 : i32
      %dma_start3A_38 = tpu.memref_slice %arg5[%arg0, %mul3A_37, %dma_start3A] : memref<2x10240x128xf32, #tpu.memory_space<hbm>> -> memref<1x640x128xf32, #tpu.memory_space<hbm>>
      %dma_start3A_39 = tpu.memref_squeeze %dma_start3A_38 : memref<1x640x128xf32, #tpu.memory_space<hbm>> -> memref<640x128xf32, #tpu.memory_space<hbm>>
      %dma_start3A_40 = arith.constant 0 : i32
      %dma_start3A_41 = tpu.memref_slice %arg10[%mul3A_35, %dma_start3A_40] : memref<10240x128xf32, #tpu.memory_space<vmem_shared>> -> memref<640x128xf32, #tpu.memory_space<vmem_shared>>
      tpu.enqueue_dma source(%dma_start3A_41 : memref<640x128xf32, #tpu.memory_space<vmem_shared>>) target(%dma_start3A_39 : memref<640x128xf32, #tpu.memory_space<hbm>>) target_semaphore(%run_scoped3A : memref<!tpu.dma_semaphore, #tpu.memory_space<semaphore_mem>>)
      %dma_wait3A = arith.constant 0 : i32
      %dma_wait3A_42 = tpu.memref_slice %arg5[%arg0, %mul3A_37, %dma_wait3A] : memref<2x10240x128xf32, #tpu.memory_space<hbm>> -> memref<1x640x128xf32, #tpu.memory_space<hbm>>
      %dma_wait3A_43 = tpu.memref_squeeze %dma_wait3A_42 : memref<1x640x128xf32, #tpu.memory_space<hbm>> -> memref<640x128xf32, #tpu.memory_space<hbm>>
      %dma_wait3A_44 = arith.constant 0 : i32
      %dma_wait3A_45 = tpu.memref_slice %arg10[%mul3A_35, %dma_wait3A_44] : memref<10240x128xf32, #tpu.memory_space<vmem_shared>> -> memref<640x128xf32, #tpu.memory_space<vmem_shared>>
      tpu.wait_dma2 semaphore(%run_scoped3A : memref<!tpu.dma_semaphore, #tpu.memory_space<semaphore_mem>>) src(%dma_wait3A_45 : memref<640x128xf32, #tpu.memory_space<vmem_shared>>) dst(%dma_wait3A_43 : memref<640x128xf32, #tpu.memory_space<hbm>>)
      tpu.yield
    }) : () -> ()
    return
  }
}

#map = affine_map<(d0, d1) -> (0, 0)>
#map1 = affine_map<(d0, d1) -> (0, 0, 0)>
module attributes {stable_mosaic.version = 14 : i64} {
  func.func @k(%arg0: i32, %arg1: i32, %arg2: memref<10240x64xf32, #tpu.memory_space<hbm>>, %arg3: memref<32x40x128xi32, #tpu.memory_space<hbm>>, %arg4: memref<32x40x128xi32, #tpu.memory_space<hbm>>, %arg5: memref<2x10240x64xf32, #tpu.memory_space<hbm>>, %arg6: memref<40x128xi32, #tpu.memory_space<vmem>>, %arg7: memref<40x128xi32, #tpu.memory_space<vmem>>, %arg8: memref<128x64xf32, #tpu.memory_space<vmem>>, %arg9: memref<128x64xf32, #tpu.memory_space<vmem>>, %arg10: memref<10240x64xf32, #tpu.memory_space<vmem_shared>>, %arg11: memref<!tpu.dma_semaphore, #tpu.memory_space<semaphore_mem>>) attributes {dimension_semantics = [#tpu.dimension_semantics<core_parallel>, #tpu.dimension_semantics<subcore_parallel>], iteration_bounds = array<i64: 2, 16>, scalar_prefetch = 0 : i64, scratch_operands = 6 : i64, tpu.core_type = #tpu.core_type<sc_vector_subcore>, window_params = [{transform_indices = #map}, {transform_indices = #map1}, {transform_indices = #map1}, {transform_indices = #map1}]} {
    %mul3A = arith.constant 2 : i32
    %mul3A_0 = arith.muli %arg1, %mul3A : i32
    %add3A = arith.addi %mul3A_0, %arg0 : i32
    "tpu.region"() ({
      %run_scoped3A = tpu.sem_alloc : memref<!tpu.dma_semaphore, #tpu.memory_space<semaphore_mem>>
      %dma_start3A = arith.constant 0 : i32
      %dma_start3A_38 = arith.constant 0 : i32
      %dma_start3A_39 = tpu.memref_slice %arg3[%add3A, %dma_start3A, %dma_start3A_38] : memref<32x40x128xi32, #tpu.memory_space<hbm>> -> memref<1x40x128xi32, #tpu.memory_space<hbm>>
      %dma_start3A_40 = tpu.memref_squeeze %dma_start3A_39 : memref<1x40x128xi32, #tpu.memory_space<hbm>> -> memref<40x128xi32, #tpu.memory_space<hbm>>
      %dma_start3A_41 = arith.constant 0 : i32
      %dma_start3A_42 = arith.constant 0 : i32
      %dma_start3A_43 = tpu.memref_slice %arg3[%add3A, %dma_start3A_41, %dma_start3A_42] : memref<32x40x128xi32, #tpu.memory_space<hbm>> -> memref<1x40x128xi32, #tpu.memory_space<hbm>>
      %dma_start3A_44 = tpu.memref_squeeze %dma_start3A_43 : memref<1x40x128xi32, #tpu.memory_space<hbm>> -> memref<40x128xi32, #tpu.memory_space<hbm>>
      tpu.enqueue_dma source(%dma_start3A_44 : memref<40x128xi32, #tpu.memory_space<hbm>>) target(%arg6 : memref<40x128xi32, #tpu.memory_space<vmem>>) target_semaphore(%run_scoped3A : memref<!tpu.dma_semaphore, #tpu.memory_space<semaphore_mem>>)
      %dma_wait3A = arith.constant 0 : i32
      %dma_wait3A_45 = arith.constant 0 : i32
      %dma_wait3A_46 = tpu.memref_slice %arg3[%add3A, %dma_wait3A, %dma_wait3A_45] : memref<32x40x128xi32, #tpu.memory_space<hbm>> -> memref<1x40x128xi32, #tpu.memory_space<hbm>>
      %dma_wait3A_47 = tpu.memref_squeeze %dma_wait3A_46 : memref<1x40x128xi32, #tpu.memory_space<hbm>> -> memref<40x128xi32, #tpu.memory_space<hbm>>
      %dma_wait3A_48 = arith.constant 0 : i32
      %dma_wait3A_49 = arith.constant 0 : i32
      %dma_wait3A_50 = tpu.memref_slice %arg3[%add3A, %dma_wait3A_48, %dma_wait3A_49] : memref<32x40x128xi32, #tpu.memory_space<hbm>> -> memref<1x40x128xi32, #tpu.memory_space<hbm>>
      %dma_wait3A_51 = tpu.memref_squeeze %dma_wait3A_50 : memref<1x40x128xi32, #tpu.memory_space<hbm>> -> memref<40x128xi32, #tpu.memory_space<hbm>>
      tpu.wait_dma2 semaphore(%run_scoped3A : memref<!tpu.dma_semaphore, #tpu.memory_space<semaphore_mem>>) src(%dma_wait3A_51 : memref<40x128xi32, #tpu.memory_space<hbm>>) dst(%arg6 : memref<40x128xi32, #tpu.memory_space<vmem>>)
      tpu.yield
    }) : () -> ()
    "tpu.region"() ({
      %run_scoped3A = tpu.sem_alloc : memref<!tpu.dma_semaphore, #tpu.memory_space<semaphore_mem>>
      %dma_start3A = arith.constant 0 : i32
      %dma_start3A_38 = arith.constant 0 : i32
      %dma_start3A_39 = tpu.memref_slice %arg4[%add3A, %dma_start3A, %dma_start3A_38] : memref<32x40x128xi32, #tpu.memory_space<hbm>> -> memref<1x40x128xi32, #tpu.memory_space<hbm>>
      %dma_start3A_40 = tpu.memref_squeeze %dma_start3A_39 : memref<1x40x128xi32, #tpu.memory_space<hbm>> -> memref<40x128xi32, #tpu.memory_space<hbm>>
      %dma_start3A_41 = arith.constant 0 : i32
      %dma_start3A_42 = arith.constant 0 : i32
      %dma_start3A_43 = tpu.memref_slice %arg4[%add3A, %dma_start3A_41, %dma_start3A_42] : memref<32x40x128xi32, #tpu.memory_space<hbm>> -> memref<1x40x128xi32, #tpu.memory_space<hbm>>
      %dma_start3A_44 = tpu.memref_squeeze %dma_start3A_43 : memref<1x40x128xi32, #tpu.memory_space<hbm>> -> memref<40x128xi32, #tpu.memory_space<hbm>>
      tpu.enqueue_dma source(%dma_start3A_44 : memref<40x128xi32, #tpu.memory_space<hbm>>) target(%arg7 : memref<40x128xi32, #tpu.memory_space<vmem>>) target_semaphore(%run_scoped3A : memref<!tpu.dma_semaphore, #tpu.memory_space<semaphore_mem>>)
      %dma_wait3A = arith.constant 0 : i32
      %dma_wait3A_45 = arith.constant 0 : i32
      %dma_wait3A_46 = tpu.memref_slice %arg4[%add3A, %dma_wait3A, %dma_wait3A_45] : memref<32x40x128xi32, #tpu.memory_space<hbm>> -> memref<1x40x128xi32, #tpu.memory_space<hbm>>
      %dma_wait3A_47 = tpu.memref_squeeze %dma_wait3A_46 : memref<1x40x128xi32, #tpu.memory_space<hbm>> -> memref<40x128xi32, #tpu.memory_space<hbm>>
      %dma_wait3A_48 = arith.constant 0 : i32
      %dma_wait3A_49 = arith.constant 0 : i32
      %dma_wait3A_50 = tpu.memref_slice %arg4[%add3A, %dma_wait3A_48, %dma_wait3A_49] : memref<32x40x128xi32, #tpu.memory_space<hbm>> -> memref<1x40x128xi32, #tpu.memory_space<hbm>>
      %dma_wait3A_51 = tpu.memref_squeeze %dma_wait3A_50 : memref<1x40x128xi32, #tpu.memory_space<hbm>> -> memref<40x128xi32, #tpu.memory_space<hbm>>
      tpu.wait_dma2 semaphore(%run_scoped3A : memref<!tpu.dma_semaphore, #tpu.memory_space<semaphore_mem>>) src(%dma_wait3A_51 : memref<40x128xi32, #tpu.memory_space<hbm>>) dst(%arg7 : memref<40x128xi32, #tpu.memory_space<vmem>>)
      tpu.yield
    }) : () -> ()
    %broadcast_in_dim3A = arith.constant 0.000000e+00 : f32
    %broadcast_in_dim3A_1 = vector.broadcast %broadcast_in_dim3A : f32 to vector<16xf32>
    %scan3A = arith.constant 0 : i32
    %scan3A_2 = arith.constant 0 : i32
    %scan3A_3 = arith.constant 128 : i32
    %scan3A_4 = arith.addi %scan3A_2, %scan3A_3 : i32
    %scan3A_5 = arith.constant 1 : i32
    scf.for %scan3A_38 = %scan3A_2 to %scan3A_4 step %scan3A_5  : i32 {
      %swap3A = arith.index_cast %scan3A_38 : i32 to index
      %swap3A_39 = arith.constant 0 : index
      %swap3A_40 = tpu.vector_load %arg9[%swap3A, %swap3A_39] {strides = array<i32>} : memref<128x64xf32, #tpu.memory_space<vmem>>, vector<1x16xf32>,
      %swap3A_41 = vector.shape_cast %swap3A_40 : vector<1x16xf32> to vector<16xf32>
      %swap3A_42 = vector.shape_cast %broadcast_in_dim3A_1 : vector<16xf32> to vector<1x16xf32>
      tpu.vector_store %arg9[%swap3A, %swap3A_39], %swap3A_42 {strides = array<i32>} : memref<128x64xf32, #tpu.memory_space<vmem>>, vector<1x16xf32>,
      %swap3A_43 = arith.index_cast %scan3A_38 : i32 to index
      %swap3A_44 = arith.constant 16 : index
      %swap3A_45 = tpu.vector_load %arg9[%swap3A_43, %swap3A_44] {strides = array<i32>} : memref<128x64xf32, #tpu.memory_space<vmem>>, vector<1x16xf32>,
      %swap3A_46 = vector.shape_cast %swap3A_45 : vector<1x16xf32> to vector<16xf32>
      %swap3A_47 = vector.shape_cast %broadcast_in_dim3A_1 : vector<16xf32> to vector<1x16xf32>
      tpu.vector_store %arg9[%swap3A_43, %swap3A_44], %swap3A_47 {strides = array<i32>} : memref<128x64xf32, #tpu.memory_space<vmem>>, vector<1x16xf32>,
      %swap3A_48 = arith.index_cast %scan3A_38 : i32 to index
      %swap3A_49 = arith.constant 32 : index
      %swap3A_50 = tpu.vector_load %arg9[%swap3A_48, %swap3A_49] {strides = array<i32>} : memref<128x64xf32, #tpu.memory_space<vmem>>, vector<1x16xf32>,
      %swap3A_51 = vector.shape_cast %swap3A_50 : vector<1x16xf32> to vector<16xf32>
      %swap3A_52 = vector.shape_cast %broadcast_in_dim3A_1 : vector<16xf32> to vector<1x16xf32>
      tpu.vector_store %arg9[%swap3A_48, %swap3A_49], %swap3A_52 {strides = array<i32>} : memref<128x64xf32, #tpu.memory_space<vmem>>, vector<1x16xf32>,
      %swap3A_53 = arith.index_cast %scan3A_38 : i32 to index
      %swap3A_54 = arith.constant 48 : index
      %swap3A_55 = tpu.vector_load %arg9[%swap3A_53, %swap3A_54] {strides = array<i32>} : memref<128x64xf32, #tpu.memory_space<vmem>>, vector<1x16xf32>,
      %swap3A_56 = vector.shape_cast %swap3A_55 : vector<1x16xf32> to vector<16xf32>
      %swap3A_57 = vector.shape_cast %broadcast_in_dim3A_1 : vector<16xf32> to vector<1x16xf32>
      tpu.vector_store %arg9[%swap3A_53, %swap3A_54], %swap3A_57 {strides = array<i32>} : memref<128x64xf32, #tpu.memory_space<vmem>>, vector<1x16xf32>,
    }
    %scan3A_6 = arith.constant 128 : i32
    %mul3A_7 = arith.constant 640 : i32
    %mul3A_8 = arith.muli %arg1, %mul3A_7 : i32
    %add3A_9 = arith.constant 0 : i32
    %add3A_10 = arith.addi %mul3A_8, %add3A_9 : i32
    "tpu.region"() ({
      %run_scoped3A = tpu.sem_alloc : memref<!tpu.dma_semaphore, #tpu.memory_space<semaphore_mem>>
      %dma_start3A = arith.constant 0 : i32
      %dma_start3A_38 = tpu.memref_slice %arg10[%add3A_10, %dma_start3A] : memref<10240x64xf32, #tpu.memory_space<vmem_shared>> -> memref<128x64xf32, #tpu.memory_space<vmem_shared>>
      %dma_start3A_39 = arith.constant 0 : i32
      %dma_start3A_40 = tpu.memref_slice %arg10[%add3A_10, %dma_start3A_39] : memref<10240x64xf32, #tpu.memory_space<vmem_shared>> -> memref<128x64xf32, #tpu.memory_space<vmem_shared>>
      tpu.enqueue_dma source(%arg9 : memref<128x64xf32, #tpu.memory_space<vmem>>) target(%dma_start3A_40 : memref<128x64xf32, #tpu.memory_space<vmem_shared>>) target_semaphore(%run_scoped3A : memref<!tpu.dma_semaphore, #tpu.memory_space<semaphore_mem>>)
      %dma_wait3A = arith.constant 0 : i32
      %dma_wait3A_41 = tpu.memref_slice %arg10[%add3A_10, %dma_wait3A] : memref<10240x64xf32, #tpu.memory_space<vmem_shared>> -> memref<128x64xf32, #tpu.memory_space<vmem_shared>>
      %dma_wait3A_42 = arith.constant 0 : i32
      %dma_wait3A_43 = tpu.memref_slice %arg10[%add3A_10, %dma_wait3A_42] : memref<10240x64xf32, #tpu.memory_space<vmem_shared>> -> memref<128x64xf32, #tpu.memory_space<vmem_shared>>
      tpu.wait_dma2 semaphore(%run_scoped3A : memref<!tpu.dma_semaphore, #tpu.memory_space<semaphore_mem>>) src(%arg9 : memref<128x64xf32, #tpu.memory_space<vmem>>) dst(%dma_wait3A_43 : memref<128x64xf32, #tpu.memory_space<vmem_shared>>)
      tpu.yield
    }) : () -> ()
    %mul3A_11 = arith.constant 640 : i32
    %mul3A_12 = arith.muli %arg1, %mul3A_11 : i32
    %add3A_13 = arith.constant 128 : i32
    %add3A_14 = arith.addi %mul3A_12, %add3A_13 : i32
    "tpu.region"() ({
      %run_scoped3A = tpu.sem_alloc : memref<!tpu.dma_semaphore, #tpu.memory_space<semaphore_mem>>
      %dma_start3A = arith.constant 0 : i32
      %dma_start3A_38 = tpu.memref_slice %arg10[%add3A_14, %dma_start3A] : memref<10240x64xf32, #tpu.memory_space<vmem_shared>> -> memref<128x64xf32, #tpu.memory_space<vmem_shared>>
      %dma_start3A_39 = arith.constant 0 : i32
      %dma_start3A_40 = tpu.memref_slice %arg10[%add3A_14, %dma_start3A_39] : memref<10240x64xf32, #tpu.memory_space<vmem_shared>> -> memref<128x64xf32, #tpu.memory_space<vmem_shared>>
      tpu.enqueue_dma source(%arg9 : memref<128x64xf32, #tpu.memory_space<vmem>>) target(%dma_start3A_40 : memref<128x64xf32, #tpu.memory_space<vmem_shared>>) target_semaphore(%run_scoped3A : memref<!tpu.dma_semaphore, #tpu.memory_space<semaphore_mem>>)
      %dma_wait3A = arith.constant 0 : i32
      %dma_wait3A_41 = tpu.memref_slice %arg10[%add3A_14, %dma_wait3A] : memref<10240x64xf32, #tpu.memory_space<vmem_shared>> -> memref<128x64xf32, #tpu.memory_space<vmem_shared>>
      %dma_wait3A_42 = arith.constant 0 : i32
      %dma_wait3A_43 = tpu.memref_slice %arg10[%add3A_14, %dma_wait3A_42] : memref<10240x64xf32, #tpu.memory_space<vmem_shared>> -> memref<128x64xf32, #tpu.memory_space<vmem_shared>>
      tpu.wait_dma2 semaphore(%run_scoped3A : memref<!tpu.dma_semaphore, #tpu.memory_space<semaphore_mem>>) src(%arg9 : memref<128x64xf32, #tpu.memory_space<vmem>>) dst(%dma_wait3A_43 : memref<128x64xf32, #tpu.memory_space<vmem_shared>>)
      tpu.yield
    }) : () -> ()
    %mul3A_15 = arith.constant 640 : i32
    %mul3A_16 = arith.muli %arg1, %mul3A_15 : i32
    %add3A_17 = arith.constant 256 : i32
    %add3A_18 = arith.addi %mul3A_16, %add3A_17 : i32
    "tpu.region"() ({
      %run_scoped3A = tpu.sem_alloc : memref<!tpu.dma_semaphore, #tpu.memory_space<semaphore_mem>>
      %dma_start3A = arith.constant 0 : i32
      %dma_start3A_38 = tpu.memref_slice %arg10[%add3A_18, %dma_start3A] : memref<10240x64xf32, #tpu.memory_space<vmem_shared>> -> memref<128x64xf32, #tpu.memory_space<vmem_shared>>
      %dma_start3A_39 = arith.constant 0 : i32
      %dma_start3A_40 = tpu.memref_slice %arg10[%add3A_18, %dma_start3A_39] : memref<10240x64xf32, #tpu.memory_space<vmem_shared>> -> memref<128x64xf32, #tpu.memory_space<vmem_shared>>
      tpu.enqueue_dma source(%arg9 : memref<128x64xf32, #tpu.memory_space<vmem>>) target(%dma_start3A_40 : memref<128x64xf32, #tpu.memory_space<vmem_shared>>) target_semaphore(%run_scoped3A : memref<!tpu.dma_semaphore, #tpu.memory_space<semaphore_mem>>)
      %dma_wait3A = arith.constant 0 : i32
      %dma_wait3A_41 = tpu.memref_slice %arg10[%add3A_18, %dma_wait3A] : memref<10240x64xf32, #tpu.memory_space<vmem_shared>> -> memref<128x64xf32, #tpu.memory_space<vmem_shared>>
      %dma_wait3A_42 = arith.constant 0 : i32
      %dma_wait3A_43 = tpu.memref_slice %arg10[%add3A_18, %dma_wait3A_42] : memref<10240x64xf32, #tpu.memory_space<vmem_shared>> -> memref<128x64xf32, #tpu.memory_space<vmem_shared>>
      tpu.wait_dma2 semaphore(%run_scoped3A : memref<!tpu.dma_semaphore, #tpu.memory_space<semaphore_mem>>) src(%arg9 : memref<128x64xf32, #tpu.memory_space<vmem>>) dst(%dma_wait3A_43 : memref<128x64xf32, #tpu.memory_space<vmem_shared>>)
      tpu.yield
    }) : () -> ()
    %mul3A_19 = arith.constant 640 : i32
    %mul3A_20 = arith.muli %arg1, %mul3A_19 : i32
    %add3A_21 = arith.constant 384 : i32
    %add3A_22 = arith.addi %mul3A_20, %add3A_21 : i32
    "tpu.region"() ({
      %run_scoped3A = tpu.sem_alloc : memref<!tpu.dma_semaphore, #tpu.memory_space<semaphore_mem>>
      %dma_start3A = arith.constant 0 : i32
      %dma_start3A_38 = tpu.memref_slice %arg10[%add3A_22, %dma_start3A] : memref<10240x64xf32, #tpu.memory_space<vmem_shared>> -> memref<128x64xf32, #tpu.memory_space<vmem_shared>>
      %dma_start3A_39 = arith.constant 0 : i32
      %dma_start3A_40 = tpu.memref_slice %arg10[%add3A_22, %dma_start3A_39] : memref<10240x64xf32, #tpu.memory_space<vmem_shared>> -> memref<128x64xf32, #tpu.memory_space<vmem_shared>>
      tpu.enqueue_dma source(%arg9 : memref<128x64xf32, #tpu.memory_space<vmem>>) target(%dma_start3A_40 : memref<128x64xf32, #tpu.memory_space<vmem_shared>>) target_semaphore(%run_scoped3A : memref<!tpu.dma_semaphore, #tpu.memory_space<semaphore_mem>>)
      %dma_wait3A = arith.constant 0 : i32
      %dma_wait3A_41 = tpu.memref_slice %arg10[%add3A_22, %dma_wait3A] : memref<10240x64xf32, #tpu.memory_space<vmem_shared>> -> memref<128x64xf32, #tpu.memory_space<vmem_shared>>
      %dma_wait3A_42 = arith.constant 0 : i32
      %dma_wait3A_43 = tpu.memref_slice %arg10[%add3A_22, %dma_wait3A_42] : memref<10240x64xf32, #tpu.memory_space<vmem_shared>> -> memref<128x64xf32, #tpu.memory_space<vmem_shared>>
      tpu.wait_dma2 semaphore(%run_scoped3A : memref<!tpu.dma_semaphore, #tpu.memory_space<semaphore_mem>>) src(%arg9 : memref<128x64xf32, #tpu.memory_space<vmem>>) dst(%dma_wait3A_43 : memref<128x64xf32, #tpu.memory_space<vmem_shared>>)
      tpu.yield
    }) : () -> ()
    %mul3A_23 = arith.constant 640 : i32
    %mul3A_24 = arith.muli %arg1, %mul3A_23 : i32
    %add3A_25 = arith.constant 512 : i32
    %add3A_26 = arith.addi %mul3A_24, %add3A_25 : i32
    "tpu.region"() ({
      %run_scoped3A = tpu.sem_alloc : memref<!tpu.dma_semaphore, #tpu.memory_space<semaphore_mem>>
      %dma_start3A = arith.constant 0 : i32
      %dma_start3A_38 = tpu.memref_slice %arg10[%add3A_26, %dma_start3A] : memref<10240x64xf32, #tpu.memory_space<vmem_shared>> -> memref<128x64xf32, #tpu.memory_space<vmem_shared>>
      %dma_start3A_39 = arith.constant 0 : i32
      %dma_start3A_40 = tpu.memref_slice %arg10[%add3A_26, %dma_start3A_39] : memref<10240x64xf32, #tpu.memory_space<vmem_shared>> -> memref<128x64xf32, #tpu.memory_space<vmem_shared>>
      tpu.enqueue_dma source(%arg9 : memref<128x64xf32, #tpu.memory_space<vmem>>) target(%dma_start3A_40 : memref<128x64xf32, #tpu.memory_space<vmem_shared>>) target_semaphore(%run_scoped3A : memref<!tpu.dma_semaphore, #tpu.memory_space<semaphore_mem>>)
      %dma_wait3A = arith.constant 0 : i32
      %dma_wait3A_41 = tpu.memref_slice %arg10[%add3A_26, %dma_wait3A] : memref<10240x64xf32, #tpu.memory_space<vmem_shared>> -> memref<128x64xf32, #tpu.memory_space<vmem_shared>>
      %dma_wait3A_42 = arith.constant 0 : i32
      %dma_wait3A_43 = tpu.memref_slice %arg10[%add3A_26, %dma_wait3A_42] : memref<10240x64xf32, #tpu.memory_space<vmem_shared>> -> memref<128x64xf32, #tpu.memory_space<vmem_shared>>
      tpu.wait_dma2 semaphore(%run_scoped3A : memref<!tpu.dma_semaphore, #tpu.memory_space<semaphore_mem>>) src(%arg9 : memref<128x64xf32, #tpu.memory_space<vmem>>) dst(%dma_wait3A_43 : memref<128x64xf32, #tpu.memory_space<vmem_shared>>)
      tpu.yield
    }) : () -> ()
    %barrier3A = arith.constant 0 : index
    tpu.barrier barrier_id(%barrier3A)
    %scan3A_27 = arith.constant 0 : i32
    %scan3A_28 = arith.constant 0 : i32
    %scan3A_29 = arith.constant 40 : i32
    %scan3A_30 = arith.addi %scan3A_28, %scan3A_29 : i32
    %scan3A_31 = arith.constant 1 : i32
    scf.for %scan3A_38 = %scan3A_28 to %scan3A_30 step %scan3A_31  : i32 {
      %dma_start3A = arith.constant 0 : i32
      %dma_start3A_39 = tpu.memref_slice %arg6[%scan3A_38, %dma_start3A] : memref<40x128xi32, #tpu.memory_space<vmem>> -> memref<1x128xi32, #tpu.memory_space<vmem>>
      %dma_start3A_40 = tpu.memref_squeeze %dma_start3A_39 : memref<1x128xi32, #tpu.memory_space<vmem>> -> memref<128xi32, #tpu.memory_space<vmem>>
      %dma_start3A_41 = arith.constant 0 : i32
      %dma_start3A_42 = arith.constant 0 : i32
      %dma_start3A_43 = tpu.memref_slice %arg2[%dma_start3A_41, %dma_start3A_42] : memref<10240x64xf32, #tpu.memory_space<hbm>> -> memref<10240x64xf32, #tpu.memory_space<hbm>>
      tpu.enqueue_indirect_dma source(%dma_start3A_43 : memref<10240x64xf32, #tpu.memory_space<hbm>>) target(%arg8 : memref<128x64xf32, #tpu.memory_space<vmem>>) offsets(%dma_start3A_40 : memref<128xi32, #tpu.memory_space<vmem>>) semaphore(%arg11 : memref<!tpu.dma_semaphore, #tpu.memory_space<semaphore_mem>>)
      %dma_wait3A = arith.constant 0 : i32
      %dma_wait3A_44 = tpu.memref_slice %arg6[%scan3A_38, %dma_wait3A] : memref<40x128xi32, #tpu.memory_space<vmem>> -> memref<1x128xi32, #tpu.memory_space<vmem>>
      %dma_wait3A_45 = tpu.memref_squeeze %dma_wait3A_44 : memref<1x128xi32, #tpu.memory_space<vmem>> -> memref<128xi32, #tpu.memory_space<vmem>>
      %dma_wait3A_46 = arith.constant 0 : i32
      %dma_wait3A_47 = arith.constant 0 : i32
      %dma_wait3A_48 = tpu.memref_slice %arg2[%dma_wait3A_46, %dma_wait3A_47] : memref<10240x64xf32, #tpu.memory_space<hbm>> -> memref<10240x64xf32, #tpu.memory_space<hbm>>
      tpu.wait_indirect_dma semaphore(%arg11 : memref<!tpu.dma_semaphore, #tpu.memory_space<semaphore_mem>>) src(%dma_wait3A_48 : memref<10240x64xf32, #tpu.memory_space<hbm>>) dst(%arg8 : memref<128x64xf32, #tpu.memory_space<vmem>>)
      "tpu.region"() ({
        %run_scoped3A = tpu.sem_alloc : memref<!tpu.dma_semaphore, #tpu.memory_space<semaphore_mem>>
        %dma_start3A_49 = arith.constant 0 : i32
        %dma_start3A_50 = tpu.memref_slice %arg7[%scan3A_38, %dma_start3A_49] : memref<40x128xi32, #tpu.memory_space<vmem>> -> memref<1x128xi32, #tpu.memory_space<vmem>>
        %dma_start3A_51 = tpu.memref_squeeze %dma_start3A_50 : memref<1x128xi32, #tpu.memory_space<vmem>> -> memref<128xi32, #tpu.memory_space<vmem>>
        %dma_start3A_52 = arith.constant 0 : i32
        %dma_start3A_53 = arith.constant 0 : i32
        %dma_start3A_54 = tpu.memref_slice %arg10[%dma_start3A_52, %dma_start3A_53] : memref<10240x64xf32, #tpu.memory_space<vmem_shared>> -> memref<10240x64xf32, #tpu.memory_space<vmem_shared>>
        tpu.enqueue_indirect_dma source(%arg8 : memref<128x64xf32, #tpu.memory_space<vmem>>) target(%dma_start3A_54 : memref<10240x64xf32, #tpu.memory_space<vmem_shared>>) offsets(%dma_start3A_51 : memref<128xi32, #tpu.memory_space<vmem>>) semaphore(%run_scoped3A : memref<!tpu.dma_semaphore, #tpu.memory_space<semaphore_mem>>) {add = true}
        %dma_wait3A_55 = arith.constant 0 : i32
        %dma_wait3A_56 = tpu.memref_slice %arg7[%scan3A_38, %dma_wait3A_55] : memref<40x128xi32, #tpu.memory_space<vmem>> -> memref<1x128xi32, #tpu.memory_space<vmem>>
        %dma_wait3A_57 = tpu.memref_squeeze %dma_wait3A_56 : memref<1x128xi32, #tpu.memory_space<vmem>> -> memref<128xi32, #tpu.memory_space<vmem>>
        %dma_wait3A_58 = arith.constant 0 : i32
        %dma_wait3A_59 = arith.constant 0 : i32
        %dma_wait3A_60 = tpu.memref_slice %arg10[%dma_wait3A_58, %dma_wait3A_59] : memref<10240x64xf32, #tpu.memory_space<vmem_shared>> -> memref<10240x64xf32, #tpu.memory_space<vmem_shared>>
        tpu.wait_indirect_dma semaphore(%run_scoped3A : memref<!tpu.dma_semaphore, #tpu.memory_space<semaphore_mem>>) src(%arg8 : memref<128x64xf32, #tpu.memory_space<vmem>>) dst(%dma_wait3A_60 : memref<10240x64xf32, #tpu.memory_space<vmem_shared>>)
        tpu.yield
      }) : () -> ()
    }
    %scan3A_32 = arith.constant 40 : i32
    %barrier3A_33 = arith.constant 0 : index
    tpu.barrier barrier_id(%barrier3A_33)
    %mul3A_34 = arith.constant 640 : i32
    %mul3A_35 = arith.muli %arg1, %mul3A_34 : i32
    %mul3A_36 = arith.constant 640 : i32
    %mul3A_37 = arith.muli %arg1, %mul3A_36 : i32
    "tpu.region"() ({
      %run_scoped3A = tpu.sem_alloc : memref<!tpu.dma_semaphore, #tpu.memory_space<semaphore_mem>>
      %dma_start3A = arith.constant 0 : i32
      %dma_start3A_38 = tpu.memref_slice %arg5[%arg0, %mul3A_37, %dma_start3A] : memref<2x10240x64xf32, #tpu.memory_space<hbm>> -> memref<1x640x64xf32, #tpu.memory_space<hbm>>
      %dma_start3A_39 = tpu.memref_squeeze %dma_start3A_38 : memref<1x640x64xf32, #tpu.memory_space<hbm>> -> memref<640x64xf32, #tpu.memory_space<hbm>>
      %dma_start3A_40 = arith.constant 0 : i32
      %dma_start3A_41 = tpu.memref_slice %arg10[%mul3A_35, %dma_start3A_40] : memref<10240x64xf32, #tpu.memory_space<vmem_shared>> -> memref<640x64xf32, #tpu.memory_space<vmem_shared>>
      tpu.enqueue_dma source(%dma_start3A_41 : memref<640x64xf32, #tpu.memory_space<vmem_shared>>) target(%dma_start3A_39 : memref<640x64xf32, #tpu.memory_space<hbm>>) target_semaphore(%run_scoped3A : memref<!tpu.dma_semaphore, #tpu.memory_space<semaphore_mem>>)
      %dma_wait3A = arith.constant 0 : i32
      %dma_wait3A_42 = tpu.memref_slice %arg5[%arg0, %mul3A_37, %dma_wait3A] : memref<2x10240x64xf32, #tpu.memory_space<hbm>> -> memref<1x640x64xf32, #tpu.memory_space<hbm>>
      %dma_wait3A_43 = tpu.memref_squeeze %dma_wait3A_42 : memref<1x640x64xf32, #tpu.memory_space<hbm>> -> memref<640x64xf32, #tpu.memory_space<hbm>>
      %dma_wait3A_44 = arith.constant 0 : i32
      %dma_wait3A_45 = tpu.memref_slice %arg10[%mul3A_35, %dma_wait3A_44] : memref<10240x64xf32, #tpu.memory_space<vmem_shared>> -> memref<640x64xf32, #tpu.memory_space<vmem_shared>>
      tpu.wait_dma2 semaphore(%run_scoped3A : memref<!tpu.dma_semaphore, #tpu.memory_space<semaphore_mem>>) src(%dma_wait3A_45 : memref<640x64xf32, #tpu.memory_space<vmem_shared>>) dst(%dma_wait3A_43 : memref<640x64xf32, #tpu.memory_space<hbm>>)
      tpu.yield
    }) : () -> ()
    return
  }
}

module attributes {stable_mosaic.version = 14 : i64} {
  func.func @body(%arg0: i32, %arg1: memref<32x512xf32, #tpu.memory_space<vmem>>, %arg2: memref<32x512xf32, #tpu.memory_space<vmem>>, %arg3: memref<512x128xf32, #tpu.memory_space<vmem>>, %arg4: memref<512x1xf32, #tpu.memory_space<vmem>>, %arg5: memref<512x1xf32, #tpu.memory_space<vmem>>, %arg6: memref<512x128xf32, #tpu.memory_space<vmem>>) attributes {dimension_semantics = [#tpu.dimension_semantics<arbitrary>], iteration_bounds = array<i64: 20>, scalar_prefetch = 0 : i64, scratch_operands = 0 : i64, tpu.core_type = #tpu.core_type<tc>, window_params = [{transform_indices = @transform_0, window_bounds = array<i64: 32, 512>}, {transform_indices = @transform_1, window_bounds = array<i64: 32, 512>}, {transform_indices = @transform_2, window_bounds = array<i64: 512, 128>}, {transform_indices = @transform_3, window_bounds = array<i64: 512, 1>}, {transform_indices = @transform_4, window_bounds = array<i64: 512, 1>}, {transform_indices = @transform_5, window_bounds = array<i64: 512, 128>}]} {
    %get3A = arith.constant 0 : index
    %get3A_0 = arith.constant 0 : index
    %get3A_1 = vector.load %arg1[%get3A, %get3A_0] : memref<32x512xf32, #tpu.memory_space<vmem>>, vector<32x512xf32>
    %reduce_sum3A = arith.constant dense<0.000000e+00> : vector<512xf32>
    %reduce_sum3A_2 = vector.multi_reduction <add>, %get3A_1, %reduce_sum3A [0] : vector<32x512xf32> to vector<512xf32>
    %get3A_3 = arith.constant 0 : index
    %get3A_4 = arith.constant 0 : index
    %get3A_5 = vector.load %arg2[%get3A_3, %get3A_4] : memref<32x512xf32, #tpu.memory_space<vmem>>, vector<32x512xf32>
    %reduce_sum3A_6 = arith.constant dense<0.000000e+00> : vector<512xf32>
    %reduce_sum3A_7 = vector.multi_reduction <add>, %get3A_5, %reduce_sum3A_6 [0] : vector<32x512xf32> to vector<512xf32>
    %max3A = arith.constant 1.000000e+00 : f32
    %max3A_8 = vector.broadcast %max3A : f32 to vector<512xf32>
    %max3A_9 = arith.maximumf %reduce_sum3A_2, %max3A_8 : vector<512xf32>
    %rsqrt3A = math.rsqrt %max3A_9 : vector<512xf32>
    %broadcast_in_dim3A = vector.shape_cast %rsqrt3A : vector<512xf32> to vector<512x1xf32>
    %max3A_10 = arith.constant 1.000000e+00 : f32
    %max3A_11 = vector.broadcast %max3A_10 : f32 to vector<512xf32>
    %max3A_12 = arith.maximumf %reduce_sum3A_7, %max3A_11 : vector<512xf32>
    %rsqrt3A_13 = math.rsqrt %max3A_12 : vector<512xf32>
    %broadcast_in_dim3A_14 = vector.shape_cast %rsqrt3A_13 : vector<512xf32> to vector<512x1xf32>
    %swap3A = arith.constant 0 : index
    %swap3A_15 = arith.constant 0 : index
    %swap3A_16 = vector.load %arg4[%swap3A, %swap3A_15] : memref<512x1xf32, #tpu.memory_space<vmem>>, vector<512x1xf32>
    tpu.vector_store %arg4[%swap3A, %swap3A_15], %broadcast_in_dim3A {strides = array<i32>} : memref<512x1xf32, #tpu.memory_space<vmem>>, vector<512x1xf32>,
    %swap3A_17 = arith.constant 0 : index
    %swap3A_18 = arith.constant 0 : index
    %swap3A_19 = vector.load %arg5[%swap3A_17, %swap3A_18] : memref<512x1xf32, #tpu.memory_space<vmem>>, vector<512x1xf32>
    tpu.vector_store %arg5[%swap3A_17, %swap3A_18], %broadcast_in_dim3A_14 {strides = array<i32>} : memref<512x1xf32, #tpu.memory_space<vmem>>, vector<512x1xf32>,
    %mul3A = arith.constant 512 : i32
    %mul3A_20 = arith.muli %arg0, %mul3A : i32
    %iota3A = tpu.iota {dimensions = array<i32: 0>} : vector<512x1xi32>
    %add3A = vector.broadcast %mul3A_20 : i32 to vector<512x1xi32>
    %add3A_21 = arith.addi %add3A, %iota3A : vector<512x1xi32>
    %lt3A = arith.constant 10000 : i32
    %lt3A_22 = vector.broadcast %lt3A : i32 to vector<512x1xi32>
    %lt3A_23 = arith.cmpi slt, %add3A_21, %lt3A_22 : vector<512x1xi32>
    %get3A_24 = arith.constant 0 : index
    %get3A_25 = arith.constant 0 : index
    %get3A_26 = vector.load %arg3[%get3A_24, %get3A_25] : memref<512x128xf32, #tpu.memory_space<vmem>>, vector<512x128xf32>
    %mul3A_27 = vector.broadcast %broadcast_in_dim3A : vector<512x1xf32> to vector<512x128xf32>
    %mul3A_28 = arith.mulf %get3A_26, %mul3A_27 : vector<512x128xf32>
    %jit3A = arith.constant 0.000000e+00 : f32
    %broadcast_in_dim3A_29 = vector.shape_cast %lt3A_23 : vector<512x1xi1> to vector<512x1xi1>
    %broadcast_in_dim3A_30 = vector.broadcast %broadcast_in_dim3A_29 : vector<512x1xi1> to vector<512x128xi1>
    %broadcast_in_dim3A_31 = vector.broadcast %jit3A : f32 to vector<512x128xf32>
    %select_n3A = arith.select %broadcast_in_dim3A_30, %mul3A_28, %broadcast_in_dim3A_31 : vector<512x128xi1>, vector<512x128xf32>
    %swap3A_32 = arith.constant 0 : index
    %swap3A_33 = arith.constant 0 : index
    %swap3A_34 = vector.load %arg6[%swap3A_32, %swap3A_33] : memref<512x128xf32, #tpu.memory_space<vmem>>, vector<512x128xf32>
    tpu.vector_store %arg6[%swap3A_32, %swap3A_33], %select_n3A {strides = array<i32>} : memref<512x128xf32, #tpu.memory_space<vmem>>, vector<512x128xf32>,
    return
  }
  func.func @transform_0(%arg0: i32) -> (i32, i32) {
    %c0_i32 = arith.constant 0 : i32
    %c0_i32_0 = arith.constant 0 : i32
    return %c0_i32, %arg0 : i32, i32
  }
  func.func @transform_1(%arg0: i32) -> (i32, i32) {
    %c0_i32 = arith.constant 0 : i32
    %c0_i32_0 = arith.constant 0 : i32
    return %c0_i32, %arg0 : i32, i32
  }
  func.func @transform_2(%arg0: i32) -> (i32, i32) {
    %c0_i32 = arith.constant 0 : i32
    %c0_i32_0 = arith.constant 0 : i32
    return %arg0, %c0_i32 : i32, i32
  }
  func.func @transform_3(%arg0: i32) -> (i32, i32) {
    %c0_i32 = arith.constant 0 : i32
    %c0_i32_0 = arith.constant 0 : i32
    return %arg0, %c0_i32 : i32, i32
  }
  func.func @transform_4(%arg0: i32) -> (i32, i32) {
    %c0_i32 = arith.constant 0 : i32
    %c0_i32_0 = arith.constant 0 : i32
    return %arg0, %c0_i32 : i32, i32
  }
  func.func @transform_5(%arg0: i32) -> (i32, i32) {
    %c0_i32 = arith.constant 0 : i32
    %c0_i32_0 = arith.constant 0 : i32
    return %arg0, %c0_i32 : i32, i32
  }
}

module attributes {stable_mosaic.version = 14 : i64} {
  func.func @body(%arg0: i32, %arg1: memref<2x512x128xf32, #tpu.memory_space<vmem>>, %arg2: memref<512x1xf32, #tpu.memory_space<vmem>>, %arg3: memref<512x1xf32, #tpu.memory_space<vmem>>, %arg4: memref<128x64xf32, #tpu.memory_space<vmem>>, %arg5: memref<1x64xf32, #tpu.memory_space<vmem>>, %arg6: memref<512x64xf32, #tpu.memory_space<vmem>>) attributes {dimension_semantics = [#tpu.dimension_semantics<arbitrary>], iteration_bounds = array<i64: 20>, scalar_prefetch = 0 : i64, scratch_operands = 0 : i64, tpu.core_type = #tpu.core_type<tc>, window_params = [{transform_indices = @transform_0, window_bounds = array<i64: 2, 512, 128>}, {transform_indices = @transform_1, window_bounds = array<i64: 512, 1>}, {transform_indices = @transform_2, window_bounds = array<i64: 512, 1>}, {pipeline_mode = #tpu.pipeline_mode<synchronous>, transform_indices = @transform_3, window_bounds = array<i64: 128, 64>}, {pipeline_mode = #tpu.pipeline_mode<synchronous>, transform_indices = @transform_4, window_bounds = array<i64: 1, 64>}, {transform_indices = @transform_5, window_bounds = array<i64: 512, 64>}]} {
    %get3A = arith.constant 0 : index
    %get3A_0 = arith.constant 0 : index
    %get3A_1 = arith.constant 0 : index
    %get3A_2 = vector.load %arg1[%get3A, %get3A_0, %get3A_1] : memref<2x512x128xf32, #tpu.memory_space<vmem>>, vector<1x512x128xf32>
    %get3A_3 = vector.shape_cast %get3A_2 : vector<1x512x128xf32> to vector<512x128xf32>
    %get3A_4 = arith.constant 1 : index
    %get3A_5 = arith.constant 0 : index
    %get3A_6 = arith.constant 0 : index
    %get3A_7 = vector.load %arg1[%get3A_4, %get3A_5, %get3A_6] : memref<2x512x128xf32, #tpu.memory_space<vmem>>, vector<1x512x128xf32>
    %get3A_8 = vector.shape_cast %get3A_7 : vector<1x512x128xf32> to vector<512x128xf32>
    %add3A = arith.addf %get3A_3, %get3A_8 : vector<512x128xf32>
    %get3A_9 = arith.constant 0 : index
    %get3A_10 = arith.constant 0 : index
    %get3A_11 = vector.load %arg2[%get3A_9, %get3A_10] : memref<512x1xf32, #tpu.memory_space<vmem>>, vector<512x1xf32>
    %mul3A = vector.broadcast %get3A_11 : vector<512x1xf32> to vector<512x128xf32>
    %mul3A_12 = arith.mulf %add3A, %mul3A : vector<512x128xf32>
    %get3A_13 = arith.constant 0 : index
    %get3A_14 = arith.constant 0 : index
    %get3A_15 = vector.load %arg4[%get3A_13, %get3A_14] : memref<128x64xf32, #tpu.memory_space<vmem>>, vector<128x64xf32>
    %dot_general3A = arith.constant dense<0.000000e+00> : vector<512x64xf32>
    %dot_general3A_16 = tpu.matmul %mul3A_12, %get3A_15, %dot_general3A {dimension_numbers = #tpu.dot_dimension_numbers<[1], [0], [0], [1], [0, 0, 1, 1], [], []>, transpose_lhs_hint = false} : vector<512x128xf32>, vector<128x64xf32>, vector<512x64xf32> -> vector<512x64xf32>
    %get3A_17 = arith.constant 0 : index
    %get3A_18 = arith.constant 0 : index
    %get3A_19 = vector.load %arg5[%get3A_17, %get3A_18] : memref<1x64xf32, #tpu.memory_space<vmem>>, vector<1x64xf32>
    %add3A_20 = vector.broadcast %get3A_19 : vector<1x64xf32> to vector<512x64xf32>
    %add3A_21 = arith.addf %dot_general3A_16, %add3A_20 : vector<512x64xf32>
    %max3A = arith.constant 0.000000e+00 : f32
    %max3A_22 = vector.broadcast %max3A : f32 to vector<512x64xf32>
    %max3A_23 = arith.maximumf %add3A_21, %max3A_22 : vector<512x64xf32>
    %get3A_24 = arith.constant 0 : index
    %get3A_25 = arith.constant 0 : index
    %get3A_26 = vector.load %arg3[%get3A_24, %get3A_25] : memref<512x1xf32, #tpu.memory_space<vmem>>, vector<512x1xf32>
    %mul3A_27 = vector.broadcast %get3A_26 : vector<512x1xf32> to vector<512x64xf32>
    %mul3A_28 = arith.mulf %max3A_23, %mul3A_27 : vector<512x64xf32>
    %swap3A = arith.constant 0 : index
    %swap3A_29 = arith.constant 0 : index
    %swap3A_30 = vector.load %arg6[%swap3A, %swap3A_29] : memref<512x64xf32, #tpu.memory_space<vmem>>, vector<512x64xf32>
    tpu.vector_store %arg6[%swap3A, %swap3A_29], %mul3A_28 {strides = array<i32>} : memref<512x64xf32, #tpu.memory_space<vmem>>, vector<512x64xf32>,
    return
  }
  func.func @transform_0(%arg0: i32) -> (i32, i32, i32) {
    %c0_i32 = arith.constant 0 : i32
    %c0_i32_0 = arith.constant 0 : i32
    %c0_i32_1 = arith.constant 0 : i32
    return %c0_i32, %arg0, %c0_i32_0 : i32, i32, i32
  }
  func.func @transform_1(%arg0: i32) -> (i32, i32) {
    %c0_i32 = arith.constant 0 : i32
    %c0_i32_0 = arith.constant 0 : i32
    return %arg0, %c0_i32 : i32, i32
  }
  func.func @transform_2(%arg0: i32) -> (i32, i32) {
    %c0_i32 = arith.constant 0 : i32
    %c0_i32_0 = arith.constant 0 : i32
    return %arg0, %c0_i32 : i32, i32
  }
  func.func @transform_3(%arg0: i32) -> (i32, i32) {
    %c0_i32 = arith.constant 0 : i32
    %c0_i32_0 = arith.constant 0 : i32
    %c0_i32_1 = arith.constant 0 : i32
    return %c0_i32, %c0_i32_0 : i32, i32
  }
  func.func @transform_4(%arg0: i32) -> (i32, i32) {
    %c0_i32 = arith.constant 0 : i32
    %c0_i32_0 = arith.constant 0 : i32
    %c0_i32_1 = arith.constant 0 : i32
    return %c0_i32, %c0_i32_0 : i32, i32
  }
  func.func @transform_5(%arg0: i32) -> (i32, i32) {
    %c0_i32 = arith.constant 0 : i32
    %c0_i32_0 = arith.constant 0 : i32
    return %arg0, %c0_i32 : i32, i32
  }
}

module attributes {stable_mosaic.version = 14 : i64} {
  func.func @body(%arg0: i32, %arg1: memref<2x512x64xf32, #tpu.memory_space<vmem>>, %arg2: memref<512x1xf32, #tpu.memory_space<vmem>>, %arg3: memref<512x1xf32, #tpu.memory_space<vmem>>, %arg4: memref<64x64xf32, #tpu.memory_space<vmem>>, %arg5: memref<64x64xf32, #tpu.memory_space<vmem>>, %arg6: memref<1x64xf32, #tpu.memory_space<vmem>>, %arg7: memref<1x64xf32, #tpu.memory_space<vmem>>, %arg8: memref<512x64xf32, #tpu.memory_space<vmem>>, %arg9: memref<512x64xf32, #tpu.memory_space<vmem>>) attributes {dimension_semantics = [#tpu.dimension_semantics<arbitrary>], iteration_bounds = array<i64: 20>, scalar_prefetch = 0 : i64, scratch_operands = 0 : i64, tpu.core_type = #tpu.core_type<tc>, window_params = [{transform_indices = @transform_0, window_bounds = array<i64: 2, 512, 64>}, {transform_indices = @transform_1, window_bounds = array<i64: 512, 1>}, {transform_indices = @transform_2, window_bounds = array<i64: 512, 1>}, {pipeline_mode = #tpu.pipeline_mode<synchronous>, transform_indices = @transform_3, window_bounds = array<i64: 64, 64>}, {pipeline_mode = #tpu.pipeline_mode<synchronous>, transform_indices = @transform_4, window_bounds = array<i64: 64, 64>}, {pipeline_mode = #tpu.pipeline_mode<synchronous>, transform_indices = @transform_5, window_bounds = array<i64: 1, 64>}, {pipeline_mode = #tpu.pipeline_mode<synchronous>, transform_indices = @transform_6, window_bounds = array<i64: 1, 64>}, {transform_indices = @transform_7, window_bounds = array<i64: 512, 64>}, {transform_indices = @transform_8, window_bounds = array<i64: 512, 64>}]} {
    %get3A = arith.constant 0 : index
    %get3A_0 = arith.constant 0 : index
    %get3A_1 = arith.constant 0 : index
    %get3A_2 = vector.load %arg1[%get3A, %get3A_0, %get3A_1] : memref<2x512x64xf32, #tpu.memory_space<vmem>>, vector<1x512x64xf32>
    %get3A_3 = vector.shape_cast %get3A_2 : vector<1x512x64xf32> to vector<512x64xf32>
    %get3A_4 = arith.constant 1 : index
    %get3A_5 = arith.constant 0 : index
    %get3A_6 = arith.constant 0 : index
    %get3A_7 = vector.load %arg1[%get3A_4, %get3A_5, %get3A_6] : memref<2x512x64xf32, #tpu.memory_space<vmem>>, vector<1x512x64xf32>
    %get3A_8 = vector.shape_cast %get3A_7 : vector<1x512x64xf32> to vector<512x64xf32>
    %add3A = arith.addf %get3A_3, %get3A_8 : vector<512x64xf32>
    %get3A_9 = arith.constant 0 : index
    %get3A_10 = arith.constant 0 : index
    %get3A_11 = vector.load %arg2[%get3A_9, %get3A_10] : memref<512x1xf32, #tpu.memory_space<vmem>>, vector<512x1xf32>
    %mul3A = vector.broadcast %get3A_11 : vector<512x1xf32> to vector<512x64xf32>
    %mul3A_12 = arith.mulf %add3A, %mul3A : vector<512x64xf32>
    %get3A_13 = arith.constant 0 : index
    %get3A_14 = arith.constant 0 : index
    %get3A_15 = vector.load %arg4[%get3A_13, %get3A_14] : memref<64x64xf32, #tpu.memory_space<vmem>>, vector<64x64xf32>
    %dot_general3A = arith.constant dense<0.000000e+00> : vector<512x64xf32>
    %dot_general3A_16 = tpu.matmul %mul3A_12, %get3A_15, %dot_general3A {dimension_numbers = #tpu.dot_dimension_numbers<[1], [0], [0], [1], [0, 0, 1, 1], [], []>, transpose_lhs_hint = false} : vector<512x64xf32>, vector<64x64xf32>, vector<512x64xf32> -> vector<512x64xf32>
    %get3A_17 = arith.constant 0 : index
    %get3A_18 = arith.constant 0 : index
    %get3A_19 = vector.load %arg6[%get3A_17, %get3A_18] : memref<1x64xf32, #tpu.memory_space<vmem>>, vector<1x64xf32>
    %add3A_20 = vector.broadcast %get3A_19 : vector<1x64xf32> to vector<512x64xf32>
    %add3A_21 = arith.addf %dot_general3A_16, %add3A_20 : vector<512x64xf32>
    %max3A = arith.constant 0.000000e+00 : f32
    %max3A_22 = vector.broadcast %max3A : f32 to vector<512x64xf32>
    %max3A_23 = arith.maximumf %add3A_21, %max3A_22 : vector<512x64xf32>
    %get3A_24 = arith.constant 0 : index
    %get3A_25 = arith.constant 0 : index
    %get3A_26 = vector.load %arg3[%get3A_24, %get3A_25] : memref<512x1xf32, #tpu.memory_space<vmem>>, vector<512x1xf32>
    %mul3A_27 = vector.broadcast %get3A_26 : vector<512x1xf32> to vector<512x64xf32>
    %mul3A_28 = arith.mulf %max3A_23, %mul3A_27 : vector<512x64xf32>
    %swap3A = arith.constant 0 : index
    %swap3A_29 = arith.constant 0 : index
    %swap3A_30 = vector.load %arg8[%swap3A, %swap3A_29] : memref<512x64xf32, #tpu.memory_space<vmem>>, vector<512x64xf32>
    tpu.vector_store %arg8[%swap3A, %swap3A_29], %mul3A_28 {strides = array<i32>} : memref<512x64xf32, #tpu.memory_space<vmem>>, vector<512x64xf32>,
    %get3A_31 = arith.constant 0 : index
    %get3A_32 = arith.constant 0 : index
    %get3A_33 = vector.load %arg5[%get3A_31, %get3A_32] : memref<64x64xf32, #tpu.memory_space<vmem>>, vector<64x64xf32>
    %dot_general3A_34 = arith.constant dense<0.000000e+00> : vector<512x64xf32>
    %dot_general3A_35 = tpu.matmul %mul3A_12, %get3A_33, %dot_general3A_34 {dimension_numbers = #tpu.dot_dimension_numbers<[1], [0], [0], [1], [0, 0, 1, 1], [], []>, transpose_lhs_hint = false} : vector<512x64xf32>, vector<64x64xf32>, vector<512x64xf32> -> vector<512x64xf32>
    %get3A_36 = arith.constant 0 : index
    %get3A_37 = arith.constant 0 : index
    %get3A_38 = vector.load %arg7[%get3A_36, %get3A_37] : memref<1x64xf32, #tpu.memory_space<vmem>>, vector<1x64xf32>
    %add3A_39 = vector.broadcast %get3A_38 : vector<1x64xf32> to vector<512x64xf32>
    %add3A_40 = arith.addf %dot_general3A_35, %add3A_39 : vector<512x64xf32>
    %max3A_41 = arith.constant 0.000000e+00 : f32
    %max3A_42 = vector.broadcast %max3A_41 : f32 to vector<512x64xf32>
    %max3A_43 = arith.maximumf %add3A_40, %max3A_42 : vector<512x64xf32>
    %swap3A_44 = arith.constant 0 : index
    %swap3A_45 = arith.constant 0 : index
    %swap3A_46 = vector.load %arg9[%swap3A_44, %swap3A_45] : memref<512x64xf32, #tpu.memory_space<vmem>>, vector<512x64xf32>
    tpu.vector_store %arg9[%swap3A_44, %swap3A_45], %max3A_43 {strides = array<i32>} : memref<512x64xf32, #tpu.memory_space<vmem>>, vector<512x64xf32>,
    return
  }
  func.func @transform_0(%arg0: i32) -> (i32, i32, i32) {
    %c0_i32 = arith.constant 0 : i32
    %c0_i32_0 = arith.constant 0 : i32
    %c0_i32_1 = arith.constant 0 : i32
    return %c0_i32, %arg0, %c0_i32_0 : i32, i32, i32
  }
  func.func @transform_1(%arg0: i32) -> (i32, i32) {
    %c0_i32 = arith.constant 0 : i32
    %c0_i32_0 = arith.constant 0 : i32
    return %arg0, %c0_i32 : i32, i32
  }
  func.func @transform_2(%arg0: i32) -> (i32, i32) {
    %c0_i32 = arith.constant 0 : i32
    %c0_i32_0 = arith.constant 0 : i32
    return %arg0, %c0_i32 : i32, i32
  }
  func.func @transform_3(%arg0: i32) -> (i32, i32) {
    %c0_i32 = arith.constant 0 : i32
    %c0_i32_0 = arith.constant 0 : i32
    %c0_i32_1 = arith.constant 0 : i32
    return %c0_i32, %c0_i32_0 : i32, i32
  }
  func.func @transform_4(%arg0: i32) -> (i32, i32) {
    %c0_i32 = arith.constant 0 : i32
    %c0_i32_0 = arith.constant 0 : i32
    %c0_i32_1 = arith.constant 0 : i32
    return %c0_i32, %c0_i32_0 : i32, i32
  }
  func.func @transform_5(%arg0: i32) -> (i32, i32) {
    %c0_i32 = arith.constant 0 : i32
    %c0_i32_0 = arith.constant 0 : i32
    %c0_i32_1 = arith.constant 0 : i32
    return %c0_i32, %c0_i32_0 : i32, i32
  }
  func.func @transform_6(%arg0: i32) -> (i32, i32) {
    %c0_i32 = arith.constant 0 : i32
    %c0_i32_0 = arith.constant 0 : i32
    %c0_i32_1 = arith.constant 0 : i32
    return %c0_i32, %c0_i32_0 : i32, i32
  }
  func.func @transform_7(%arg0: i32) -> (i32, i32) {
    %c0_i32 = arith.constant 0 : i32
    %c0_i32_0 = arith.constant 0 : i32
    return %arg0, %c0_i32 : i32, i32
  }
  func.func @transform_8(%arg0: i32) -> (i32, i32) {
    %c0_i32 = arith.constant 0 : i32
    %c0_i32_0 = arith.constant 0 : i32
    return %arg0, %c0_i32 : i32, i32
  }
}

module attributes {stable_mosaic.version = 14 : i64} {
  func.func @body(%arg0: i32, %arg1: memref<2x512x64xf32, #tpu.memory_space<vmem>>, %arg2: memref<512x1xf32, #tpu.memory_space<vmem>>, %arg3: memref<512x1xf32, #tpu.memory_space<vmem>>, %arg4: memref<64x64xf32, #tpu.memory_space<vmem>>, %arg5: memref<1x64xf32, #tpu.memory_space<vmem>>, %arg6: memref<512x64xf32, #tpu.memory_space<vmem>>) attributes {dimension_semantics = [#tpu.dimension_semantics<arbitrary>], iteration_bounds = array<i64: 20>, scalar_prefetch = 0 : i64, scratch_operands = 0 : i64, tpu.core_type = #tpu.core_type<tc>, window_params = [{transform_indices = @transform_0, window_bounds = array<i64: 2, 512, 64>}, {transform_indices = @transform_1, window_bounds = array<i64: 512, 1>}, {transform_indices = @transform_2, window_bounds = array<i64: 512, 1>}, {pipeline_mode = #tpu.pipeline_mode<synchronous>, transform_indices = @transform_3, window_bounds = array<i64: 64, 64>}, {pipeline_mode = #tpu.pipeline_mode<synchronous>, transform_indices = @transform_4, window_bounds = array<i64: 1, 64>}, {transform_indices = @transform_5, window_bounds = array<i64: 512, 64>}]} {
    %get3A = arith.constant 0 : index
    %get3A_0 = arith.constant 0 : index
    %get3A_1 = arith.constant 0 : index
    %get3A_2 = vector.load %arg1[%get3A, %get3A_0, %get3A_1] : memref<2x512x64xf32, #tpu.memory_space<vmem>>, vector<1x512x64xf32>
    %get3A_3 = vector.shape_cast %get3A_2 : vector<1x512x64xf32> to vector<512x64xf32>
    %get3A_4 = arith.constant 1 : index
    %get3A_5 = arith.constant 0 : index
    %get3A_6 = arith.constant 0 : index
    %get3A_7 = vector.load %arg1[%get3A_4, %get3A_5, %get3A_6] : memref<2x512x64xf32, #tpu.memory_space<vmem>>, vector<1x512x64xf32>
    %get3A_8 = vector.shape_cast %get3A_7 : vector<1x512x64xf32> to vector<512x64xf32>
    %add3A = arith.addf %get3A_3, %get3A_8 : vector<512x64xf32>
    %get3A_9 = arith.constant 0 : index
    %get3A_10 = arith.constant 0 : index
    %get3A_11 = vector.load %arg2[%get3A_9, %get3A_10] : memref<512x1xf32, #tpu.memory_space<vmem>>, vector<512x1xf32>
    %mul3A = vector.broadcast %get3A_11 : vector<512x1xf32> to vector<512x64xf32>
    %mul3A_12 = arith.mulf %add3A, %mul3A : vector<512x64xf32>
    %get3A_13 = arith.constant 0 : index
    %get3A_14 = arith.constant 0 : index
    %get3A_15 = vector.load %arg4[%get3A_13, %get3A_14] : memref<64x64xf32, #tpu.memory_space<vmem>>, vector<64x64xf32>
    %dot_general3A = arith.constant dense<0.000000e+00> : vector<512x64xf32>
    %dot_general3A_16 = tpu.matmul %mul3A_12, %get3A_15, %dot_general3A {dimension_numbers = #tpu.dot_dimension_numbers<[1], [0], [0], [1], [0, 0, 1, 1], [], []>, transpose_lhs_hint = false} : vector<512x64xf32>, vector<64x64xf32>, vector<512x64xf32> -> vector<512x64xf32>
    %get3A_17 = arith.constant 0 : index
    %get3A_18 = arith.constant 0 : index
    %get3A_19 = vector.load %arg5[%get3A_17, %get3A_18] : memref<1x64xf32, #tpu.memory_space<vmem>>, vector<1x64xf32>
    %add3A_20 = vector.broadcast %get3A_19 : vector<1x64xf32> to vector<512x64xf32>
    %add3A_21 = arith.addf %dot_general3A_16, %add3A_20 : vector<512x64xf32>
    %max3A = arith.constant 0.000000e+00 : f32
    %max3A_22 = vector.broadcast %max3A : f32 to vector<512x64xf32>
    %max3A_23 = arith.maximumf %add3A_21, %max3A_22 : vector<512x64xf32>
    %get3A_24 = arith.constant 0 : index
    %get3A_25 = arith.constant 0 : index
    %get3A_26 = vector.load %arg3[%get3A_24, %get3A_25] : memref<512x1xf32, #tpu.memory_space<vmem>>, vector<512x1xf32>
    %mul3A_27 = vector.broadcast %get3A_26 : vector<512x1xf32> to vector<512x64xf32>
    %mul3A_28 = arith.mulf %max3A_23, %mul3A_27 : vector<512x64xf32>
    %swap3A = arith.constant 0 : index
    %swap3A_29 = arith.constant 0 : index
    %swap3A_30 = vector.load %arg6[%swap3A, %swap3A_29] : memref<512x64xf32, #tpu.memory_space<vmem>>, vector<512x64xf32>
    tpu.vector_store %arg6[%swap3A, %swap3A_29], %mul3A_28 {strides = array<i32>} : memref<512x64xf32, #tpu.memory_space<vmem>>, vector<512x64xf32>,
    return
  }
  func.func @transform_0(%arg0: i32) -> (i32, i32, i32) {
    %c0_i32 = arith.constant 0 : i32
    %c0_i32_0 = arith.constant 0 : i32
    %c0_i32_1 = arith.constant 0 : i32
    return %c0_i32, %arg0, %c0_i32_0 : i32, i32, i32
  }
  func.func @transform_1(%arg0: i32) -> (i32, i32) {
    %c0_i32 = arith.constant 0 : i32
    %c0_i32_0 = arith.constant 0 : i32
    return %arg0, %c0_i32 : i32, i32
  }
  func.func @transform_2(%arg0: i32) -> (i32, i32) {
    %c0_i32 = arith.constant 0 : i32
    %c0_i32_0 = arith.constant 0 : i32
    return %arg0, %c0_i32 : i32, i32
  }
  func.func @transform_3(%arg0: i32) -> (i32, i32) {
    %c0_i32 = arith.constant 0 : i32
    %c0_i32_0 = arith.constant 0 : i32
    %c0_i32_1 = arith.constant 0 : i32
    return %c0_i32, %c0_i32_0 : i32, i32
  }
  func.func @transform_4(%arg0: i32) -> (i32, i32) {
    %c0_i32 = arith.constant 0 : i32
    %c0_i32_0 = arith.constant 0 : i32
    %c0_i32_1 = arith.constant 0 : i32
    return %c0_i32, %c0_i32_0 : i32, i32
  }
  func.func @transform_5(%arg0: i32) -> (i32, i32) {
    %c0_i32 = arith.constant 0 : i32
    %c0_i32_0 = arith.constant 0 : i32
    return %arg0, %c0_i32 : i32, i32
  }
}

module attributes {stable_mosaic.version = 14 : i64} {
  func.func @body(%arg0: i32, %arg1: i32, %arg2: memref<256x64xf32, #tpu.memory_space<vmem>>, %arg3: memref<2048x64xf32, #tpu.memory_space<vmem>>, %arg4: memref<256x2048xf32, #tpu.memory_space<vmem>>) attributes {dimension_semantics = [#tpu.dimension_semantics<arbitrary>, #tpu.dimension_semantics<arbitrary>], iteration_bounds = array<i64: 5, 40>, scalar_prefetch = 0 : i64, scratch_operands = 0 : i64, tpu.core_type = #tpu.core_type<tc>, window_params = [{transform_indices = @transform_0, window_bounds = array<i64: 256, 64>}, {transform_indices = @transform_1, window_bounds = array<i64: 2048, 64>}, {transform_indices = @transform_2, window_bounds = array<i64: 256, 2048>}]} {
    %get3A = arith.constant 0 : index
    %get3A_0 = arith.constant 0 : index
    %get3A_1 = vector.load %arg2[%get3A, %get3A_0] : memref<256x64xf32, #tpu.memory_space<vmem>>, vector<256x64xf32>
    %get3A_2 = arith.constant 0 : index
    %get3A_3 = arith.constant 0 : index
    %get3A_4 = vector.load %arg3[%get3A_2, %get3A_3] : memref<2048x64xf32, #tpu.memory_space<vmem>>, vector<2048x64xf32>
    %dot_general3A = arith.constant dense<0.000000e+00> : vector<256x2048xf32>
    %dot_general3A_5 = tpu.matmul %get3A_1, %get3A_4, %dot_general3A {dimension_numbers = #tpu.dot_dimension_numbers<[1], [1], [0], [0], [0, 0, 1, 0], [], []>, transpose_lhs_hint = false} : vector<256x64xf32>, vector<2048x64xf32>, vector<256x2048xf32> -> vector<256x2048xf32>
    %swap3A = arith.constant 0 : index
    %swap3A_6 = arith.constant 0 : index
    %swap3A_7 = vector.load %arg4[%swap3A, %swap3A_6] : memref<256x2048xf32, #tpu.memory_space<vmem>>, vector<256x2048xf32>
    tpu.vector_store %arg4[%swap3A, %swap3A_6], %dot_general3A_5 {strides = array<i32>} : memref<256x2048xf32, #tpu.memory_space<vmem>>, vector<256x2048xf32>,
    return
  }
  func.func @transform_0(%arg0: i32, %arg1: i32) -> (i32, i32) {
    %c0_i32 = arith.constant 0 : i32
    %c0_i32_0 = arith.constant 0 : i32
    return %arg1, %c0_i32 : i32, i32
  }
  func.func @transform_1(%arg0: i32, %arg1: i32) -> (i32, i32) {
    %c0_i32 = arith.constant 0 : i32
    %c0_i32_0 = arith.constant 0 : i32
    return %arg0, %c0_i32 : i32, i32
  }
  func.func @transform_2(%arg0: i32, %arg1: i32) -> (i32, i32) {
    %c0_i32 = arith.constant 0 : i32
    return %arg1, %arg0 : i32, i32
  }
}

module attributes {stable_mosaic.version = 14 : i64} {
  func.func @body(%arg0: i32, %arg1: memref<2x512x64xf32, #tpu.memory_space<vmem>>, %arg2: memref<512x1xf32, #tpu.memory_space<vmem>>, %arg3: memref<64x128xf32, #tpu.memory_space<vmem>>, %arg4: memref<1x128xf32, #tpu.memory_space<vmem>>, %arg5: memref<512x128xf32, #tpu.memory_space<vmem>>) attributes {dimension_semantics = [#tpu.dimension_semantics<arbitrary>], iteration_bounds = array<i64: 20>, scalar_prefetch = 0 : i64, scratch_operands = 0 : i64, tpu.core_type = #tpu.core_type<tc>, window_params = [{transform_indices = @transform_0, window_bounds = array<i64: 2, 512, 64>}, {transform_indices = @transform_1, window_bounds = array<i64: 512, 1>}, {pipeline_mode = #tpu.pipeline_mode<synchronous>, transform_indices = @transform_2, window_bounds = array<i64: 64, 128>}, {pipeline_mode = #tpu.pipeline_mode<synchronous>, transform_indices = @transform_3, window_bounds = array<i64: 1, 128>}, {transform_indices = @transform_4, window_bounds = array<i64: 512, 128>}]} {
    %get3A = arith.constant 0 : index
    %get3A_0 = arith.constant 0 : index
    %get3A_1 = arith.constant 0 : index
    %get3A_2 = vector.load %arg1[%get3A, %get3A_0, %get3A_1] : memref<2x512x64xf32, #tpu.memory_space<vmem>>, vector<1x512x64xf32>
    %get3A_3 = vector.shape_cast %get3A_2 : vector<1x512x64xf32> to vector<512x64xf32>
    %get3A_4 = arith.constant 1 : index
    %get3A_5 = arith.constant 0 : index
    %get3A_6 = arith.constant 0 : index
    %get3A_7 = vector.load %arg1[%get3A_4, %get3A_5, %get3A_6] : memref<2x512x64xf32, #tpu.memory_space<vmem>>, vector<1x512x64xf32>
    %get3A_8 = vector.shape_cast %get3A_7 : vector<1x512x64xf32> to vector<512x64xf32>
    %add3A = arith.addf %get3A_3, %get3A_8 : vector<512x64xf32>
    %get3A_9 = arith.constant 0 : index
    %get3A_10 = arith.constant 0 : index
    %get3A_11 = vector.load %arg2[%get3A_9, %get3A_10] : memref<512x1xf32, #tpu.memory_space<vmem>>, vector<512x1xf32>
    %mul3A = vector.broadcast %get3A_11 : vector<512x1xf32> to vector<512x64xf32>
    %mul3A_12 = arith.mulf %add3A, %mul3A : vector<512x64xf32>
    %get3A_13 = arith.constant 0 : index
    %get3A_14 = arith.constant 0 : index
    %get3A_15 = vector.load %arg3[%get3A_13, %get3A_14] : memref<64x128xf32, #tpu.memory_space<vmem>>, vector<64x128xf32>
    %dot_general3A = arith.constant dense<0.000000e+00> : vector<512x128xf32>
    %dot_general3A_16 = tpu.matmul %mul3A_12, %get3A_15, %dot_general3A {dimension_numbers = #tpu.dot_dimension_numbers<[1], [0], [0], [1], [0, 0, 1, 1], [], []>, transpose_lhs_hint = false} : vector<512x64xf32>, vector<64x128xf32>, vector<512x128xf32> -> vector<512x128xf32>
    %get3A_17 = arith.constant 0 : index
    %get3A_18 = arith.constant 0 : index
    %get3A_19 = vector.load %arg4[%get3A_17, %get3A_18] : memref<1x128xf32, #tpu.memory_space<vmem>>, vector<1x128xf32>
    %add3A_20 = vector.broadcast %get3A_19 : vector<1x128xf32> to vector<512x128xf32>
    %add3A_21 = arith.addf %dot_general3A_16, %add3A_20 : vector<512x128xf32>
    %max3A = arith.constant 0.000000e+00 : f32
    %max3A_22 = vector.broadcast %max3A : f32 to vector<512x128xf32>
    %max3A_23 = arith.maximumf %add3A_21, %max3A_22 : vector<512x128xf32>
    %swap3A = arith.constant 0 : index
    %swap3A_24 = arith.constant 0 : index
    %swap3A_25 = vector.load %arg5[%swap3A, %swap3A_24] : memref<512x128xf32, #tpu.memory_space<vmem>>, vector<512x128xf32>
    tpu.vector_store %arg5[%swap3A, %swap3A_24], %max3A_23 {strides = array<i32>} : memref<512x128xf32, #tpu.memory_space<vmem>>, vector<512x128xf32>,
    return
  }
  func.func @transform_0(%arg0: i32) -> (i32, i32, i32) {
    %c0_i32 = arith.constant 0 : i32
    %c0_i32_0 = arith.constant 0 : i32
    %c0_i32_1 = arith.constant 0 : i32
    return %c0_i32, %arg0, %c0_i32_0 : i32, i32, i32
  }
  func.func @transform_1(%arg0: i32) -> (i32, i32) {
    %c0_i32 = arith.constant 0 : i32
    %c0_i32_0 = arith.constant 0 : i32
    return %arg0, %c0_i32 : i32, i32
  }
  func.func @transform_2(%arg0: i32) -> (i32, i32) {
    %c0_i32 = arith.constant 0 : i32
    %c0_i32_0 = arith.constant 0 : i32
    %c0_i32_1 = arith.constant 0 : i32
    return %c0_i32, %c0_i32_0 : i32, i32
  }
  func.func @transform_3(%arg0: i32) -> (i32, i32) {
    %c0_i32 = arith.constant 0 : i32
    %c0_i32_0 = arith.constant 0 : i32
    %c0_i32_1 = arith.constant 0 : i32
    return %c0_i32, %c0_i32_0 : i32, i32
  }
  func.func @transform_4(%arg0: i32) -> (i32, i32) {
    %c0_i32 = arith.constant 0 : i32
    %c0_i32_0 = arith.constant 0 : i32
    return %arg0, %c0_i32 : i32, i32
  }
}

</mosaic_0001>

<sc_bundles>
// kernel: kernel.13.cloned.1.call-start
scs
__scs_entry_jumppad:
0x0: {  	(pc) =	sbr.rel $0x88, $3  }
0x1: {  	(tag) =	ssettag $0x0;
	lr =	simm.s32 $0x1  }
0x2: {  	[smem:$0x3F95] =	sst lr;
	_ =	strace $0xD0000000  }
0x3: {  	_ = 	snop  }
0x4: {  	_ = 	snop  }
0x5: {  	_ = 	snop  }
0x6: {  	_ = 	snop  }
0x7: {  	_ = 	snop  }
__scs_overlays_trampoline_lowered:
0x8: {  	[smem:$0x3FA4] =	sst s0  }
0x9: {  	[smem:$0x3FA5] =	sst s1  }
0xa: {  	[smem:$0x3FA6] =	sst s2  }
0xb: {  	[smem:$0x3FA7] =	sst s3  }
0xc: {  	[smem:$0x3FA8] =	sst s4  }
0xd: {  	[smem:$0x3FA9] =	sst s5  }
0xe: {  	[smem:$0x3FAA] =	sst s6  }
0xf: {  	[smem:$0x3FAB] =	sst s7  }
0x10: {  	[smem:$0x3FAC] =	sst s8  }
0x11: {  	[smem:$0x3FAD] =	sst s9;
	s0 =	simm.s32 @!p0 $0x0  }
0x12: {  	s1 =	sld [smem:$0x3F93];
	s0 =	simm.s32 @p0 $0x1  }
0x13: {  	[smem:$0x3FAE] =	sst s0;
	s0 =	simm.s32 @!p1 $0x0  }
0x14: {  	s2 =	sld [smem:$0x3F92];
	s0 =	simm.s32 @p1 $0x1  }
0x15: {  	[smem:$0x3FAF] =	sst s0;
	s0 =	simm.s32 @!p2 $0x0  }
0x16: {  	s3 =	sld [smem:$0x3FDB];
	s0 =	simm.s32 @p2 $0x1  }
0x17: {  	s4 =	simm.s32 $0x1BF5;
	[smem:$0x3FB1] =	sst s0  }
0x18: {  	s0 =	sld [smem:$0x3F94];
	_ =	swait.ge [sflag:s4], $0x0  }
0x19: {  	s7 =	sld [smem:$0x3F95]  }
0x1a: {  	s8 =	sadd.s32 $0xFFFFE003, lr  }
0x1b: {  	s9 =	sadd.s32 $0xFFFFFEF7, lr;
	s5 =	simm.s32 $0xFFFFFFFF;
	p2 =	slt.u32 s8, $0xFFFFF086  }
0x1c: {  	p1 =	slt.u32 s9, $0xF7A;
	s5 =	simm.s32 @!p2 $0x0  }
0x1d: {  	s5 =	simm.s32 @p1 $0x1;
	p0 =	seq.s32 s7, s2  }
0x1e: {  	s7 =	smul.u32 @!p0 $0xF7A, s2;
	p2 =	seq.s32 @!p0 s5, $0x0  }
0x1f: {  	s9 =	smul.u32 $0xF7A, s1;
	s8 =	simm.s32 @!p0 $0x1BF5;
	p2 =	por !p2, p0  }
0x20: {  	[sflag:s8] =	ssyncset.s32 @!p0 $0xFFFFF086;
	s6 =	sadd.s32 @!p0 s3, s7;
	s7 =	simm.s32 @!p0 $0x108  }
0x21: {  	s3 =	sadd.s32 s3, s9;
	s6 =	sadd.s32 @!p0 $0x88, s6;
	s7 =	simm.s32 @p2 $0x1082  }
0x22: {  	[simem:s7], [sflag:s8] =	dma.local @!p0 [hbm:s6], $0xF7A  }
0x23: {  	s9 =	sor.u32 $0xD0000000, s2;
	s6 =	simm.s32 $0x108;
	_ =	swait.ge @!p0 [sflag:s8], $0x0  }
0x24: {  	s3 =	sadd.s32 $0x88, s3;
	s6 =	simm.s32 @!p1 $0x1082;
	[sflag:s4] =	ssyncset.s32 $0xFFFFF086  }
0x25: {  	[simem:s6], [sflag:s4] =	dma.local [hbm:s3], $0xF7A  }
0x26: {  	[smem:$0x3F95] =	sst s1;
	(tag) =	ssettag s2;
	_ =	strace s9  }
0x27: {  	s1 =	sld [smem:$0x3FA5]  }
0x28: {  	s2 =	sld [smem:$0x3FA6]  }
0x29: {  	s4 =	sld [smem:$0x3FA8]  }
0x2a: {  	p0 =	seq.s32 s5, $0x0;
	s5 =	sld [smem:$0x3FA9]  }
0x2b: {  	s6 =	sld [smem:$0x3FAA]  }
0x2c: {  	s7 =	sld [smem:$0x3FAB]  }
0x2d: {  	s3 =	simm.s32 $0x108;
	s8 =	sld [smem:$0x3FAC]  }
0x2e: {  	s3 =	simm.s32 @!p0 $0x1082;
	s9 =	sld [smem:$0x3FAD]  }
0x2f: {  	lr =	sadd.s32 s0, s3;
	s0 =	sld [smem:$0x3FA4]  }
0x30: {  	s3 =	sld [smem:$0x3FA7]  }
0x31: {  	[smem:$0x3FB0] =	sst s10  }
0x32: {  	s10 =	sld [smem:$0x3FAE];
	_ =	sdelay $0x3  }
0x33: {  	p0 =	seq.s32 s10, $0x1;
	s10 =	sld [smem:$0x3FB0];
	_ =	sdelay $0x3  }
0x34: {  	[smem:$0x3FB0] =	sst s10  }
0x35: {  	s10 =	sld [smem:$0x3FAF];
	_ =	sdelay $0x3  }
0x36: {  	p1 =	seq.s32 s10, $0x1;
	s10 =	sld [smem:$0x3FB0];
	_ =	sdelay $0x3  }
0x37: {  	[smem:$0x3FB0] =	sst s10  }
0x38: {  	s10 =	sld [smem:$0x3FB1]  }
0x39: {  	_ = 	snop;
	(pc) =	sbr.ind lr, $3  }
0x3a: {  	_ = 	snop  }
0x3b: {  	_ = 	snop  }
0x3c: {  	p2 =	seq.s32 s10, $0x1;
	s10 =	sld [smem:$0x3FB0]  }
0x3d: {  	_ =	shalt  }
0x3e: {  	_ =	shalt  }
0x3f: {  	_ =	shalt  }
0x40: {  	_ =	shalt  }
0x41: {  	_ =	shalt  }
0x42: {  	_ =	shalt  }
0x43: {  	_ =	shalt  }
0x44: {  	_ =	shalt  }
0x45: {  	_ =	shalt  }
0x46: {  	_ =	shalt  }
0x47: {  	_ =	shalt  }
0x48: {  	_ =	shalt  }
0x49: {  	_ =	shalt  }
0x4a: {  	_ =	shalt  }
0x4b: {  	_ =	shalt  }
0x4c: {  	_ =	shalt  }
0x4d: {  	_ =	shalt  }
0x4e: {  	_ =	shalt  }
0x4f: {  	_ =	shalt  }
0x50: {  	_ =	shalt  }
0x51: {  	_ =	shalt  }
0x52: {  	_ =	shalt  }
0x53: {  	_ =	shalt  }
0x54: {  	_ =	shalt  }
0x55: {  	_ =	shalt  }
0x56: {  	_ =	shalt  }
0x57: {  	_ =	shalt  }
0x58: {  	_ =	shalt  }
0x59: {  	_ =	shalt  }
0x5a: {  	_ =	shalt  }
0x5b: {  	_ =	shalt  }
0x5c: {  	_ =	shalt  }
0x5d: {  	_ =	shalt  }
0x5e: {  	_ =	shalt  }
0x5f: {  	_ =	shalt  }
0x60: {  	_ =	shalt  }
0x61: {  	_ =	shalt  }
0x62: {  	_ =	shalt  }
0x63: {  	_ =	shalt  }
0x64: {  	_ =	shalt  }
0x65: {  	_ =	shalt  }
0x66: {  	_ =	shalt  }
0x67: {  	_ =	shalt  }
0x68: {  	_ =	shalt  }
0x69: {  	_ =	shalt  }
0x6a: {  	_ =	shalt  }
0x6b: {  	_ =	shalt  }
0x6c: {  	_ =	shalt  }
0x6d: {  	_ =	shalt  }
0x6e: {  	_ =	shalt  }
0x6f: {  	_ =	shalt  }
0x70: {  	_ =	shalt  }
0x71: {  	_ =	shalt  }
0x72: {  	_ =	shalt  }
0x73: {  	_ =	shalt  }
0x74: {  	_ =	shalt  }
0x75: {  	_ =	shalt  }
0x76: {  	_ =	shalt  }
0x77: {  	_ =	shalt  }
0x78: {  	_ =	shalt  }
0x79: {  	_ =	shalt  }
0x7a: {  	_ =	shalt  }
0x7b: {  	_ =	shalt  }
0x7c: {  	_ =	shalt  }
0x7d: {  	_ =	shalt  }
0x7e: {  	_ =	shalt  }
0x7f: {  	_ =	shalt  }
0x80: {  	_ =	shalt  }
0x81: {  	_ =	shalt  }
0x82: {  	_ =	shalt  }
0x83: {  	_ =	shalt  }
0x84: {  	_ =	shalt  }
0x85: {  	_ =	shalt  }
0x86: {  	_ =	shalt  }
0x87: {  	_ =	shalt  }
.Lfunc_end0:
.L_simem_size_0:
called_computation_lowered:
.L_overlay_start_0:
0x88: {  	s2 =	sld [smem:$0x3FD9]  }
0x89: {  	s3 =	sld [smem:$0x3FFE];
	_ =	sdelay $0x1  }
0x8a: {  	s1 =	srdreg.scid  }
0x8b: {  	s0 =	sand.u32 $0x1, s1  }
0x8c: {  	s14 =	sshll.u32 s0, $0xA;
	s2 =	sadd.s32 s3, s2  }
0x8d: {  	s2 =	sadd.s32 s2, s14  }
0x8e: {  	[smem:$0x3FBC] =	sst s2  }
0x8f: {  	_ = 	snop  }
0x90: {  	s2 =	sld [smem:$0x3FD0];
	_ =	sdelay $0x2  }
0x91: {  	s15 =	simm.s32 $0xA;
	s4 =	simm.s32 $0x10  }
0x92: {  	[smem:s4], [sflag:s15] =	dma.local [hbm:s2], $0x1  }
0x93: {  	_ =	swait.eq [sflag:s15], $0x1  }
0x94: {  	[sflag:s15] =	ssyncset.done $0x0  }
0x95: {  	s16 =	sld [smem:$0x10];
	[sflag:s15] =	ssyncadd.s32 $0xFFFFFFFF  }
0x96: {  	s17 =	sld [smem:$0x11];
	(tm) =	ssettm $0x1  }
0x97: {  	s18 =	sld [smem:$0x3FFB];
	_ =	sdelay $0x3  }
0x98: {  	_ =	strace s18  }
0x99: {  	s4 =	sld [smem:$0x3FFC];
	_ =	sdelay $0x3  }
0x9a: {  	_ =	strace s4  }
0x9b: {  	s4 =	sld [smem:$0x3FFD];
	_ =	sdelay $0x3  }
0x9c: {  	_ =	strace s4  }
0x9d: {  	_ =	strace $0x8FFFFFFF  }
0x9e: {  	s19 =	sld [smem:$0x3FDB];
	_ =	sdelay $0x1  }
0x9f: {  	s5 =	simm.s32 $_scs_section_size  }
0xa0: {  	s6 =	simm.s32 $_size__tile_overlayer_lowered;
	s7 =	simm.s32 $_tile_overlayer_lowered  }
0xa1: {  	s22 =	simm.s32 $0x1BFF;
	s21 =	sshll.u32 s7, $0x1;
	s4 =	sadd.s32 s5, s19  }
0xa2: {  	s8 =	simm.s32 $0x0;
	s20 =	sshll.u32 s6, $0x1;
	s6 =	sadd.s32 s21, s4  }
0xa3: {  	[timem:s8], [sflag:s22] =	dma.local [hbm:s6], s20  }
0xa4: {  	_ =	swait.ge [sflag:s22], s20  }
0xa5: {  	s5 =	ssub.s32 $0x0, s20;
	[sflag:s22] =	ssyncset.done $0x0  }
0xa6: {  	[sflag:s22] =	ssyncadd.s32 s5;
	_ =	sdelay $0x1  }
0xa7: {  	s23 =	simm.s32 $0x1B8B  }
0xa8: {  	_ =	swait.ge [sflag:s23], $0x1  }
0xa9: {  	[sflag:s23] =	ssyncset.done $0x0  }
0xaa: {  	s25 =	simm.s32 $0x1B8E;
	s24 =	sld [smem:$0x3FFE];
	[sflag:s23] =	ssyncadd.s32 $0xFFFFFFFF  }
0xab: {  	s26 =	simm.s32 $execute0_lowered;
	[smem:$0x3FD2] =	sst s25  }
0xac: {  	s6 =	sshll.u32 s26, $0x1;
	_ =	strace $0x80000046;
	[dreg:$0x1] =	wrdreg $0xFFFFFFFF  }
0xad: {  	s28 =	simm.s32 $_size_execute0_lowered;
	s4 =	sadd.s32 s4, s6;
	[dreg:$0x0] =	wrdreg $0x0  }
0xae: {  	s6 =	sshll.u32 s28, $0x1;
	[dreg:$0x2] =	wrdreg s4  }
0xaf: {  	[dreg:$0x3] =	wrdreg s6  }
0xb0: {  	[dreg:$0x4] =	wrdreg $0xC0  }
0xb1: {  	_ =	task [dreg:s8], $0x5FFFF  }
0xb2: {  	[dreg:$0x1] =	wrdreg $0xFFFFFFFF  }
0xb3: {  	[dreg:$0x0] =	wrdreg $0x60  }
0xb4: {  	[dreg:$0x2] =	wrdreg s24  }
0xb5: {  	[dreg:$0x3] =	wrdreg s17  }
0xb6: {  	[dreg:$0x4] =	wrdreg s16  }
0xb7: {  	[dreg:$0x5] =	wrdreg $0x9  }
0xb8: {  	_ =	task.clear_ibuf [dreg:s8], $0x6FFFF;
	_ =	strace $0x90000046  }
0xb9: {  	s29 =	simm.s32 $0x9;
	_ =	strace $0x80000048  }
0xba: {  	_ =	swait.ge [sflag:s29], $0x1  }
0xbb: {  	[sflag:s29] =	ssyncadd.s32 $0xFFFFFFFF  }
0xbc: {  	_ =	strace $0x90000048  }
0xbd: {  	_ =	sfence  }
0xbe: {  	s30 =	sld [smem:$0x0];
	_ =	sdelay $0x2  }
0xbf: {  	s31 =	sshll.u32 s1, $0xD;
	s1 =	sshrl.u32 s1, $0x2  }
0xc0: {  	s3 =	sand.u32 $0x4000, s31;
	s1 =	sadd.s32 s1, s30  }
0xc1: {  	s0 =	sor.u32 s3, s0;
	s1 =	sshll.u32 s1, $0x11  }
0xc2: {  	s0 =	sor.u32 s1, s0  }
0xc3: {  	s0 =	sadd.s32 $0x8F2B, s0  }
0xc4: {  	[sflag:s0] =	ssyncadd.remote.s32 $0x1  }
0xc5: {  	_ =	sfence.sel $0xFFFF  }
0xc6: {  	[dreg:$0x0] =	wrdreg $0xFFFFFFFF;
	(pc) =	sbr.abs _section_cstart, $3  }
0xc7: {  	[dreg:$0x1] =	wrdreg $0xFFFFFFFF  }
0xc8: {  	_ =	task.clear_ibuf [dreg:s8], $0x2FFFF;
	_ =	strace $0x9FFFFFFF  }
0xc9: {  	(tm) =	ssettm $0x7FFFFFFF  }
tec
execute0_lowered:
.L_overlay_start_1:
0x0: {  	(tag) =	ssettag $0x1  }
0x1: {  	s3 =	rddreg [dreg:$0x0]  }
0x2: {  	s5 =	rddreg [dreg:$0x1]  }
0x3: {  	s6 =	rddreg [dreg:$0x2]  }
0x4: {  	s0 =	rddreg [dreg:$0x3]  }
0x5: {  	s2 =	simm.s32 $0x0;
	s4 =	srdreg.scid;
	s1 =	stileid.u32  }
0x6: {  	s11 =	simm.s32 $0x1400;
	s12 =	simm.s32 $0x2800;
	s13 =	simm.s32 $0x5000  }
0x7: {  	s14 =	simm.s32 $0x0;
	s4 =	sand.u32 $0x1, s4;
	s7 =	sshrl.u32 s1, $0x2  }
0x8: {  	s8 =	sshll.u32 s1, $0x8;
	[smem:$0x7FF] =	sst s2;
	s10 =	smul.u32 $0xA000, s7  }
0x9: {  	s9 =	sshll.u32 s4, $0x7;
	s8 =	sand.u32 $0x300, s8;
	s7 =	smul.u32 $0x14000, s7  }
0xa: {  	_ =	strace $0x80000047;
	s4 =	ssub.s32 $0x2, s4;
	s8 =	sor.u32 s9, s8  }
0xb: {  	s29 =	sshrl.u32 s4, $0x1;
	s9 =	sor.u32 s10, s8;
	s7 =	sor.u32 s7, s8  }
0xc: {  	s31 =	ssub.s32 s4, s29;
	s8 =	simm.s32 $0x80;
	s9 =	sshrl.u32 s9, $0x3  }
0xd: {  	s10 =	simm.s32 $0x1;
	s7 =	sshrl.u32 s7, $0x3;
	s30 =	sadd.s32 s9, s3  }
0xe: {  	s5 =	sadd.s32 s5, s7;
	s6 =	sadd.s32 s6, s7;
	s7 =	smax.u32 s31, $0x1  }
0xf: {  	v0 =	vimm.f32 $0.0e+00;
	v1 =	vimm.f32 $1.000000000e+00;
	s9 =	simm.s32 $0x400;
	s3 =	sadd.s32 $0xD200, s30;
	s4 =	sadd.s32 $0x12200, s30  }
.LBB2_1:
0x10: {  	[tilespmem:s2], [sflag:$0x1] =	stream.strided.gather [hbm4b:s3+s8], $0x1400, s9, s8, $0x38;
	[tilespmem:$0x7800] =	vst v63  }
0x11: {  	_ =	swait.ge [sflag:s10], $0x1400  }
0x12: {  	[sflag:s10] =	ssyncset.done $0x0  }
0x13: {  	[sflag:s10] =	ssyncadd.s32 $0xFFFFEC00  }
0x14: {  	[tilespmem:s11], [sflag:$0x1] =	stream.strided.gather [hbm4b:s4+s8], $0x1400, s9, s8, $0x38;
	[tilespmem:$0x7800] =	vst v63  }
0x15: {  	_ =	swait.ge [sflag:s10], $0x1400  }
0x16: {  	[sflag:s10] =	ssyncset.done $0x0  }
0x17: {  	s15 =	simm.s32 $0x0;
	[sflag:s10] =	ssyncadd.s32 $0xFFFFEC00  }
.LBB2_2:
0x18: {  	p0 =	sne.s32 s15, $0x9FC0  }
.Ltmp0:
0x19: {  	_ = 	snop;
	(pc) =	sbr.rel @p0 .LBB2_2-.Ltmp0, $4  }
0x1a: {  	_ = 	snop  }
0x1b: {  	s16 =	sshra.s32 s15, $0x2  }
0x1c: {  	[tilespmem:s16+$0x2800] =	vst v0  }
0x1d: {  	s15 =	sadd.s32 $0x40, s15;
	[tilespmem:s16+$0x5000] =	vst v0  }
0x1e: {  	s16 =	simm.s32 $0x0;
	s15 =	simm.s32 $0x40  }
.LBB2_4:
0x1f: {  	p0 =	sne.s32 s15, $0x4FC0;
	v2 =	vld [tilespmem:s16+$0x0];
	_ =	sdelay $0x7  }
0x20: {  	[tilespmem:v2+s12+$0x0] =	vst.idx.add.f32.msk $0xffff, v1  }
0x21: {  	v2 =	vld [tilespmem:s16+$0x1400];
	_ =	sdelay $0x3  }
.Ltmp1:
0x22: {  	(pc) =	sbr.rel @p0 .LBB2_4-.Ltmp1, $2  }
0x23: {  	_ =	sdelay $0x2  }
0x24: {  	s16 =	sshra.s32 s15, $0x2;
	s15 =	sadd.s32 $0x40, s15;
	[tilespmem:v2+s13+$0x0] =	vst.idx.add.f32.msk $0xffff, v1  }
0x25: {  	v2 =	vld [tilespmem:s16+$0x0];
	_ =	sdelay $0x7  }
0x26: {  	[tilespmem:v2+s12+$0x0] =	vst.idx.add.f32.msk $0xffff, v1  }
0x27: {  	v2 =	vld [tilespmem:s16+$0x1400];
	_ =	sdelay $0x7  }
0x28: {  	[tilespmem:v2+s13+$0x0] =	vst.idx.add.f32.msk $0xffff, v1  }
0x29: {  	[hbm4b:s5+s8] =	stream.strided.scatter [tilespmem:s12], [sflag:$0x1], $0x2800, s9, s8, $0x38;
	[tilespmem:$0x7800] =	vst v63  }
0x2a: {  	s14 =	sadd.s32 $0x1, s14;
	_ =	swait.ge [sflag:s10], $0x2800  }
0x2b: {  	p0 =	sne.s32 s14, s7;
	[sflag:s10] =	ssyncset.done $0x0  }
.Ltmp2:
0x2c: {  	[sflag:s10] =	ssyncadd.s32 $0xFFFFD800;
	(pc) =	sbr.rel @p0 .LBB2_1-.Ltmp2, $4  }
0x2d: {  	[hbm4b:s6+s8] =	stream.strided.scatter [tilespmem:s13], [sflag:$0x1], $0x2800, s9, s8, $0x38;
	[tilespmem:$0x7800] =	vst v63  }
0x2e: {  	_ =	swait.ge [sflag:s10], $0x2800  }
0x2f: {  	[sflag:s10] =	ssyncset.done $0x0  }
0x30: {  	[sflag:s10] =	ssyncadd.s32 $0xFFFFD800  }
0x31: {  	_ =	sfence.sel $0x180000  }
0x32: {  	[bflag:$0x0] =	sbarrier.arrive $0xFFFF  }
0x33: {  	p0 =	sne.s32 s1, $0x0;
	_ =	strace $0x90000047  }
0x34: {  	s0 =	sadd.s32 @!p0 $0x100000, s0;
	[bflag:$0x2] =	sbarrier.arrive $0xFFFF  }
0x35: {  	[sflag:s0] =	ssyncadd.tile.s32 @!p0 $0x1;
	_ =	shalt  }
.Lfunc_end2:
_tile_overlayer_lowered:
.L_overlay_start_2:
0x36: {  	(tag) =	ssettag $0x2  }
0x37: {  	s0 =	rddreg [dreg:$0x0];
	s2 =	stileid.u32  }
0x38: {  	s1 =	rddreg [dreg:$0x1];
	p0 =	sne.s32 s2, $0x0  }
0x39: {  	s3 =	rddreg [dreg:$0x2];
	[bflag:$0x3] =	sbarrier.arrive $0xFFFF;
	s2 =	simm.s32 @!p0 $0x1C01  }
0x3a: {  	[timem:s3], [sflag:s2] =	dma.local @!p0 [hbm:s0], s1  }
0x3b: {  	s0 =	simm.s32 @!p0 $0x1  }
0x3c: {  	_ =	swait.ge @!p0 [sflag:s0], s1  }
0x3d: {  	s1 =	ssub.s32 @!p0 $0x0, s1;
	[sflag:s0] =	ssyncset.done @!p0 $0x0  }
0x3e: {  	[sflag:s0] =	ssyncadd.s32 @!p0 s1  }
0x3f: {  	[bflag:$0x3] =	sbarrier.arrive $0xFFFF  }
0x40: {  	_ =	shalt  }

// kernel: kernel.16.cloned.1.call-start
scs
__scs_entry_jumppad:
0x0: {  	(pc) =	sbr.rel $0x88, $3  }
0x1: {  	(tag) =	ssettag $0x0;
	lr =	simm.s32 $0x1  }
0x2: {  	[smem:$0x3F95] =	sst lr;
	_ =	strace $0xD0000000  }
0x3: {  	_ = 	snop  }
0x4: {  	_ = 	snop  }
0x5: {  	_ = 	snop  }
0x6: {  	_ = 	snop  }
0x7: {  	_ = 	snop  }
__scs_overlays_trampoline_lowered:
0x8: {  	[smem:$0x3FA4] =	sst s0  }
0x9: {  	[smem:$0x3FA5] =	sst s1  }
0xa: {  	[smem:$0x3FA6] =	sst s2  }
0xb: {  	[smem:$0x3FA7] =	sst s3  }
0xc: {  	[smem:$0x3FA8] =	sst s4  }
0xd: {  	[smem:$0x3FA9] =	sst s5  }
0xe: {  	[smem:$0x3FAA] =	sst s6  }
0xf: {  	[smem:$0x3FAB] =	sst s7  }
0x10: {  	[smem:$0x3FAC] =	sst s8  }
0x11: {  	[smem:$0x3FAD] =	sst s9;
	s0 =	simm.s32 @!p0 $0x0  }
0x12: {  	s1 =	sld [smem:$0x3F93];
	s0 =	simm.s32 @p0 $0x1  }
0x13: {  	[smem:$0x3FAE] =	sst s0;
	s0 =	simm.s32 @!p1 $0x0  }
0x14: {  	s2 =	sld [smem:$0x3F92];
	s0 =	simm.s32 @p1 $0x1  }
0x15: {  	[smem:$0x3FAF] =	sst s0;
	s0 =	simm.s32 @!p2 $0x0  }
0x16: {  	s3 =	sld [smem:$0x3FDB];
	s0 =	simm.s32 @p2 $0x1  }
0x17: {  	s4 =	simm.s32 $0x1BF5;
	[smem:$0x3FB1] =	sst s0  }
0x18: {  	s0 =	sld [smem:$0x3F94];
	_ =	swait.ge [sflag:s4], $0x0  }
0x19: {  	s7 =	sld [smem:$0x3F95]  }
0x1a: {  	s8 =	sadd.s32 $0xFFFFE003, lr  }
0x1b: {  	s9 =	sadd.s32 $0xFFFFFEF7, lr;
	s5 =	simm.s32 $0xFFFFFFFF;
	p2 =	slt.u32 s8, $0xFFFFF086  }
0x1c: {  	p1 =	slt.u32 s9, $0xF7A;
	s5 =	simm.s32 @!p2 $0x0  }
0x1d: {  	s5 =	simm.s32 @p1 $0x1;
	p0 =	seq.s32 s7, s2  }
0x1e: {  	s7 =	smul.u32 @!p0 $0xF7A, s2;
	p2 =	seq.s32 @!p0 s5, $0x0  }
0x1f: {  	s9 =	smul.u32 $0xF7A, s1;
	s8 =	simm.s32 @!p0 $0x1BF5;
	p2 =	por !p2, p0  }
0x20: {  	[sflag:s8] =	ssyncset.s32 @!p0 $0xFFFFF086;
	s6 =	sadd.s32 @!p0 s3, s7;
	s7 =	simm.s32 @!p0 $0x108  }
0x21: {  	s3 =	sadd.s32 s3, s9;
	s6 =	sadd.s32 @!p0 $0x88, s6;
	s7 =	simm.s32 @p2 $0x1082  }
0x22: {  	[simem:s7], [sflag:s8] =	dma.local @!p0 [hbm:s6], $0xF7A  }
0x23: {  	s9 =	sor.u32 $0xD0000000, s2;
	s6 =	simm.s32 $0x108;
	_ =	swait.ge @!p0 [sflag:s8], $0x0  }
0x24: {  	s3 =	sadd.s32 $0x88, s3;
	s6 =	simm.s32 @!p1 $0x1082;
	[sflag:s4] =	ssyncset.s32 $0xFFFFF086  }
0x25: {  	[simem:s6], [sflag:s4] =	dma.local [hbm:s3], $0xF7A  }
0x26: {  	[smem:$0x3F95] =	sst s1;
	(tag) =	ssettag s2;
	_ =	strace s9  }
0x27: {  	s1 =	sld [smem:$0x3FA5]  }
0x28: {  	s2 =	sld [smem:$0x3FA6]  }
0x29: {  	s4 =	sld [smem:$0x3FA8]  }
0x2a: {  	p0 =	seq.s32 s5, $0x0;
	s5 =	sld [smem:$0x3FA9]  }
0x2b: {  	s6 =	sld [smem:$0x3FAA]  }
0x2c: {  	s7 =	sld [smem:$0x3FAB]  }
0x2d: {  	s3 =	simm.s32 $0x108;
	s8 =	sld [smem:$0x3FAC]  }
0x2e: {  	s3 =	simm.s32 @!p0 $0x1082;
	s9 =	sld [smem:$0x3FAD]  }
0x2f: {  	lr =	sadd.s32 s0, s3;
	s0 =	sld [smem:$0x3FA4]  }
0x30: {  	s3 =	sld [smem:$0x3FA7]  }
0x31: {  	[smem:$0x3FB0] =	sst s10  }
0x32: {  	s10 =	sld [smem:$0x3FAE];
	_ =	sdelay $0x3  }
0x33: {  	p0 =	seq.s32 s10, $0x1;
	s10 =	sld [smem:$0x3FB0];
	_ =	sdelay $0x3  }
0x34: {  	[smem:$0x3FB0] =	sst s10  }
0x35: {  	s10 =	sld [smem:$0x3FAF];
	_ =	sdelay $0x3  }
0x36: {  	p1 =	seq.s32 s10, $0x1;
	s10 =	sld [smem:$0x3FB0];
	_ =	sdelay $0x3  }
0x37: {  	[smem:$0x3FB0] =	sst s10  }
0x38: {  	s10 =	sld [smem:$0x3FB1]  }
0x39: {  	_ = 	snop;
	(pc) =	sbr.ind lr, $3  }
0x3a: {  	_ = 	snop  }
0x3b: {  	_ = 	snop  }
0x3c: {  	p2 =	seq.s32 s10, $0x1;
	s10 =	sld [smem:$0x3FB0]  }
0x3d: {  	_ =	shalt  }
0x3e: {  	_ =	shalt  }
0x3f: {  	_ =	shalt  }
0x40: {  	_ =	shalt  }
0x41: {  	_ =	shalt  }
0x42: {  	_ =	shalt  }
0x43: {  	_ =	shalt  }
0x44: {  	_ =	shalt  }
0x45: {  	_ =	shalt  }
0x46: {  	_ =	shalt  }
0x47: {  	_ =	shalt  }
0x48: {  	_ =	shalt  }
0x49: {  	_ =	shalt  }
0x4a: {  	_ =	shalt  }
0x4b: {  	_ =	shalt  }
0x4c: {  	_ =	shalt  }
0x4d: {  	_ =	shalt  }
0x4e: {  	_ =	shalt  }
0x4f: {  	_ =	shalt  }
0x50: {  	_ =	shalt  }
0x51: {  	_ =	shalt  }
0x52: {  	_ =	shalt  }
0x53: {  	_ =	shalt  }
0x54: {  	_ =	shalt  }
0x55: {  	_ =	shalt  }
0x56: {  	_ =	shalt  }
0x57: {  	_ =	shalt  }
0x58: {  	_ =	shalt  }
0x59: {  	_ =	shalt  }
0x5a: {  	_ =	shalt  }
0x5b: {  	_ =	shalt  }
0x5c: {  	_ =	shalt  }
0x5d: {  	_ =	shalt  }
0x5e: {  	_ =	shalt  }
0x5f: {  	_ =	shalt  }
0x60: {  	_ =	shalt  }
0x61: {  	_ =	shalt  }
0x62: {  	_ =	shalt  }
0x63: {  	_ =	shalt  }
0x64: {  	_ =	shalt  }
0x65: {  	_ =	shalt  }
0x66: {  	_ =	shalt  }
0x67: {  	_ =	shalt  }
0x68: {  	_ =	shalt  }
0x69: {  	_ =	shalt  }
0x6a: {  	_ =	shalt  }
0x6b: {  	_ =	shalt  }
0x6c: {  	_ =	shalt  }
0x6d: {  	_ =	shalt  }
0x6e: {  	_ =	shalt  }
0x6f: {  	_ =	shalt  }
0x70: {  	_ =	shalt  }
0x71: {  	_ =	shalt  }
0x72: {  	_ =	shalt  }
0x73: {  	_ =	shalt  }
0x74: {  	_ =	shalt  }
0x75: {  	_ =	shalt  }
0x76: {  	_ =	shalt  }
0x77: {  	_ =	shalt  }
0x78: {  	_ =	shalt  }
0x79: {  	_ =	shalt  }
0x7a: {  	_ =	shalt  }
0x7b: {  	_ =	shalt  }
0x7c: {  	_ =	shalt  }
0x7d: {  	_ =	shalt  }
0x7e: {  	_ =	shalt  }
0x7f: {  	_ =	shalt  }
0x80: {  	_ =	shalt  }
0x81: {  	_ =	shalt  }
0x82: {  	_ =	shalt  }
0x83: {  	_ =	shalt  }
0x84: {  	_ =	shalt  }
0x85: {  	_ =	shalt  }
0x86: {  	_ =	shalt  }
0x87: {  	_ =	shalt  }
.Lfunc_end0:
.L_simem_size_0:
called_computation.1_lowered:
.L_overlay_start_0:
0x88: {  	s2 =	sld [smem:$0x3FD9]  }
0x89: {  	s3 =	sld [smem:$0x3FFE];
	_ =	sdelay $0x1  }
0x8a: {  	s1 =	srdreg.scid  }
0x8b: {  	s0 =	sand.u32 $0x1, s1  }
0x8c: {  	s14 =	sshll.u32 s0, $0xA;
	s2 =	sadd.s32 s3, s2  }
0x8d: {  	s2 =	sadd.s32 s2, s14  }
0x8e: {  	[smem:$0x3FBC] =	sst s2  }
0x8f: {  	_ = 	snop  }
0x90: {  	s2 =	sld [smem:$0x3FD0];
	_ =	sdelay $0x2  }
0x91: {  	s15 =	simm.s32 $0xA;
	s4 =	simm.s32 $0x10  }
0x92: {  	[smem:s4], [sflag:s15] =	dma.local [hbm:s2], $0x1  }
0x93: {  	_ =	swait.eq [sflag:s15], $0x1  }
0x94: {  	[sflag:s15] =	ssyncset.done $0x0  }
0x95: {  	[sflag:s15] =	ssyncadd.s32 $0xFFFFFFFF  }
0x96: {  	s16 =	sld [smem:$0x10];
	(tm) =	ssettm $0x1  }
0x97: {  	s17 =	sld [smem:$0x3FFB];
	_ =	sdelay $0x3  }
0x98: {  	_ =	strace s17  }
0x99: {  	s3 =	sld [smem:$0x3FFC];
	_ =	sdelay $0x3  }
0x9a: {  	_ =	strace s3  }
0x9b: {  	s3 =	sld [smem:$0x3FFD];
	_ =	sdelay $0x3  }
0x9c: {  	_ =	strace s3  }
0x9d: {  	_ =	strace $0x8FFFFFFF  }
0x9e: {  	s18 =	sld [smem:$0x3FDB];
	_ =	sdelay $0x1  }
0x9f: {  	s19 =	simm.s32 $_scs_section_size  }
0xa0: {  	s5 =	simm.s32 $_size__tile_overlayer_lowered;
	s6 =	simm.s32 $_tile_overlayer_lowered  }
0xa1: {  	s22 =	simm.s32 $0x1BFF;
	s21 =	sshll.u32 s6, $0x1;
	s3 =	sadd.s32 s19, s18  }
0xa2: {  	s7 =	simm.s32 $0x0;
	s20 =	sshll.u32 s5, $0x1;
	s5 =	sadd.s32 s21, s3  }
0xa3: {  	[timem:s7], [sflag:s22] =	dma.local [hbm:s5], s20  }
0xa4: {  	_ =	swait.ge [sflag:s22], s20  }
0xa5: {  	s4 =	ssub.s32 $0x0, s20;
	[sflag:s22] =	ssyncset.done $0x0  }
0xa6: {  	[sflag:s22] =	ssyncadd.s32 s4;
	_ =	sdelay $0x1  }
0xa7: {  	s23 =	simm.s32 $0x1B8B  }
0xa8: {  	_ =	swait.ge [sflag:s23], $0x1  }
0xa9: {  	[sflag:s23] =	ssyncset.done $0x0  }
0xaa: {  	s25 =	simm.s32 $0x1B8E;
	s24 =	sld [smem:$0x3FFE];
	[sflag:s23] =	ssyncadd.s32 $0xFFFFFFFF  }
0xab: {  	s26 =	simm.s32 $execute0_lowered;
	[smem:$0x3FD2] =	sst s25  }
0xac: {  	s5 =	sshll.u32 s26, $0x1;
	_ =	strace $0x80000049;
	[dreg:$0x1] =	wrdreg $0xFFFFFFFF  }
0xad: {  	s28 =	simm.s32 $_size_execute0_lowered;
	s3 =	sadd.s32 s3, s5;
	[dreg:$0x0] =	wrdreg $0x0  }
0xae: {  	s5 =	sshll.u32 s28, $0x1;
	[dreg:$0x2] =	wrdreg s3  }
0xaf: {  	[dreg:$0x3] =	wrdreg s5  }
0xb0: {  	[dreg:$0x4] =	wrdreg $0xC0  }
0xb1: {  	_ =	task [dreg:s7], $0x5FFFF  }
0xb2: {  	[dreg:$0x1] =	wrdreg $0xFFFFFFFF  }
0xb3: {  	[dreg:$0x0] =	wrdreg $0x60  }
0xb4: {  	[dreg:$0x2] =	wrdreg s24  }
0xb5: {  	[dreg:$0x3] =	wrdreg s16  }
0xb6: {  	[dreg:$0x4] =	wrdreg $0xA8000  }
0xb7: {  	[dreg:$0x5] =	wrdreg $0x9  }
0xb8: {  	_ =	task.clear_ibuf [dreg:s7], $0x6FFFF;
	_ =	strace $0x90000049  }
0xb9: {  	s29 =	simm.s32 $0x9;
	_ =	strace $0x8000004B  }
0xba: {  	_ =	swait.ge [sflag:s29], $0x1  }
0xbb: {  	[sflag:s29] =	ssyncadd.s32 $0xFFFFFFFF  }
0xbc: {  	_ =	strace $0x9000004B  }
0xbd: {  	_ =	sfence  }
0xbe: {  	s30 =	sld [smem:$0x0];
	_ =	sdelay $0x2  }
0xbf: {  	s31 =	sshll.u32 s1, $0xD;
	s1 =	sshrl.u32 s1, $0x2  }
0xc0: {  	s3 =	sand.u32 $0x4000, s31;
	s1 =	sadd.s32 s1, s30  }
0xc1: {  	s0 =	sor.u32 s3, s0;
	s1 =	sshll.u32 s1, $0x11  }
0xc2: {  	s0 =	sor.u32 s1, s0  }
0xc3: {  	s0 =	sadd.s32 $0x8F2B, s0  }
0xc4: {  	[sflag:s0] =	ssyncadd.remote.s32 $0x1  }
0xc5: {  	_ =	sfence.sel $0xFFFF  }
0xc6: {  	[dreg:$0x0] =	wrdreg $0xFFFFFFFF;
	(pc) =	sbr.abs _section_cstart, $3  }
0xc7: {  	[dreg:$0x1] =	wrdreg $0xFFFFFFFF  }
0xc8: {  	_ =	task.clear_ibuf [dreg:s7], $0x2FFFF;
	_ =	strace $0x9FFFFFFF  }
0xc9: {  	(tm) =	ssettm $0x7FFFFFFF  }
tec
execute0_lowered:
.L_overlay_start_1:
0x0: {  	(tag) =	ssettag $0x1  }
0x1: {  	s5 =	rddreg [dreg:$0x0]  }
0x2: {  	s12 =	rddreg [dreg:$0x1]  }
0x3: {  	s2 =	rddreg [dreg:$0x2]  }
0x4: {  	s0 =	rddreg [dreg:$0x3];
	s4 =	srdreg.scid  }
0x5: {  	s1 =	stileid.u32;
	s3 =	simm.s32 $0x0;
	s16 =	simm.s32 $0x6800  }
0x6: {  	s17 =	simm.s32 $0x80;
	s18 =	simm.s32 $0x2800;
	s19 =	simm.s32 $0x1  }
0x7: {  	s22 =	simm.s32 $0x0;
	s6 =	sand.u32 $0x1, s4;
	s10 =	smul.u32 $0x50000, s1  }
0x8: {  	s28 =	sshll.u32 s1, $0x1;
	[smem:$0x7FF] =	sst s3;
	s11 =	smul.u32 $0x14000, s1  }
0x9: {  	s20 =	sshll.u32 s1, $0x6;
	s4 =	sor.u32 s6, s28;
	_ =	strace $0x8000004A  }
0xa: {  	s8 =	ssub.s32 $0x2, s6;
	s30 =	smul.u32 $0x140000, s6;
	s20 =	sor.u32 $0x1C02, s20  }
0xb: {  	s7 =	smul.u32 $0x280, s4;
	s9 =	sshrl.u32 s8, $0x1;
	s29 =	sshrl.u32 s10, $0x2  }
0xc: {  	s4 =	sadd.s32 $0xD200, s5;
	s13 =	ssub.s32 s8, s9;
	s14 =	sadd.s32 s29, s2  }
0xd: {  	s15 =	sadd.s32 s11, s30;
	s7 =	sadd.s32 s7, s5;
	s8 =	sadd.s32 $0x4000, s14  }
0xe: {  	s9 =	sadd.s32 $0x8000, s14;
	s10 =	sadd.s32 $0xC000, s14;
	s31 =	sshrl.u32 s15, $0x3  }
0xf: {  	s13 =	smax.u32 s13, $0x1;
	s15 =	simm.s32 $0x1400;
	s5 =	sadd.s32 $0x8200, s7  }
0x10: {  	s6 =	sadd.s32 $0x3200, s7;
	s7 =	sadd.s32 s11, s2;
	s11 =	sadd.s32 $0x10000, s14  }
0x11: {  	v0 =	vimm.f32 $0.0e+00;
	s12 =	sadd.s32 s12, s31;
	s14 =	simm.s32 $0x2;
	s21 =	sshrl.u32 s7, $0x3  }
.LBB2_1:
0x12: {  	[tilespmem:s3], [sflag:$0x2] =	stream.linear.gather [hbm4b:s5+s3], $0x1400, $0x38;
	[tilespmem:$0x1E800] =	vst v63  }
0x13: {  	_ =	swait.ge [sflag:s14], $0x1400  }
0x14: {  	[sflag:s14] =	ssyncset.done $0x0  }
0x15: {  	[sflag:s14] =	ssyncadd.s32 $0xFFFFEC00  }
0x16: {  	[tilespmem:s15], [sflag:$0x2] =	stream.linear.gather [hbm4b:s6+s3], $0x1400, $0x38;
	[tilespmem:$0x1E800] =	vst v63  }
0x17: {  	_ =	swait.ge [sflag:s14], $0x1400  }
0x18: {  	[sflag:s14] =	ssyncset.done $0x0  }
0x19: {  	s23 =	simm.s32 $0x0;
	s24 =	simm.s32 $0x200;
	[sflag:s14] =	ssyncadd.s32 $0xFFFFEC00  }
.LBB2_2:
0x1a: {  	p0 =	sne.s32 s24, $0xFE00;
	[tilespmem:s23+$0x6870] =	vst v0  }
0x1b: {  	[tilespmem:s23+$0x6800] =	vst v0  }
0x1c: {  	[tilespmem:s23+$0x6810] =	vst v0  }
.Ltmp0:
0x1d: {  	[tilespmem:s23+$0x6820] =	vst v0;
	(pc) =	sbr.rel @p0 .LBB2_2-.Ltmp0, $4  }
0x1e: {  	[tilespmem:s23+$0x6830] =	vst v0  }
0x1f: {  	[tilespmem:s23+$0x6840] =	vst v0  }
0x20: {  	[tilespmem:s23+$0x6850] =	vst v0  }
0x21: {  	[tilespmem:s23+$0x6860] =	vst v0;
	s23 =	sshra.s32 s24, $0x2;
	s24 =	sadd.s32 $0x200, s24  }
0x22: {  	[tilespmem:s23+$0x6870] =	vst v0  }
0x23: {  	[tilespmem:s23+$0x6800] =	vst v0  }
0x24: {  	[tilespmem:s23+$0x6810] =	vst v0  }
0x25: {  	[tilespmem:s23+$0x6820] =	vst v0  }
0x26: {  	[tilespmem:s23+$0x6830] =	vst v0  }
0x27: {  	[tilespmem:s23+$0x6840] =	vst v0  }
0x28: {  	[tilespmem:s23+$0x6850] =	vst v0  }
0x29: {  	[tilespmem:s23+$0x6860] =	vst v0  }
0x2a: {  	[spmem:s7] =	stream.linear.scatter [tilespmem:s16], [sflag:$0x2], $0x4000, $0x38;
	[tilespmem:$0x1E800] =	vst v63  }
0x2b: {  	_ =	swait.ge [sflag:s14], $0x4000  }
0x2c: {  	[sflag:s14] =	ssyncset.done $0x0  }
0x2d: {  	[sflag:s14] =	ssyncadd.s32 $0xFFFFC000  }
0x2e: {  	[spmem:s8] =	stream.linear.scatter [tilespmem:s16], [sflag:$0x2], $0x4000, $0x38;
	[tilespmem:$0x1E800] =	vst v63  }
0x2f: {  	_ =	swait.ge [sflag:s14], $0x4000  }
0x30: {  	[sflag:s14] =	ssyncset.done $0x0  }
0x31: {  	[sflag:s14] =	ssyncadd.s32 $0xFFFFC000  }
0x32: {  	[spmem:s9] =	stream.linear.scatter [tilespmem:s16], [sflag:$0x2], $0x4000, $0x38;
	[tilespmem:$0x1E800] =	vst v63  }
0x33: {  	_ =	swait.ge [sflag:s14], $0x4000  }
0x34: {  	[sflag:s14] =	ssyncset.done $0x0  }
0x35: {  	[sflag:s14] =	ssyncadd.s32 $0xFFFFC000  }
0x36: {  	[spmem:s10] =	stream.linear.scatter [tilespmem:s16], [sflag:$0x2], $0x4000, $0x38;
	[tilespmem:$0x1E800] =	vst v63  }
0x37: {  	_ =	swait.ge [sflag:s14], $0x4000  }
0x38: {  	[sflag:s14] =	ssyncset.done $0x0  }
0x39: {  	[sflag:s14] =	ssyncadd.s32 $0xFFFFC000  }
0x3a: {  	[spmem:s11] =	stream.linear.scatter [tilespmem:s16], [sflag:$0x2], $0x4000, $0x38;
	[tilespmem:$0x1E800] =	vst v63  }
0x3b: {  	_ =	swait.ge [sflag:s14], $0x4000  }
0x3c: {  	[sflag:s14] =	ssyncset.done $0x0  }
0x3d: {  	[sflag:s14] =	ssyncadd.s32 $0xFFFFC000  }
0x3e: {  	s30 =	simm.s32 $0x0;
	[bflag:$0x0] =	sbarrier.arrive $0xFFFF  }
0x3f: {  	[tilespmem:s18], [sflag:$0x1] =	stream.indirect.gather [hbm4b:s4+s17], $0x80, s30, s17, $0xb8;
	[tilespmem:$0x1E800] =	vst v63  }
0x40: {  	_ =	swait.ge [sflag:s19], $0x4000  }
0x41: {  	[sflag:s19] =	ssyncset.done $0x0  }
0x42: {  	s31 =	simm.s32 $0x1400;
	[sflag:s19] =	ssyncadd.s32 $0xFFFFC000  }
0x43: {  	[spmem:s2] =	stream.indirect.scatter.add.f32 [tilespmem:s18], [sflag:$0x2], $0x80, s31, s17, $0xb8;
	[tilespmem:$0x1E800] =	vst v63  }
0x44: {  	_ =	swait.ge [sflag:s14], $0x4000  }
0x45: {  	s23 =	simm.s32 $0x200;
	s24 =	simm.s32 $0x400;
	[sflag:s14] =	ssyncset.done $0x0  }
.LBB2_4:
0x46: {  	s25 =	sshra.s32 s23, $0x2  }
0x47: {  	[sflag:s14] =	ssyncadd.s32 $0xFFFFC000;
	s23 =	smov.u32 s24;
	s26 =	sadd.s32 $0x200, s24  }
0x48: {  	[tilespmem:s18], [sflag:$0x1] =	stream.indirect.gather [hbm4b:s4+s17], $0x80, s25, s17, $0xb8;
	[tilespmem:$0x1E800] =	vst v63  }
0x49: {  	p0 =	sne.s32 s24, $0x4E00;
	_ =	swait.ge [sflag:s19], $0x4000  }
.Ltmp1:
0x4a: {  	[sflag:s19] =	ssyncset.done $0x0;
	(pc) =	sbr.rel @p0 .LBB2_4-.Ltmp1, $4  }
0x4b: {  	s24 =	sadd.s32 $0x1400, s25;
	[sflag:s19] =	ssyncadd.s32 $0xFFFFC000  }
0x4c: {  	[spmem:s2] =	stream.indirect.scatter.add.f32 [tilespmem:s18], [sflag:$0x2], $0x80, s24, s17, $0xb8;
	[tilespmem:$0x1E800] =	vst v63  }
0x4d: {  	_ =	swait.ge [sflag:s14], $0x4000  }
0x4e: {  	s24 =	smov.u32 s26;
	[sflag:s14] =	ssyncset.done $0x0  }
0x4f: {  	s23 =	sshra.s32 s23, $0x2;
	[sflag:s14] =	ssyncadd.s32 $0xFFFFC000  }
0x50: {  	[tilespmem:s18], [sflag:$0x1] =	stream.indirect.gather [hbm4b:s4+s17], $0x80, s23, s17, $0xb8;
	[tilespmem:$0x1E800] =	vst v63  }
0x51: {  	_ =	swait.ge [sflag:s19], $0x4000  }
0x52: {  	[sflag:s19] =	ssyncset.done $0x0  }
0x53: {  	s23 =	sadd.s32 $0x1400, s23;
	[sflag:s19] =	ssyncadd.s32 $0xFFFFC000  }
0x54: {  	[spmem:s2] =	stream.indirect.scatter.add.f32 [tilespmem:s18], [sflag:$0x2], $0x80, s23, s17, $0xb8;
	[tilespmem:$0x1E800] =	vst v63  }
0x55: {  	_ =	swait.ge [sflag:s14], $0x4000  }
0x56: {  	s22 =	sadd.s32 $0x1, s22;
	[sflag:s14] =	ssyncset.done $0x0  }
0x57: {  	p0 =	sne.s32 s22, s13;
	[sflag:s14] =	ssyncadd.s32 $0xFFFFC000  }
.Ltmp2:
0x58: {  	[bflag:$0x0] =	sbarrier.arrive $0xFFFF;
	(pc) =	sbr.rel @p0 .LBB2_1-.Ltmp2, $4  }
0x59: {  	[hbm:s12], [sflag:s20] =	dma.local [spmem:s21], $0x2800  }
0x5a: {  	_ =	swait.ge [sflag:s14], $0x2800  }
0x5b: {  	[sflag:s14] =	ssyncset.done $0x0  }
0x5c: {  	[sflag:s14] =	ssyncadd.s32 $0xFFFFD800  }
0x5d: {  	_ =	sfence.sel $0x180000  }
0x5e: {  	[bflag:$0x0] =	sbarrier.arrive $0xFFFF  }
0x5f: {  	p0 =	sne.s32 s1, $0x0;
	_ =	strace $0x9000004A  }
0x60: {  	s0 =	sadd.s32 @!p0 $0x100000, s0;
	[bflag:$0x2] =	sbarrier.arrive $0xFFFF  }
0x61: {  	[sflag:s0] =	ssyncadd.tile.s32 @!p0 $0x1;
	_ =	shalt  }
.Lfunc_end2:
_tile_overlayer_lowered:
.L_overlay_start_2:
0x62: {  	(tag) =	ssettag $0x2  }
0x63: {  	s0 =	rddreg [dreg:$0x0];
	s2 =	stileid.u32  }
0x64: {  	s1 =	rddreg [dreg:$0x1];
	p0 =	sne.s32 s2, $0x0  }
0x65: {  	s3 =	rddreg [dreg:$0x2];
	[bflag:$0x3] =	sbarrier.arrive $0xFFFF;
	s2 =	simm.s32 @!p0 $0x1C02  }
0x66: {  	[timem:s3], [sflag:s2] =	dma.local @!p0 [hbm:s0], s1  }
0x67: {  	s0 =	simm.s32 @!p0 $0x2  }
0x68: {  	_ =	swait.ge @!p0 [sflag:s0], s1  }
0x69: {  	s1 =	ssub.s32 @!p0 $0x0, s1;
	[sflag:s0] =	ssyncset.done @!p0 $0x0  }
0x6a: {  	[sflag:s0] =	ssyncadd.s32 @!p0 s1  }
0x6b: {  	[bflag:$0x3] =	sbarrier.arrive $0xFFFF  }
0x6c: {  	_ =	shalt  }

// kernel: kernel.19.cloned.1.call-start
scs
__scs_entry_jumppad:
0x0: {  	(pc) =	sbr.rel $0x88, $3  }
0x1: {  	(tag) =	ssettag $0x0;
	lr =	simm.s32 $0x1  }
0x2: {  	[smem:$0x3F95] =	sst lr;
	_ =	strace $0xD0000000  }
0x3: {  	_ = 	snop  }
0x4: {  	_ = 	snop  }
0x5: {  	_ = 	snop  }
0x6: {  	_ = 	snop  }
0x7: {  	_ = 	snop  }
__scs_overlays_trampoline_lowered:
0x8: {  	[smem:$0x3FA4] =	sst s0  }
0x9: {  	[smem:$0x3FA5] =	sst s1  }
0xa: {  	[smem:$0x3FA6] =	sst s2  }
0xb: {  	[smem:$0x3FA7] =	sst s3  }
0xc: {  	[smem:$0x3FA8] =	sst s4  }
0xd: {  	[smem:$0x3FA9] =	sst s5  }
0xe: {  	[smem:$0x3FAA] =	sst s6  }
0xf: {  	[smem:$0x3FAB] =	sst s7  }
0x10: {  	[smem:$0x3FAC] =	sst s8  }
0x11: {  	[smem:$0x3FAD] =	sst s9;
	s0 =	simm.s32 @!p0 $0x0  }
0x12: {  	s1 =	sld [smem:$0x3F93];
	s0 =	simm.s32 @p0 $0x1  }
0x13: {  	[smem:$0x3FAE] =	sst s0;
	s0 =	simm.s32 @!p1 $0x0  }
0x14: {  	s2 =	sld [smem:$0x3F92];
	s0 =	simm.s32 @p1 $0x1  }
0x15: {  	[smem:$0x3FAF] =	sst s0;
	s0 =	simm.s32 @!p2 $0x0  }
0x16: {  	s3 =	sld [smem:$0x3FDB];
	s0 =	simm.s32 @p2 $0x1  }
0x17: {  	s4 =	simm.s32 $0x1BF5;
	[smem:$0x3FB1] =	sst s0  }
0x18: {  	s0 =	sld [smem:$0x3F94];
	_ =	swait.ge [sflag:s4], $0x0  }
0x19: {  	s7 =	sld [smem:$0x3F95]  }
0x1a: {  	s8 =	sadd.s32 $0xFFFFE003, lr  }
0x1b: {  	s9 =	sadd.s32 $0xFFFFFEF7, lr;
	s5 =	simm.s32 $0xFFFFFFFF;
	p2 =	slt.u32 s8, $0xFFFFF086  }
0x1c: {  	p1 =	slt.u32 s9, $0xF7A;
	s5 =	simm.s32 @!p2 $0x0  }
0x1d: {  	s5 =	simm.s32 @p1 $0x1;
	p0 =	seq.s32 s7, s2  }
0x1e: {  	s7 =	smul.u32 @!p0 $0xF7A, s2;
	p2 =	seq.s32 @!p0 s5, $0x0  }
0x1f: {  	s9 =	smul.u32 $0xF7A, s1;
	s8 =	simm.s32 @!p0 $0x1BF5;
	p2 =	por !p2, p0  }
0x20: {  	[sflag:s8] =	ssyncset.s32 @!p0 $0xFFFFF086;
	s6 =	sadd.s32 @!p0 s3, s7;
	s7 =	simm.s32 @!p0 $0x108  }
0x21: {  	s3 =	sadd.s32 s3, s9;
	s6 =	sadd.s32 @!p0 $0x88, s6;
	s7 =	simm.s32 @p2 $0x1082  }
0x22: {  	[simem:s7], [sflag:s8] =	dma.local @!p0 [hbm:s6], $0xF7A  }
0x23: {  	s9 =	sor.u32 $0xD0000000, s2;
	s6 =	simm.s32 $0x108;
	_ =	swait.ge @!p0 [sflag:s8], $0x0  }
0x24: {  	s3 =	sadd.s32 $0x88, s3;
	s6 =	simm.s32 @!p1 $0x1082;
	[sflag:s4] =	ssyncset.s32 $0xFFFFF086  }
0x25: {  	[simem:s6], [sflag:s4] =	dma.local [hbm:s3], $0xF7A  }
0x26: {  	[smem:$0x3F95] =	sst s1;
	(tag) =	ssettag s2;
	_ =	strace s9  }
0x27: {  	s1 =	sld [smem:$0x3FA5]  }
0x28: {  	s2 =	sld [smem:$0x3FA6]  }
0x29: {  	s4 =	sld [smem:$0x3FA8]  }
0x2a: {  	p0 =	seq.s32 s5, $0x0;
	s5 =	sld [smem:$0x3FA9]  }
0x2b: {  	s6 =	sld [smem:$0x3FAA]  }
0x2c: {  	s7 =	sld [smem:$0x3FAB]  }
0x2d: {  	s3 =	simm.s32 $0x108;
	s8 =	sld [smem:$0x3FAC]  }
0x2e: {  	s3 =	simm.s32 @!p0 $0x1082;
	s9 =	sld [smem:$0x3FAD]  }
0x2f: {  	lr =	sadd.s32 s0, s3;
	s0 =	sld [smem:$0x3FA4]  }
0x30: {  	s3 =	sld [smem:$0x3FA7]  }
0x31: {  	[smem:$0x3FB0] =	sst s10  }
0x32: {  	s10 =	sld [smem:$0x3FAE];
	_ =	sdelay $0x3  }
0x33: {  	p0 =	seq.s32 s10, $0x1;
	s10 =	sld [smem:$0x3FB0];
	_ =	sdelay $0x3  }
0x34: {  	[smem:$0x3FB0] =	sst s10  }
0x35: {  	s10 =	sld [smem:$0x3FAF];
	_ =	sdelay $0x3  }
0x36: {  	p1 =	seq.s32 s10, $0x1;
	s10 =	sld [smem:$0x3FB0];
	_ =	sdelay $0x3  }
0x37: {  	[smem:$0x3FB0] =	sst s10  }
0x38: {  	s10 =	sld [smem:$0x3FB1]  }
0x39: {  	_ = 	snop;
	(pc) =	sbr.ind lr, $3  }
0x3a: {  	_ = 	snop  }
0x3b: {  	_ = 	snop  }
0x3c: {  	p2 =	seq.s32 s10, $0x1;
	s10 =	sld [smem:$0x3FB0]  }
0x3d: {  	_ =	shalt  }
0x3e: {  	_ =	shalt  }
0x3f: {  	_ =	shalt  }
0x40: {  	_ =	shalt  }
0x41: {  	_ =	shalt  }
0x42: {  	_ =	shalt  }
0x43: {  	_ =	shalt  }
0x44: {  	_ =	shalt  }
0x45: {  	_ =	shalt  }
0x46: {  	_ =	shalt  }
0x47: {  	_ =	shalt  }
0x48: {  	_ =	shalt  }
0x49: {  	_ =	shalt  }
0x4a: {  	_ =	shalt  }
0x4b: {  	_ =	shalt  }
0x4c: {  	_ =	shalt  }
0x4d: {  	_ =	shalt  }
0x4e: {  	_ =	shalt  }
0x4f: {  	_ =	shalt  }
0x50: {  	_ =	shalt  }
0x51: {  	_ =	shalt  }
0x52: {  	_ =	shalt  }
0x53: {  	_ =	shalt  }
0x54: {  	_ =	shalt  }
0x55: {  	_ =	shalt  }
0x56: {  	_ =	shalt  }
0x57: {  	_ =	shalt  }
0x58: {  	_ =	shalt  }
0x59: {  	_ =	shalt  }
0x5a: {  	_ =	shalt  }
0x5b: {  	_ =	shalt  }
0x5c: {  	_ =	shalt  }
0x5d: {  	_ =	shalt  }
0x5e: {  	_ =	shalt  }
0x5f: {  	_ =	shalt  }
0x60: {  	_ =	shalt  }
0x61: {  	_ =	shalt  }
0x62: {  	_ =	shalt  }
0x63: {  	_ =	shalt  }
0x64: {  	_ =	shalt  }
0x65: {  	_ =	shalt  }
0x66: {  	_ =	shalt  }
0x67: {  	_ =	shalt  }
0x68: {  	_ =	shalt  }
0x69: {  	_ =	shalt  }
0x6a: {  	_ =	shalt  }
0x6b: {  	_ =	shalt  }
0x6c: {  	_ =	shalt  }
0x6d: {  	_ =	shalt  }
0x6e: {  	_ =	shalt  }
0x6f: {  	_ =	shalt  }
0x70: {  	_ =	shalt  }
0x71: {  	_ =	shalt  }
0x72: {  	_ =	shalt  }
0x73: {  	_ =	shalt  }
0x74: {  	_ =	shalt  }
0x75: {  	_ =	shalt  }
0x76: {  	_ =	shalt  }
0x77: {  	_ =	shalt  }
0x78: {  	_ =	shalt  }
0x79: {  	_ =	shalt  }
0x7a: {  	_ =	shalt  }
0x7b: {  	_ =	shalt  }
0x7c: {  	_ =	shalt  }
0x7d: {  	_ =	shalt  }
0x7e: {  	_ =	shalt  }
0x7f: {  	_ =	shalt  }
0x80: {  	_ =	shalt  }
0x81: {  	_ =	shalt  }
0x82: {  	_ =	shalt  }
0x83: {  	_ =	shalt  }
0x84: {  	_ =	shalt  }
0x85: {  	_ =	shalt  }
0x86: {  	_ =	shalt  }
0x87: {  	_ =	shalt  }
.Lfunc_end0:
.L_simem_size_0:
called_computation.2_lowered:
.L_overlay_start_0:
0x88: {  	s2 =	sld [smem:$0x3FD9]  }
0x89: {  	s3 =	sld [smem:$0x3FFE];
	_ =	sdelay $0x1  }
0x8a: {  	s1 =	srdreg.scid  }
0x8b: {  	s0 =	sand.u32 $0x1, s1  }
0x8c: {  	s14 =	sshll.u32 s0, $0xA;
	s2 =	sadd.s32 s3, s2  }
0x8d: {  	s2 =	sadd.s32 s2, s14  }
0x8e: {  	[smem:$0x3FBC] =	sst s2  }
0x8f: {  	_ = 	snop  }
0x90: {  	s2 =	sld [smem:$0x3FD0];
	_ =	sdelay $0x2  }
0x91: {  	s15 =	simm.s32 $0xA;
	s4 =	simm.s32 $0x10  }
0x92: {  	[smem:s4], [sflag:s15] =	dma.local [hbm:s2], $0x1  }
0x93: {  	_ =	swait.eq [sflag:s15], $0x1  }
0x94: {  	[sflag:s15] =	ssyncset.done $0x0  }
0x95: {  	[sflag:s15] =	ssyncadd.s32 $0xFFFFFFFF  }
0x96: {  	s16 =	sld [smem:$0x11];
	(tm) =	ssettm $0x1  }
0x97: {  	s17 =	sld [smem:$0x3FFB];
	_ =	sdelay $0x3  }
0x98: {  	_ =	strace s17  }
0x99: {  	s3 =	sld [smem:$0x3FFC];
	_ =	sdelay $0x3  }
0x9a: {  	_ =	strace s3  }
0x9b: {  	s3 =	sld [smem:$0x3FFD];
	_ =	sdelay $0x3  }
0x9c: {  	_ =	strace s3  }
0x9d: {  	_ =	strace $0x8FFFFFFF  }
0x9e: {  	s18 =	sld [smem:$0x3FDB];
	_ =	sdelay $0x1  }
0x9f: {  	s19 =	simm.s32 $_scs_section_size  }
0xa0: {  	s5 =	simm.s32 $_size__tile_overlayer_lowered;
	s6 =	simm.s32 $_tile_overlayer_lowered  }
0xa1: {  	s22 =	simm.s32 $0x1BFF;
	s21 =	sshll.u32 s6, $0x1;
	s3 =	sadd.s32 s19, s18  }
0xa2: {  	s7 =	simm.s32 $0x0;
	s20 =	sshll.u32 s5, $0x1;
	s5 =	sadd.s32 s21, s3  }
0xa3: {  	[timem:s7], [sflag:s22] =	dma.local [hbm:s5], s20  }
0xa4: {  	_ =	swait.ge [sflag:s22], s20  }
0xa5: {  	s4 =	ssub.s32 $0x0, s20;
	[sflag:s22] =	ssyncset.done $0x0  }
0xa6: {  	[sflag:s22] =	ssyncadd.s32 s4;
	_ =	sdelay $0x1  }
0xa7: {  	s23 =	simm.s32 $0x1B8B  }
0xa8: {  	_ =	swait.ge [sflag:s23], $0x1  }
0xa9: {  	[sflag:s23] =	ssyncset.done $0x0  }
0xaa: {  	s25 =	simm.s32 $0x1B8E;
	s24 =	sld [smem:$0x3FFE];
	[sflag:s23] =	ssyncadd.s32 $0xFFFFFFFF  }
0xab: {  	s26 =	simm.s32 $execute0_lowered;
	[smem:$0x3FD2] =	sst s25  }
0xac: {  	s5 =	sshll.u32 s26, $0x1;
	_ =	strace $0x8000004C;
	[dreg:$0x1] =	wrdreg $0xFFFFFFFF  }
0xad: {  	s28 =	simm.s32 $_size_execute0_lowered;
	s3 =	sadd.s32 s3, s5;
	[dreg:$0x0] =	wrdreg $0x0  }
0xae: {  	s5 =	sshll.u32 s28, $0x1;
	[dreg:$0x2] =	wrdreg s3  }
0xaf: {  	[dreg:$0x3] =	wrdreg s5  }
0xb0: {  	[dreg:$0x4] =	wrdreg $0xC0  }
0xb1: {  	_ =	task [dreg:s7], $0x5FFFF  }
0xb2: {  	[dreg:$0x1] =	wrdreg $0xFFFFFFFF  }
0xb3: {  	[dreg:$0x0] =	wrdreg $0x60  }
0xb4: {  	[dreg:$0x2] =	wrdreg s16  }
0xb5: {  	[dreg:$0x3] =	wrdreg s24  }
0xb6: {  	[dreg:$0x4] =	wrdreg $0x68000  }
0xb7: {  	[dreg:$0x5] =	wrdreg $0x9  }
0xb8: {  	_ =	task.clear_ibuf [dreg:s7], $0x6FFFF;
	_ =	strace $0x9000004C  }
0xb9: {  	s29 =	simm.s32 $0x9;
	_ =	strace $0x8000004E  }
0xba: {  	_ =	swait.ge [sflag:s29], $0x1  }
0xbb: {  	[sflag:s29] =	ssyncadd.s32 $0xFFFFFFFF  }
0xbc: {  	_ =	strace $0x9000004E  }
0xbd: {  	_ =	sfence  }
0xbe: {  	s30 =	sld [smem:$0x0];
	_ =	sdelay $0x2  }
0xbf: {  	s31 =	sshll.u32 s1, $0xD;
	s1 =	sshrl.u32 s1, $0x2  }
0xc0: {  	s3 =	sand.u32 $0x4000, s31;
	s1 =	sadd.s32 s1, s30  }
0xc1: {  	s0 =	sor.u32 s3, s0;
	s1 =	sshll.u32 s1, $0x11  }
0xc2: {  	s0 =	sor.u32 s1, s0  }
0xc3: {  	s0 =	sadd.s32 $0x8F2B, s0  }
0xc4: {  	[sflag:s0] =	ssyncadd.remote.s32 $0x1  }
0xc5: {  	_ =	sfence.sel $0xFFFF  }
0xc6: {  	[dreg:$0x0] =	wrdreg $0xFFFFFFFF;
	(pc) =	sbr.abs _section_cstart, $3  }
0xc7: {  	[dreg:$0x1] =	wrdreg $0xFFFFFFFF  }
0xc8: {  	_ =	task.clear_ibuf [dreg:s7], $0x2FFFF;
	_ =	strace $0x9FFFFFFF  }
0xc9: {  	(tm) =	ssettm $0x7FFFFFFF  }
tec
execute0_lowered:
.L_overlay_start_1:
0x0: {  	(tag) =	ssettag $0x1  }
0x1: {  	s1 =	rddreg [dreg:$0x0]  }
0x2: {  	s5 =	rddreg [dreg:$0x1]  }
0x3: {  	s3 =	rddreg [dreg:$0x2]  }
0x4: {  	s0 =	rddreg [dreg:$0x3];
	s4 =	srdreg.scid  }
0x5: {  	s2 =	stileid.u32;
	s14 =	simm.s32 $0x2;
	s15 =	simm.s32 $0x1400  }
0x6: {  	s16 =	simm.s32 $0x4800;
	s17 =	simm.s32 $0x80;
	s18 =	simm.s32 $0x2800  }
0x7: {  	s19 =	simm.s32 $0x1;
	s22 =	simm.s32 $0x0;
	s6 =	sand.u32 $0x1, s4  }
0x8: {  	s7 =	sshll.u32 s2, $0x1;
	s8 =	smul.u32 $0xA000, s2;
	s4 =	simm.s32 $0x0  }
0x9: {  	s10 =	smul.u32 $0x28000, s2;
	s20 =	sshll.u32 s2, $0x6;
	s7 =	sor.u32 s6, s7  }
0xa: {  	s9 =	smul.u32 $0xA0000, s6;
	[smem:$0x7FF] =	sst s4;
	s6 =	ssub.s32 $0x2, s6  }
0xb: {  	s20 =	sor.u32 $0x1C02, s20;
	s7 =	smul.u32 $0x280, s7;
	_ =	strace $0x8000004D  }
0xc: {  	s30 =	sshrl.u32 s6, $0x1;
	s31 =	sshrl.u32 s10, $0x2;
	s9 =	sadd.s32 s8, s9  }
0xd: {  	s13 =	ssub.s32 s6, s30;
	s11 =	sadd.s32 s31, s3;
	s7 =	sadd.s32 s7, s5  }
0xe: {  	s9 =	sshrl.u32 s9, $0x3;
	s10 =	sadd.s32 $0x6000, s11;
	s13 =	smax.u32 s13, $0x1  }
0xf: {  	s12 =	sadd.s32 s9, s5;
	s5 =	sadd.s32 $0x8200, s7;
	s6 =	sadd.s32 $0x3200, s7  }
0x10: {  	s7 =	sadd.s32 s8, s3;
	s8 =	sadd.s32 $0x2000, s11;
	s9 =	sadd.s32 $0x4000, s11  }
0x11: {  	v0 =	vimm.f32 $0.0e+00;
	s11 =	sadd.s32 $0x8000, s11;
	s12 =	sadd.s32 $0xD200, s12;
	s21 =	sshrl.u32 s7, $0x3  }
.LBB2_1:
0x12: {  	[tilespmem:s4], [sflag:$0x2] =	stream.linear.gather [hbm4b:s5+s4], $0x1400, $0x38;
	[tilespmem:$0x10800] =	vst v63  }
0x13: {  	_ =	swait.ge [sflag:s14], $0x1400  }
0x14: {  	[sflag:s14] =	ssyncset.done $0x0  }
0x15: {  	[sflag:s14] =	ssyncadd.s32 $0xFFFFEC00  }
0x16: {  	[tilespmem:s15], [sflag:$0x2] =	stream.linear.gather [hbm4b:s6+s4], $0x1400, $0x38;
	[tilespmem:$0x10800] =	vst v63  }
0x17: {  	_ =	swait.ge [sflag:s14], $0x1400  }
0x18: {  	[sflag:s14] =	ssyncset.done $0x0  }
0x19: {  	s24 =	simm.s32 $0x100;
	s23 =	simm.s32 $0x0;
	[sflag:s14] =	ssyncadd.s32 $0xFFFFEC00  }
.LBB2_2:
0x1a: {  	p0 =	sne.s32 s24, $0x7F00;
	[tilespmem:s23+$0x4830] =	vst v0;
	s25 =	smov.u32 s24;
	s24 =	sadd.s32 $0x100, s24  }
.Ltmp0:
0x1b: {  	[tilespmem:s23+$0x4820] =	vst v0;
	(pc) =	sbr.rel @p0 .LBB2_2-.Ltmp0, $3  }
0x1c: {  	[tilespmem:s23+$0x4800] =	vst v0  }
0x1d: {  	[tilespmem:s23+$0x4810] =	vst v0;
	_ =	sdelay $0x1  }
0x1e: {  	s23 =	sshra.s32 s25, $0x2  }
0x1f: {  	[tilespmem:s23+$0x4830] =	vst v0  }
0x20: {  	[tilespmem:s23+$0x4820] =	vst v0  }
0x21: {  	[tilespmem:s23+$0x4800] =	vst v0  }
0x22: {  	[tilespmem:s23+$0x4810] =	vst v0  }
0x23: {  	[spmem:s7] =	stream.linear.scatter [tilespmem:s16], [sflag:$0x2], $0x2000, $0x38;
	[tilespmem:$0x10800] =	vst v63  }
0x24: {  	_ =	swait.ge [sflag:s14], $0x2000  }
0x25: {  	[sflag:s14] =	ssyncset.done $0x0  }
0x26: {  	[sflag:s14] =	ssyncadd.s32 $0xFFFFE000  }
0x27: {  	[spmem:s8] =	stream.linear.scatter [tilespmem:s16], [sflag:$0x2], $0x2000, $0x38;
	[tilespmem:$0x10800] =	vst v63  }
0x28: {  	_ =	swait.ge [sflag:s14], $0x2000  }
0x29: {  	[sflag:s14] =	ssyncset.done $0x0  }
0x2a: {  	[sflag:s14] =	ssyncadd.s32 $0xFFFFE000  }
0x2b: {  	[spmem:s9] =	stream.linear.scatter [tilespmem:s16], [sflag:$0x2], $0x2000, $0x38;
	[tilespmem:$0x10800] =	vst v63  }
0x2c: {  	_ =	swait.ge [sflag:s14], $0x2000  }
0x2d: {  	[sflag:s14] =	ssyncset.done $0x0  }
0x2e: {  	[sflag:s14] =	ssyncadd.s32 $0xFFFFE000  }
0x2f: {  	[spmem:s10] =	stream.linear.scatter [tilespmem:s16], [sflag:$0x2], $0x2000, $0x38;
	[tilespmem:$0x10800] =	vst v63  }
0x30: {  	_ =	swait.ge [sflag:s14], $0x2000  }
0x31: {  	[sflag:s14] =	ssyncset.done $0x0  }
0x32: {  	[sflag:s14] =	ssyncadd.s32 $0xFFFFE000  }
0x33: {  	[spmem:s11] =	stream.linear.scatter [tilespmem:s16], [sflag:$0x2], $0x2000, $0x38;
	[tilespmem:$0x10800] =	vst v63  }
0x34: {  	_ =	swait.ge [sflag:s14], $0x2000  }
0x35: {  	[sflag:s14] =	ssyncset.done $0x0  }
0x36: {  	[sflag:s14] =	ssyncadd.s32 $0xFFFFE000  }
0x37: {  	s30 =	simm.s32 $0x0;
	[bflag:$0x0] =	sbarrier.arrive $0xFFFF  }
0x38: {  	[tilespmem:s18], [sflag:$0x1] =	stream.indirect.gather [hbm4b:s1+s17], $0x40, s30, s17, $0xb8;
	[tilespmem:$0x10800] =	vst v63  }
0x39: {  	_ =	swait.ge [sflag:s19], $0x2000  }
0x3a: {  	[sflag:s19] =	ssyncset.done $0x0  }
0x3b: {  	s31 =	simm.s32 $0x1400;
	[sflag:s19] =	ssyncadd.s32 $0xFFFFE000  }
0x3c: {  	[spmem:s3] =	stream.indirect.scatter.add.f32 [tilespmem:s18], [sflag:$0x2], $0x40, s31, s17, $0xb8;
	[tilespmem:$0x10800] =	vst v63  }
0x3d: {  	_ =	swait.ge [sflag:s14], $0x2000  }
0x3e: {  	s23 =	simm.s32 $0x200;
	s24 =	simm.s32 $0x400;
	[sflag:s14] =	ssyncset.done $0x0  }
.LBB2_4:
0x3f: {  	s25 =	sshra.s32 s23, $0x2  }
0x40: {  	[sflag:s14] =	ssyncadd.s32 $0xFFFFE000;
	s23 =	smov.u32 s24;
	s26 =	sadd.s32 $0x200, s24  }
0x41: {  	[tilespmem:s18], [sflag:$0x1] =	stream.indirect.gather [hbm4b:s1+s17], $0x40, s25, s17, $0xb8;
	[tilespmem:$0x10800] =	vst v63  }
0x42: {  	p0 =	sne.s32 s24, $0x4E00;
	_ =	swait.ge [sflag:s19], $0x2000  }
.Ltmp1:
0x43: {  	[sflag:s19] =	ssyncset.done $0x0;
	(pc) =	sbr.rel @p0 .LBB2_4-.Ltmp1, $4  }
0x44: {  	s24 =	sadd.s32 $0x1400, s25;
	[sflag:s19] =	ssyncadd.s32 $0xFFFFE000  }
0x45: {  	[spmem:s3] =	stream.indirect.scatter.add.f32 [tilespmem:s18], [sflag:$0x2], $0x40, s24, s17, $0xb8;
	[tilespmem:$0x10800] =	vst v63  }
0x46: {  	_ =	swait.ge [sflag:s14], $0x2000  }
0x47: {  	s24 =	smov.u32 s26;
	[sflag:s14] =	ssyncset.done $0x0  }
0x48: {  	s23 =	sshra.s32 s23, $0x2;
	[sflag:s14] =	ssyncadd.s32 $0xFFFFE000  }
0x49: {  	[tilespmem:s18], [sflag:$0x1] =	stream.indirect.gather [hbm4b:s1+s17], $0x40, s23, s17, $0xb8;
	[tilespmem:$0x10800] =	vst v63  }
0x4a: {  	_ =	swait.ge [sflag:s19], $0x2000  }
0x4b: {  	[sflag:s19] =	ssyncset.done $0x0  }
0x4c: {  	s23 =	sadd.s32 $0x1400, s23;
	[sflag:s19] =	ssyncadd.s32 $0xFFFFE000  }
0x4d: {  	[spmem:s3] =	stream.indirect.scatter.add.f32 [tilespmem:s18], [sflag:$0x2], $0x40, s23, s17, $0xb8;
	[tilespmem:$0x10800] =	vst v63  }
0x4e: {  	_ =	swait.ge [sflag:s14], $0x2000  }
0x4f: {  	s22 =	sadd.s32 $0x1, s22;
	[sflag:s14] =	ssyncset.done $0x0  }
0x50: {  	p0 =	sne.s32 s22, s13;
	[sflag:s14] =	ssyncadd.s32 $0xFFFFE000  }
.Ltmp2:
0x51: {  	[bflag:$0x0] =	sbarrier.arrive $0xFFFF;
	(pc) =	sbr.rel @p0 .LBB2_1-.Ltmp2, $4  }
0x52: {  	[hbm:s12], [sflag:s20] =	dma.local [spmem:s21], $0x1400  }
0x53: {  	_ =	swait.ge [sflag:s14], $0x1400  }
0x54: {  	[sflag:s14] =	ssyncset.done $0x0  }
0x55: {  	[sflag:s14] =	ssyncadd.s32 $0xFFFFEC00  }
0x56: {  	_ =	sfence.sel $0x180000  }
0x57: {  	[bflag:$0x0] =	sbarrier.arrive $0xFFFF  }
0x58: {  	p0 =	sne.s32 s2, $0x0;
	_ =	strace $0x9000004D  }
0x59: {  	s0 =	sadd.s32 @!p0 $0x100000, s0;
	[bflag:$0x2] =	sbarrier.arrive $0xFFFF  }
0x5a: {  	[sflag:s0] =	ssyncadd.tile.s32 @!p0 $0x1;
	_ =	shalt  }
.Lfunc_end2:
_tile_overlayer_lowered:
.L_overlay_start_2:
0x5b: {  	(tag) =	ssettag $0x2  }
0x5c: {  	s0 =	rddreg [dreg:$0x0];
	s2 =	stileid.u32  }
0x5d: {  	s1 =	rddreg [dreg:$0x1];
	p0 =	sne.s32 s2, $0x0  }
0x5e: {  	s3 =	rddreg [dreg:$0x2];
	[bflag:$0x3] =	sbarrier.arrive $0xFFFF;
	s2 =	simm.s32 @!p0 $0x1C02  }
0x5f: {  	[timem:s3], [sflag:s2] =	dma.local @!p0 [hbm:s0], s1  }
0x60: {  	s0 =	simm.s32 @!p0 $0x2  }
0x61: {  	_ =	swait.ge @!p0 [sflag:s0], s1  }
0x62: {  	s1 =	ssub.s32 @!p0 $0x0, s1;
	[sflag:s0] =	ssyncset.done @!p0 $0x0  }
0x63: {  	[sflag:s0] =	ssyncadd.s32 @!p0 s1  }
0x64: {  	[bflag:$0x3] =	sbarrier.arrive $0xFFFF  }
0x65: {  	_ =	shalt  }

// kernel: kernel.22.cloned.1.call-start
scs
__scs_entry_jumppad:
0x0: {  	(pc) =	sbr.rel $0x88, $3  }
0x1: {  	(tag) =	ssettag $0x0;
	lr =	simm.s32 $0x1  }
0x2: {  	[smem:$0x3F95] =	sst lr;
	_ =	strace $0xD0000000  }
0x3: {  	_ = 	snop  }
0x4: {  	_ = 	snop  }
0x5: {  	_ = 	snop  }
0x6: {  	_ = 	snop  }
0x7: {  	_ = 	snop  }
__scs_overlays_trampoline_lowered:
0x8: {  	[smem:$0x3FA4] =	sst s0  }
0x9: {  	[smem:$0x3FA5] =	sst s1  }
0xa: {  	[smem:$0x3FA6] =	sst s2  }
0xb: {  	[smem:$0x3FA7] =	sst s3  }
0xc: {  	[smem:$0x3FA8] =	sst s4  }
0xd: {  	[smem:$0x3FA9] =	sst s5  }
0xe: {  	[smem:$0x3FAA] =	sst s6  }
0xf: {  	[smem:$0x3FAB] =	sst s7  }
0x10: {  	[smem:$0x3FAC] =	sst s8  }
0x11: {  	[smem:$0x3FAD] =	sst s9;
	s0 =	simm.s32 @!p0 $0x0  }
0x12: {  	s1 =	sld [smem:$0x3F93];
	s0 =	simm.s32 @p0 $0x1  }
0x13: {  	[smem:$0x3FAE] =	sst s0;
	s0 =	simm.s32 @!p1 $0x0  }
0x14: {  	s2 =	sld [smem:$0x3F92];
	s0 =	simm.s32 @p1 $0x1  }
0x15: {  	[smem:$0x3FAF] =	sst s0;
	s0 =	simm.s32 @!p2 $0x0  }
0x16: {  	s3 =	sld [smem:$0x3FDB];
	s0 =	simm.s32 @p2 $0x1  }
0x17: {  	s4 =	simm.s32 $0x1BF5;
	[smem:$0x3FB1] =	sst s0  }
0x18: {  	s0 =	sld [smem:$0x3F94];
	_ =	swait.ge [sflag:s4], $0x0  }
0x19: {  	s7 =	sld [smem:$0x3F95]  }
0x1a: {  	s8 =	sadd.s32 $0xFFFFE003, lr  }
0x1b: {  	s9 =	sadd.s32 $0xFFFFFEF7, lr;
	s5 =	simm.s32 $0xFFFFFFFF;
	p2 =	slt.u32 s8, $0xFFFFF086  }
0x1c: {  	p1 =	slt.u32 s9, $0xF7A;
	s5 =	simm.s32 @!p2 $0x0  }
0x1d: {  	s5 =	simm.s32 @p1 $0x1;
	p0 =	seq.s32 s7, s2  }
0x1e: {  	s7 =	smul.u32 @!p0 $0xF7A, s2;
	p2 =	seq.s32 @!p0 s5, $0x0  }
0x1f: {  	s9 =	smul.u32 $0xF7A, s1;
	s8 =	simm.s32 @!p0 $0x1BF5;
	p2 =	por !p2, p0  }
0x20: {  	[sflag:s8] =	ssyncset.s32 @!p0 $0xFFFFF086;
	s6 =	sadd.s32 @!p0 s3, s7;
	s7 =	simm.s32 @!p0 $0x108  }
0x21: {  	s3 =	sadd.s32 s3, s9;
	s6 =	sadd.s32 @!p0 $0x88, s6;
	s7 =	simm.s32 @p2 $0x1082  }
0x22: {  	[simem:s7], [sflag:s8] =	dma.local @!p0 [hbm:s6], $0xF7A  }
0x23: {  	s9 =	sor.u32 $0xD0000000, s2;
	s6 =	simm.s32 $0x108;
	_ =	swait.ge @!p0 [sflag:s8], $0x0  }
0x24: {  	s3 =	sadd.s32 $0x88, s3;
	s6 =	simm.s32 @!p1 $0x1082;
	[sflag:s4] =	ssyncset.s32 $0xFFFFF086  }
0x25: {  	[simem:s6], [sflag:s4] =	dma.local [hbm:s3], $0xF7A  }
0x26: {  	[smem:$0x3F95] =	sst s1;
	(tag) =	ssettag s2;
	_ =	strace s9  }
0x27: {  	s1 =	sld [smem:$0x3FA5]  }
0x28: {  	s2 =	sld [smem:$0x3FA6]  }
0x29: {  	s4 =	sld [smem:$0x3FA8]  }
0x2a: {  	p0 =	seq.s32 s5, $0x0;
	s5 =	sld [smem:$0x3FA9]  }
0x2b: {  	s6 =	sld [smem:$0x3FAA]  }
0x2c: {  	s7 =	sld [smem:$0x3FAB]  }
0x2d: {  	s3 =	simm.s32 $0x108;
	s8 =	sld [smem:$0x3FAC]  }
0x2e: {  	s3 =	simm.s32 @!p0 $0x1082;
	s9 =	sld [smem:$0x3FAD]  }
0x2f: {  	lr =	sadd.s32 s0, s3;
	s0 =	sld [smem:$0x3FA4]  }
0x30: {  	s3 =	sld [smem:$0x3FA7]  }
0x31: {  	[smem:$0x3FB0] =	sst s10  }
0x32: {  	s10 =	sld [smem:$0x3FAE];
	_ =	sdelay $0x3  }
0x33: {  	p0 =	seq.s32 s10, $0x1;
	s10 =	sld [smem:$0x3FB0];
	_ =	sdelay $0x3  }
0x34: {  	[smem:$0x3FB0] =	sst s10  }
0x35: {  	s10 =	sld [smem:$0x3FAF];
	_ =	sdelay $0x3  }
0x36: {  	p1 =	seq.s32 s10, $0x1;
	s10 =	sld [smem:$0x3FB0];
	_ =	sdelay $0x3  }
0x37: {  	[smem:$0x3FB0] =	sst s10  }
0x38: {  	s10 =	sld [smem:$0x3FB1]  }
0x39: {  	_ = 	snop;
	(pc) =	sbr.ind lr, $3  }
0x3a: {  	_ = 	snop  }
0x3b: {  	_ = 	snop  }
0x3c: {  	p2 =	seq.s32 s10, $0x1;
	s10 =	sld [smem:$0x3FB0]  }
0x3d: {  	_ =	shalt  }
0x3e: {  	_ =	shalt  }
0x3f: {  	_ =	shalt  }
0x40: {  	_ =	shalt  }
0x41: {  	_ =	shalt  }
0x42: {  	_ =	shalt  }
0x43: {  	_ =	shalt  }
0x44: {  	_ =	shalt  }
0x45: {  	_ =	shalt  }
0x46: {  	_ =	shalt  }
0x47: {  	_ =	shalt  }
0x48: {  	_ =	shalt  }
0x49: {  	_ =	shalt  }
0x4a: {  	_ =	shalt  }
0x4b: {  	_ =	shalt  }
0x4c: {  	_ =	shalt  }
0x4d: {  	_ =	shalt  }
0x4e: {  	_ =	shalt  }
0x4f: {  	_ =	shalt  }
0x50: {  	_ =	shalt  }
0x51: {  	_ =	shalt  }
0x52: {  	_ =	shalt  }
0x53: {  	_ =	shalt  }
0x54: {  	_ =	shalt  }
0x55: {  	_ =	shalt  }
0x56: {  	_ =	shalt  }
0x57: {  	_ =	shalt  }
0x58: {  	_ =	shalt  }
0x59: {  	_ =	shalt  }
0x5a: {  	_ =	shalt  }
0x5b: {  	_ =	shalt  }
0x5c: {  	_ =	shalt  }
0x5d: {  	_ =	shalt  }
0x5e: {  	_ =	shalt  }
0x5f: {  	_ =	shalt  }
0x60: {  	_ =	shalt  }
0x61: {  	_ =	shalt  }
0x62: {  	_ =	shalt  }
0x63: {  	_ =	shalt  }
0x64: {  	_ =	shalt  }
0x65: {  	_ =	shalt  }
0x66: {  	_ =	shalt  }
0x67: {  	_ =	shalt  }
0x68: {  	_ =	shalt  }
0x69: {  	_ =	shalt  }
0x6a: {  	_ =	shalt  }
0x6b: {  	_ =	shalt  }
0x6c: {  	_ =	shalt  }
0x6d: {  	_ =	shalt  }
0x6e: {  	_ =	shalt  }
0x6f: {  	_ =	shalt  }
0x70: {  	_ =	shalt  }
0x71: {  	_ =	shalt  }
0x72: {  	_ =	shalt  }
0x73: {  	_ =	shalt  }
0x74: {  	_ =	shalt  }
0x75: {  	_ =	shalt  }
0x76: {  	_ =	shalt  }
0x77: {  	_ =	shalt  }
0x78: {  	_ =	shalt  }
0x79: {  	_ =	shalt  }
0x7a: {  	_ =	shalt  }
0x7b: {  	_ =	shalt  }
0x7c: {  	_ =	shalt  }
0x7d: {  	_ =	shalt  }
0x7e: {  	_ =	shalt  }
0x7f: {  	_ =	shalt  }
0x80: {  	_ =	shalt  }
0x81: {  	_ =	shalt  }
0x82: {  	_ =	shalt  }
0x83: {  	_ =	shalt  }
0x84: {  	_ =	shalt  }
0x85: {  	_ =	shalt  }
0x86: {  	_ =	shalt  }
0x87: {  	_ =	shalt  }
.Lfunc_end0:
.L_simem_size_0:
called_computation.3_lowered:
.L_overlay_start_0:
0x88: {  	s2 =	sld [smem:$0x3FD9]  }
0x89: {  	s3 =	sld [smem:$0x3FFE];
	_ =	sdelay $0x1  }
0x8a: {  	s1 =	srdreg.scid  }
0x8b: {  	s0 =	sand.u32 $0x1, s1  }
0x8c: {  	s14 =	sshll.u32 s0, $0xA;
	s2 =	sadd.s32 s3, s2  }
0x8d: {  	s2 =	sadd.s32 s2, s14  }
0x8e: {  	[smem:$0x3FBC] =	sst s2  }
0x8f: {  	_ = 	snop  }
0x90: {  	s2 =	sld [smem:$0x3FD0];
	_ =	sdelay $0x2  }
0x91: {  	s15 =	simm.s32 $0xA;
	s4 =	simm.s32 $0x10  }
0x92: {  	[smem:s4], [sflag:s15] =	dma.local [hbm:s2], $0x1  }
0x93: {  	_ =	swait.eq [sflag:s15], $0x1  }
0x94: {  	[sflag:s15] =	ssyncset.done $0x0  }
0x95: {  	[sflag:s15] =	ssyncadd.s32 $0xFFFFFFFF  }
0x96: {  	s16 =	sld [smem:$0x11];
	(tm) =	ssettm $0x1  }
0x97: {  	s17 =	sld [smem:$0x3FFB];
	_ =	sdelay $0x3  }
0x98: {  	_ =	strace s17  }
0x99: {  	s3 =	sld [smem:$0x3FFC];
	_ =	sdelay $0x3  }
0x9a: {  	_ =	strace s3  }
0x9b: {  	s3 =	sld [smem:$0x3FFD];
	_ =	sdelay $0x3  }
0x9c: {  	_ =	strace s3  }
0x9d: {  	_ =	strace $0x8FFFFFFF  }
0x9e: {  	s18 =	sld [smem:$0x3FDB];
	_ =	sdelay $0x1  }
0x9f: {  	s19 =	simm.s32 $_scs_section_size  }
0xa0: {  	s5 =	simm.s32 $_size__tile_overlayer_lowered;
	s6 =	simm.s32 $_tile_overlayer_lowered  }
0xa1: {  	s22 =	simm.s32 $0x1BFF;
	s21 =	sshll.u32 s6, $0x1;
	s3 =	sadd.s32 s19, s18  }
0xa2: {  	s7 =	simm.s32 $0x0;
	s20 =	sshll.u32 s5, $0x1;
	s5 =	sadd.s32 s21, s3  }
0xa3: {  	[timem:s7], [sflag:s22] =	dma.local [hbm:s5], s20  }
0xa4: {  	_ =	swait.ge [sflag:s22], s20  }
0xa5: {  	s4 =	ssub.s32 $0x0, s20;
	[sflag:s22] =	ssyncset.done $0x0  }
0xa6: {  	[sflag:s22] =	ssyncadd.s32 s4;
	_ =	sdelay $0x1  }
0xa7: {  	s23 =	simm.s32 $0x1B8B  }
0xa8: {  	_ =	swait.ge [sflag:s23], $0x1  }
0xa9: {  	[sflag:s23] =	ssyncset.done $0x0  }
0xaa: {  	s25 =	simm.s32 $0x1B8E;
	s24 =	sld [smem:$0x3FFE];
	[sflag:s23] =	ssyncadd.s32 $0xFFFFFFFF  }
0xab: {  	s26 =	simm.s32 $execute0_lowered;
	[smem:$0x3FD2] =	sst s25  }
0xac: {  	s5 =	sshll.u32 s26, $0x1;
	_ =	strace $0x8000004F;
	[dreg:$0x1] =	wrdreg $0xFFFFFFFF  }
0xad: {  	s28 =	simm.s32 $_size_execute0_lowered;
	s3 =	sadd.s32 s3, s5;
	[dreg:$0x0] =	wrdreg $0x0  }
0xae: {  	s5 =	sshll.u32 s28, $0x1;
	[dreg:$0x2] =	wrdreg s3  }
0xaf: {  	[dreg:$0x3] =	wrdreg s5  }
0xb0: {  	[dreg:$0x4] =	wrdreg $0xC0  }
0xb1: {  	_ =	task [dreg:s7], $0x5FFFF  }
0xb2: {  	[dreg:$0x1] =	wrdreg $0xFFFFFFFF  }
0xb3: {  	[dreg:$0x0] =	wrdreg $0x60  }
0xb4: {  	[dreg:$0x2] =	wrdreg s16  }
0xb5: {  	[dreg:$0x3] =	wrdreg s24  }
0xb6: {  	[dreg:$0x4] =	wrdreg $0x68000  }
0xb7: {  	[dreg:$0x5] =	wrdreg $0x9  }
0xb8: {  	_ =	task.clear_ibuf [dreg:s7], $0x6FFFF;
	_ =	strace $0x9000004F  }
0xb9: {  	s29 =	simm.s32 $0x9;
	_ =	strace $0x80000051  }
0xba: {  	_ =	swait.ge [sflag:s29], $0x1  }
0xbb: {  	[sflag:s29] =	ssyncadd.s32 $0xFFFFFFFF  }
0xbc: {  	_ =	strace $0x90000051  }
0xbd: {  	_ =	sfence  }
0xbe: {  	s30 =	sld [smem:$0x0];
	_ =	sdelay $0x2  }
0xbf: {  	s31 =	sshll.u32 s1, $0xD;
	s1 =	sshrl.u32 s1, $0x2  }
0xc0: {  	s3 =	sand.u32 $0x4000, s31;
	s1 =	sadd.s32 s1, s30  }
0xc1: {  	s0 =	sor.u32 s3, s0;
	s1 =	sshll.u32 s1, $0x11  }
0xc2: {  	s0 =	sor.u32 s1, s0  }
0xc3: {  	s0 =	sadd.s32 $0x8F2B, s0  }
0xc4: {  	[sflag:s0] =	ssyncadd.remote.s32 $0x1  }
0xc5: {  	_ =	sfence.sel $0xFFFF  }
0xc6: {  	[dreg:$0x0] =	wrdreg $0xFFFFFFFF;
	(pc) =	sbr.abs _section_cstart, $3  }
0xc7: {  	[dreg:$0x1] =	wrdreg $0xFFFFFFFF  }
0xc8: {  	_ =	task.clear_ibuf [dreg:s7], $0x2FFFF;
	_ =	strace $0x9FFFFFFF  }
0xc9: {  	(tm) =	ssettm $0x7FFFFFFF  }
tec
execute0_lowered:
.L_overlay_start_1:
0x0: {  	(tag) =	ssettag $0x1  }
0x1: {  	s1 =	rddreg [dreg:$0x0]  }
0x2: {  	s5 =	rddreg [dreg:$0x1]  }
0x3: {  	s3 =	rddreg [dreg:$0x2]  }
0x4: {  	s0 =	rddreg [dreg:$0x3];
	s4 =	srdreg.scid  }
0x5: {  	s2 =	stileid.u32;
	s14 =	simm.s32 $0x2;
	s15 =	simm.s32 $0x1400  }
0x6: {  	s16 =	simm.s32 $0x4800;
	s17 =	simm.s32 $0x80;
	s18 =	simm.s32 $0x2800  }
0x7: {  	s19 =	simm.s32 $0x1;
	s22 =	simm.s32 $0x0;
	s6 =	sand.u32 $0x1, s4  }
0x8: {  	s7 =	sshll.u32 s2, $0x1;
	s8 =	smul.u32 $0xA000, s2;
	s4 =	simm.s32 $0x0  }
0x9: {  	s10 =	smul.u32 $0x28000, s2;
	s20 =	sshll.u32 s2, $0x6;
	s7 =	sor.u32 s6, s7  }
0xa: {  	s9 =	smul.u32 $0xA0000, s6;
	[smem:$0x7FF] =	sst s4;
	s6 =	ssub.s32 $0x2, s6  }
0xb: {  	s20 =	sor.u32 $0x1C02, s20;
	s7 =	smul.u32 $0x280, s7;
	_ =	strace $0x80000050  }
0xc: {  	s30 =	sshrl.u32 s6, $0x1;
	s31 =	sshrl.u32 s10, $0x2;
	s9 =	sadd.s32 s8, s9  }
0xd: {  	s13 =	ssub.s32 s6, s30;
	s11 =	sadd.s32 s31, s3;
	s7 =	sadd.s32 s7, s5  }
0xe: {  	s9 =	sshrl.u32 s9, $0x3;
	s10 =	sadd.s32 $0x6000, s11;
	s13 =	smax.u32 s13, $0x1  }
0xf: {  	s12 =	sadd.s32 s9, s5;
	s5 =	sadd.s32 $0x8200, s7;
	s6 =	sadd.s32 $0x3200, s7  }
0x10: {  	s7 =	sadd.s32 s8, s3;
	s8 =	sadd.s32 $0x2000, s11;
	s9 =	sadd.s32 $0x4000, s11  }
0x11: {  	v0 =	vimm.f32 $0.0e+00;
	s11 =	sadd.s32 $0x8000, s11;
	s12 =	sadd.s32 $0xD200, s12;
	s21 =	sshrl.u32 s7, $0x3  }
.LBB2_1:
0x12: {  	[tilespmem:s4], [sflag:$0x2] =	stream.linear.gather [hbm4b:s5+s4], $0x1400, $0x38;
	[tilespmem:$0x10800] =	vst v63  }
0x13: {  	_ =	swait.ge [sflag:s14], $0x1400  }
0x14: {  	[sflag:s14] =	ssyncset.done $0x0  }
0x15: {  	[sflag:s14] =	ssyncadd.s32 $0xFFFFEC00  }
0x16: {  	[tilespmem:s15], [sflag:$0x2] =	stream.linear.gather [hbm4b:s6+s4], $0x1400, $0x38;
	[tilespmem:$0x10800] =	vst v63  }
0x17: {  	_ =	swait.ge [sflag:s14], $0x1400  }
0x18: {  	[sflag:s14] =	ssyncset.done $0x0  }
0x19: {  	s24 =	simm.s32 $0x100;
	s23 =	simm.s32 $0x0;
	[sflag:s14] =	ssyncadd.s32 $0xFFFFEC00  }
.LBB2_2:
0x1a: {  	p0 =	sne.s32 s24, $0x7F00;
	[tilespmem:s23+$0x4830] =	vst v0;
	s25 =	smov.u32 s24;
	s24 =	sadd.s32 $0x100, s24  }
.Ltmp0:
0x1b: {  	[tilespmem:s23+$0x4820] =	vst v0;
	(pc) =	sbr.rel @p0 .LBB2_2-.Ltmp0, $3  }
0x1c: {  	[tilespmem:s23+$0x4800] =	vst v0  }
0x1d: {  	[tilespmem:s23+$0x4810] =	vst v0;
	_ =	sdelay $0x1  }
0x1e: {  	s23 =	sshra.s32 s25, $0x2  }
0x1f: {  	[tilespmem:s23+$0x4830] =	vst v0  }
0x20: {  	[tilespmem:s23+$0x4820] =	vst v0  }
0x21: {  	[tilespmem:s23+$0x4800] =	vst v0  }
0x22: {  	[tilespmem:s23+$0x4810] =	vst v0  }
0x23: {  	[spmem:s7] =	stream.linear.scatter [tilespmem:s16], [sflag:$0x2], $0x2000, $0x38;
	[tilespmem:$0x10800] =	vst v63  }
0x24: {  	_ =	swait.ge [sflag:s14], $0x2000  }
0x25: {  	[sflag:s14] =	ssyncset.done $0x0  }
0x26: {  	[sflag:s14] =	ssyncadd.s32 $0xFFFFE000  }
0x27: {  	[spmem:s8] =	stream.linear.scatter [tilespmem:s16], [sflag:$0x2], $0x2000, $0x38;
	[tilespmem:$0x10800] =	vst v63  }
0x28: {  	_ =	swait.ge [sflag:s14], $0x2000  }
0x29: {  	[sflag:s14] =	ssyncset.done $0x0  }
0x2a: {  	[sflag:s14] =	ssyncadd.s32 $0xFFFFE000  }
0x2b: {  	[spmem:s9] =	stream.linear.scatter [tilespmem:s16], [sflag:$0x2], $0x2000, $0x38;
	[tilespmem:$0x10800] =	vst v63  }
0x2c: {  	_ =	swait.ge [sflag:s14], $0x2000  }
0x2d: {  	[sflag:s14] =	ssyncset.done $0x0  }
0x2e: {  	[sflag:s14] =	ssyncadd.s32 $0xFFFFE000  }
0x2f: {  	[spmem:s10] =	stream.linear.scatter [tilespmem:s16], [sflag:$0x2], $0x2000, $0x38;
	[tilespmem:$0x10800] =	vst v63  }
0x30: {  	_ =	swait.ge [sflag:s14], $0x2000  }
0x31: {  	[sflag:s14] =	ssyncset.done $0x0  }
0x32: {  	[sflag:s14] =	ssyncadd.s32 $0xFFFFE000  }
0x33: {  	[spmem:s11] =	stream.linear.scatter [tilespmem:s16], [sflag:$0x2], $0x2000, $0x38;
	[tilespmem:$0x10800] =	vst v63  }
0x34: {  	_ =	swait.ge [sflag:s14], $0x2000  }
0x35: {  	[sflag:s14] =	ssyncset.done $0x0  }
0x36: {  	[sflag:s14] =	ssyncadd.s32 $0xFFFFE000  }
0x37: {  	s30 =	simm.s32 $0x0;
	[bflag:$0x0] =	sbarrier.arrive $0xFFFF  }
0x38: {  	[tilespmem:s18], [sflag:$0x1] =	stream.indirect.gather [hbm4b:s1+s17], $0x40, s30, s17, $0xb8;
	[tilespmem:$0x10800] =	vst v63  }
0x39: {  	_ =	swait.ge [sflag:s19], $0x2000  }
0x3a: {  	[sflag:s19] =	ssyncset.done $0x0  }
0x3b: {  	s31 =	simm.s32 $0x1400;
	[sflag:s19] =	ssyncadd.s32 $0xFFFFE000  }
0x3c: {  	[spmem:s3] =	stream.indirect.scatter.add.f32 [tilespmem:s18], [sflag:$0x2], $0x40, s31, s17, $0xb8;
	[tilespmem:$0x10800] =	vst v63  }
0x3d: {  	_ =	swait.ge [sflag:s14], $0x2000  }
0x3e: {  	s23 =	simm.s32 $0x200;
	s24 =	simm.s32 $0x400;
	[sflag:s14] =	ssyncset.done $0x0  }
.LBB2_4:
0x3f: {  	s25 =	sshra.s32 s23, $0x2  }
0x40: {  	[sflag:s14] =	ssyncadd.s32 $0xFFFFE000;
	s23 =	smov.u32 s24;
	s26 =	sadd.s32 $0x200, s24  }
0x41: {  	[tilespmem:s18], [sflag:$0x1] =	stream.indirect.gather [hbm4b:s1+s17], $0x40, s25, s17, $0xb8;
	[tilespmem:$0x10800] =	vst v63  }
0x42: {  	p0 =	sne.s32 s24, $0x4E00;
	_ =	swait.ge [sflag:s19], $0x2000  }
.Ltmp1:
0x43: {  	[sflag:s19] =	ssyncset.done $0x0;
	(pc) =	sbr.rel @p0 .LBB2_4-.Ltmp1, $4  }
0x44: {  	s24 =	sadd.s32 $0x1400, s25;
	[sflag:s19] =	ssyncadd.s32 $0xFFFFE000  }
0x45: {  	[spmem:s3] =	stream.indirect.scatter.add.f32 [tilespmem:s18], [sflag:$0x2], $0x40, s24, s17, $0xb8;
	[tilespmem:$0x10800] =	vst v63  }
0x46: {  	_ =	swait.ge [sflag:s14], $0x2000  }
0x47: {  	s24 =	smov.u32 s26;
	[sflag:s14] =	ssyncset.done $0x0  }
0x48: {  	s23 =	sshra.s32 s23, $0x2;
	[sflag:s14] =	ssyncadd.s32 $0xFFFFE000  }
0x49: {  	[tilespmem:s18], [sflag:$0x1] =	stream.indirect.gather [hbm4b:s1+s17], $0x40, s23, s17, $0xb8;
	[tilespmem:$0x10800] =	vst v63  }
0x4a: {  	_ =	swait.ge [sflag:s19], $0x2000  }
0x4b: {  	[sflag:s19] =	ssyncset.done $0x0  }
0x4c: {  	s23 =	sadd.s32 $0x1400, s23;
	[sflag:s19] =	ssyncadd.s32 $0xFFFFE000  }
0x4d: {  	[spmem:s3] =	stream.indirect.scatter.add.f32 [tilespmem:s18], [sflag:$0x2], $0x40, s23, s17, $0xb8;
	[tilespmem:$0x10800] =	vst v63  }
0x4e: {  	_ =	swait.ge [sflag:s14], $0x2000  }
0x4f: {  	s22 =	sadd.s32 $0x1, s22;
	[sflag:s14] =	ssyncset.done $0x0  }
0x50: {  	p0 =	sne.s32 s22, s13;
	[sflag:s14] =	ssyncadd.s32 $0xFFFFE000  }
.Ltmp2:
0x51: {  	[bflag:$0x0] =	sbarrier.arrive $0xFFFF;
	(pc) =	sbr.rel @p0 .LBB2_1-.Ltmp2, $4  }
0x52: {  	[hbm:s12], [sflag:s20] =	dma.local [spmem:s21], $0x1400  }
0x53: {  	_ =	swait.ge [sflag:s14], $0x1400  }
0x54: {  	[sflag:s14] =	ssyncset.done $0x0  }
0x55: {  	[sflag:s14] =	ssyncadd.s32 $0xFFFFEC00  }
0x56: {  	_ =	sfence.sel $0x180000  }
0x57: {  	[bflag:$0x0] =	sbarrier.arrive $0xFFFF  }
0x58: {  	p0 =	sne.s32 s2, $0x0;
	_ =	strace $0x90000050  }
0x59: {  	s0 =	sadd.s32 @!p0 $0x100000, s0;
	[bflag:$0x2] =	sbarrier.arrive $0xFFFF  }
0x5a: {  	[sflag:s0] =	ssyncadd.tile.s32 @!p0 $0x1;
	_ =	shalt  }
.Lfunc_end2:
_tile_overlayer_lowered:
.L_overlay_start_2:
0x5b: {  	(tag) =	ssettag $0x2  }
0x5c: {  	s0 =	rddreg [dreg:$0x0];
	s2 =	stileid.u32  }
0x5d: {  	s1 =	rddreg [dreg:$0x1];
	p0 =	sne.s32 s2, $0x0  }
0x5e: {  	s3 =	rddreg [dreg:$0x2];
	[bflag:$0x3] =	sbarrier.arrive $0xFFFF;
	s2 =	simm.s32 @!p0 $0x1C02  }
0x5f: {  	[timem:s3], [sflag:s2] =	dma.local @!p0 [hbm:s0], s1  }
0x60: {  	s0 =	simm.s32 @!p0 $0x2  }
0x61: {  	_ =	swait.ge @!p0 [sflag:s0], s1  }
0x62: {  	s1 =	ssub.s32 @!p0 $0x0, s1;
	[sflag:s0] =	ssyncset.done @!p0 $0x0  }
0x63: {  	[sflag:s0] =	ssyncadd.s32 @!p0 s1  }
0x64: {  	[bflag:$0x3] =	sbarrier.arrive $0xFFFF  }
0x65: {  	_ =	shalt  }

// kernel: kernel.25.cloned.1.call-start
scs
__scs_entry_jumppad:
0x0: {  	(pc) =	sbr.rel $0x88, $3  }
0x1: {  	(tag) =	ssettag $0x0;
	lr =	simm.s32 $0x1  }
0x2: {  	[smem:$0x3F95] =	sst lr;
	_ =	strace $0xD0000000  }
0x3: {  	_ = 	snop  }
0x4: {  	_ = 	snop  }
0x5: {  	_ = 	snop  }
0x6: {  	_ = 	snop  }
0x7: {  	_ = 	snop  }
__scs_overlays_trampoline_lowered:
0x8: {  	[smem:$0x3FA4] =	sst s0  }
0x9: {  	[smem:$0x3FA5] =	sst s1  }
0xa: {  	[smem:$0x3FA6] =	sst s2  }
0xb: {  	[smem:$0x3FA7] =	sst s3  }
0xc: {  	[smem:$0x3FA8] =	sst s4  }
0xd: {  	[smem:$0x3FA9] =	sst s5  }
0xe: {  	[smem:$0x3FAA] =	sst s6  }
0xf: {  	[smem:$0x3FAB] =	sst s7  }
0x10: {  	[smem:$0x3FAC] =	sst s8  }
0x11: {  	[smem:$0x3FAD] =	sst s9;
	s0 =	simm.s32 @!p0 $0x0  }
0x12: {  	s1 =	sld [smem:$0x3F93];
	s0 =	simm.s32 @p0 $0x1  }
0x13: {  	[smem:$0x3FAE] =	sst s0;
	s0 =	simm.s32 @!p1 $0x0  }
0x14: {  	s2 =	sld [smem:$0x3F92];
	s0 =	simm.s32 @p1 $0x1  }
0x15: {  	[smem:$0x3FAF] =	sst s0;
	s0 =	simm.s32 @!p2 $0x0  }
0x16: {  	s3 =	sld [smem:$0x3FDB];
	s0 =	simm.s32 @p2 $0x1  }
0x17: {  	s4 =	simm.s32 $0x1BF5;
	[smem:$0x3FB1] =	sst s0  }
0x18: {  	s0 =	sld [smem:$0x3F94];
	_ =	swait.ge [sflag:s4], $0x0  }
0x19: {  	s7 =	sld [smem:$0x3F95]  }
0x1a: {  	s8 =	sadd.s32 $0xFFFFE003, lr  }
0x1b: {  	s9 =	sadd.s32 $0xFFFFFEF7, lr;
	s5 =	simm.s32 $0xFFFFFFFF;
	p2 =	slt.u32 s8, $0xFFFFF086  }
0x1c: {  	p1 =	slt.u32 s9, $0xF7A;
	s5 =	simm.s32 @!p2 $0x0  }
0x1d: {  	s5 =	simm.s32 @p1 $0x1;
	p0 =	seq.s32 s7, s2  }
0x1e: {  	s7 =	smul.u32 @!p0 $0xF7A, s2;
	p2 =	seq.s32 @!p0 s5, $0x0  }
0x1f: {  	s9 =	smul.u32 $0xF7A, s1;
	s8 =	simm.s32 @!p0 $0x1BF5;
	p2 =	por !p2, p0  }
0x20: {  	[sflag:s8] =	ssyncset.s32 @!p0 $0xFFFFF086;
	s6 =	sadd.s32 @!p0 s3, s7;
	s7 =	simm.s32 @!p0 $0x108  }
0x21: {  	s3 =	sadd.s32 s3, s9;
	s6 =	sadd.s32 @!p0 $0x88, s6;
	s7 =	simm.s32 @p2 $0x1082  }
0x22: {  	[simem:s7], [sflag:s8] =	dma.local @!p0 [hbm:s6], $0xF7A  }
0x23: {  	s9 =	sor.u32 $0xD0000000, s2;
	s6 =	simm.s32 $0x108;
	_ =	swait.ge @!p0 [sflag:s8], $0x0  }
0x24: {  	s3 =	sadd.s32 $0x88, s3;
	s6 =	simm.s32 @!p1 $0x1082;
	[sflag:s4] =	ssyncset.s32 $0xFFFFF086  }
0x25: {  	[simem:s6], [sflag:s4] =	dma.local [hbm:s3], $0xF7A  }
0x26: {  	[smem:$0x3F95] =	sst s1;
	(tag) =	ssettag s2;
	_ =	strace s9  }
0x27: {  	s1 =	sld [smem:$0x3FA5]  }
0x28: {  	s2 =	sld [smem:$0x3FA6]  }
0x29: {  	s4 =	sld [smem:$0x3FA8]  }
0x2a: {  	p0 =	seq.s32 s5, $0x0;
	s5 =	sld [smem:$0x3FA9]  }
0x2b: {  	s6 =	sld [smem:$0x3FAA]  }
0x2c: {  	s7 =	sld [smem:$0x3FAB]  }
0x2d: {  	s3 =	simm.s32 $0x108;
	s8 =	sld [smem:$0x3FAC]  }
0x2e: {  	s3 =	simm.s32 @!p0 $0x1082;
	s9 =	sld [smem:$0x3FAD]  }
0x2f: {  	lr =	sadd.s32 s0, s3;
	s0 =	sld [smem:$0x3FA4]  }
0x30: {  	s3 =	sld [smem:$0x3FA7]  }
0x31: {  	[smem:$0x3FB0] =	sst s10  }
0x32: {  	s10 =	sld [smem:$0x3FAE];
	_ =	sdelay $0x3  }
0x33: {  	p0 =	seq.s32 s10, $0x1;
	s10 =	sld [smem:$0x3FB0];
	_ =	sdelay $0x3  }
0x34: {  	[smem:$0x3FB0] =	sst s10  }
0x35: {  	s10 =	sld [smem:$0x3FAF];
	_ =	sdelay $0x3  }
0x36: {  	p1 =	seq.s32 s10, $0x1;
	s10 =	sld [smem:$0x3FB0];
	_ =	sdelay $0x3  }
0x37: {  	[smem:$0x3FB0] =	sst s10  }
0x38: {  	s10 =	sld [smem:$0x3FB1]  }
0x39: {  	_ = 	snop;
	(pc) =	sbr.ind lr, $3  }
0x3a: {  	_ = 	snop  }
0x3b: {  	_ = 	snop  }
0x3c: {  	p2 =	seq.s32 s10, $0x1;
	s10 =	sld [smem:$0x3FB0]  }
0x3d: {  	_ =	shalt  }
0x3e: {  	_ =	shalt  }
0x3f: {  	_ =	shalt  }
0x40: {  	_ =	shalt  }
0x41: {  	_ =	shalt  }
0x42: {  	_ =	shalt  }
0x43: {  	_ =	shalt  }
0x44: {  	_ =	shalt  }
0x45: {  	_ =	shalt  }
0x46: {  	_ =	shalt  }
0x47: {  	_ =	shalt  }
0x48: {  	_ =	shalt  }
0x49: {  	_ =	shalt  }
0x4a: {  	_ =	shalt  }
0x4b: {  	_ =	shalt  }
0x4c: {  	_ =	shalt  }
0x4d: {  	_ =	shalt  }
0x4e: {  	_ =	shalt  }
0x4f: {  	_ =	shalt  }
0x50: {  	_ =	shalt  }
0x51: {  	_ =	shalt  }
0x52: {  	_ =	shalt  }
0x53: {  	_ =	shalt  }
0x54: {  	_ =	shalt  }
0x55: {  	_ =	shalt  }
0x56: {  	_ =	shalt  }
0x57: {  	_ =	shalt  }
0x58: {  	_ =	shalt  }
0x59: {  	_ =	shalt  }
0x5a: {  	_ =	shalt  }
0x5b: {  	_ =	shalt  }
0x5c: {  	_ =	shalt  }
0x5d: {  	_ =	shalt  }
0x5e: {  	_ =	shalt  }
0x5f: {  	_ =	shalt  }
0x60: {  	_ =	shalt  }
0x61: {  	_ =	shalt  }
0x62: {  	_ =	shalt  }
0x63: {  	_ =	shalt  }
0x64: {  	_ =	shalt  }
0x65: {  	_ =	shalt  }
0x66: {  	_ =	shalt  }
0x67: {  	_ =	shalt  }
0x68: {  	_ =	shalt  }
0x69: {  	_ =	shalt  }
0x6a: {  	_ =	shalt  }
0x6b: {  	_ =	shalt  }
0x6c: {  	_ =	shalt  }
0x6d: {  	_ =	shalt  }
0x6e: {  	_ =	shalt  }
0x6f: {  	_ =	shalt  }
0x70: {  	_ =	shalt  }
0x71: {  	_ =	shalt  }
0x72: {  	_ =	shalt  }
0x73: {  	_ =	shalt  }
0x74: {  	_ =	shalt  }
0x75: {  	_ =	shalt  }
0x76: {  	_ =	shalt  }
0x77: {  	_ =	shalt  }
0x78: {  	_ =	shalt  }
0x79: {  	_ =	shalt  }
0x7a: {  	_ =	shalt  }
0x7b: {  	_ =	shalt  }
0x7c: {  	_ =	shalt  }
0x7d: {  	_ =	shalt  }
0x7e: {  	_ =	shalt  }
0x7f: {  	_ =	shalt  }
0x80: {  	_ =	shalt  }
0x81: {  	_ =	shalt  }
0x82: {  	_ =	shalt  }
0x83: {  	_ =	shalt  }
0x84: {  	_ =	shalt  }
0x85: {  	_ =	shalt  }
0x86: {  	_ =	shalt  }
0x87: {  	_ =	shalt  }
.Lfunc_end0:
.L_simem_size_0:
called_computation.4_lowered:
.L_overlay_start_0:
0x88: {  	s2 =	sld [smem:$0x3FD9]  }
0x89: {  	s3 =	sld [smem:$0x3FFE];
	_ =	sdelay $0x1  }
0x8a: {  	s1 =	srdreg.scid  }
0x8b: {  	s0 =	sand.u32 $0x1, s1  }
0x8c: {  	s14 =	sshll.u32 s0, $0xA;
	s2 =	sadd.s32 s3, s2  }
0x8d: {  	s2 =	sadd.s32 s2, s14  }
0x8e: {  	[smem:$0x3FBC] =	sst s2  }
0x8f: {  	_ = 	snop  }
0x90: {  	s2 =	sld [smem:$0x3FD0];
	_ =	sdelay $0x2  }
0x91: {  	s15 =	simm.s32 $0xA;
	s4 =	simm.s32 $0x10  }
0x92: {  	[smem:s4], [sflag:s15] =	dma.local [hbm:s2], $0x1  }
0x93: {  	_ =	swait.eq [sflag:s15], $0x1  }
0x94: {  	[sflag:s15] =	ssyncset.done $0x0  }
0x95: {  	[sflag:s15] =	ssyncadd.s32 $0xFFFFFFFF  }
0x96: {  	s16 =	sld [smem:$0x11];
	(tm) =	ssettm $0x1  }
0x97: {  	s17 =	sld [smem:$0x3FFB];
	_ =	sdelay $0x3  }
0x98: {  	_ =	strace s17  }
0x99: {  	s3 =	sld [smem:$0x3FFC];
	_ =	sdelay $0x3  }
0x9a: {  	_ =	strace s3  }
0x9b: {  	s3 =	sld [smem:$0x3FFD];
	_ =	sdelay $0x3  }
0x9c: {  	_ =	strace s3  }
0x9d: {  	_ =	strace $0x8FFFFFFF  }
0x9e: {  	s18 =	sld [smem:$0x3FDB];
	_ =	sdelay $0x1  }
0x9f: {  	s19 =	simm.s32 $_scs_section_size  }
0xa0: {  	s5 =	simm.s32 $_size__tile_overlayer_lowered;
	s6 =	simm.s32 $_tile_overlayer_lowered  }
0xa1: {  	s22 =	simm.s32 $0x1BFF;
	s21 =	sshll.u32 s6, $0x1;
	s3 =	sadd.s32 s19, s18  }
0xa2: {  	s7 =	simm.s32 $0x0;
	s20 =	sshll.u32 s5, $0x1;
	s5 =	sadd.s32 s21, s3  }
0xa3: {  	[timem:s7], [sflag:s22] =	dma.local [hbm:s5], s20  }
0xa4: {  	_ =	swait.ge [sflag:s22], s20  }
0xa5: {  	s4 =	ssub.s32 $0x0, s20;
	[sflag:s22] =	ssyncset.done $0x0  }
0xa6: {  	[sflag:s22] =	ssyncadd.s32 s4;
	_ =	sdelay $0x1  }
0xa7: {  	s23 =	simm.s32 $0x1B8B  }
0xa8: {  	_ =	swait.ge [sflag:s23], $0x1  }
0xa9: {  	[sflag:s23] =	ssyncset.done $0x0  }
0xaa: {  	s25 =	simm.s32 $0x1B8E;
	s24 =	sld [smem:$0x3FFE];
	[sflag:s23] =	ssyncadd.s32 $0xFFFFFFFF  }
0xab: {  	s26 =	simm.s32 $execute0_lowered;
	[smem:$0x3FD2] =	sst s25  }
0xac: {  	s5 =	sshll.u32 s26, $0x1;
	_ =	strace $0x80000052;
	[dreg:$0x1] =	wrdreg $0xFFFFFFFF  }
0xad: {  	s28 =	simm.s32 $_size_execute0_lowered;
	s3 =	sadd.s32 s3, s5;
	[dreg:$0x0] =	wrdreg $0x0  }
0xae: {  	s5 =	sshll.u32 s28, $0x1;
	[dreg:$0x2] =	wrdreg s3  }
0xaf: {  	[dreg:$0x3] =	wrdreg s5  }
0xb0: {  	[dreg:$0x4] =	wrdreg $0xC0  }
0xb1: {  	_ =	task [dreg:s7], $0x5FFFF  }
0xb2: {  	[dreg:$0x1] =	wrdreg $0xFFFFFFFF  }
0xb3: {  	[dreg:$0x0] =	wrdreg $0x60  }
0xb4: {  	[dreg:$0x2] =	wrdreg s16  }
0xb5: {  	[dreg:$0x3] =	wrdreg s24  }
0xb6: {  	[dreg:$0x4] =	wrdreg $0x68000  }
0xb7: {  	[dreg:$0x5] =	wrdreg $0x9  }
0xb8: {  	_ =	task.clear_ibuf [dreg:s7], $0x6FFFF;
	_ =	strace $0x90000052  }
0xb9: {  	s29 =	simm.s32 $0x9;
	_ =	strace $0x80000054  }
0xba: {  	_ =	swait.ge [sflag:s29], $0x1  }
0xbb: {  	[sflag:s29] =	ssyncadd.s32 $0xFFFFFFFF  }
0xbc: {  	_ =	strace $0x90000054  }
0xbd: {  	_ =	sfence  }
0xbe: {  	s30 =	sld [smem:$0x0];
	_ =	sdelay $0x2  }
0xbf: {  	s31 =	sshll.u32 s1, $0xD;
	s1 =	sshrl.u32 s1, $0x2  }
0xc0: {  	s3 =	sand.u32 $0x4000, s31;
	s1 =	sadd.s32 s1, s30  }
0xc1: {  	s0 =	sor.u32 s3, s0;
	s1 =	sshll.u32 s1, $0x11  }
0xc2: {  	s0 =	sor.u32 s1, s0  }
0xc3: {  	s0 =	sadd.s32 $0x8F2B, s0  }
0xc4: {  	[sflag:s0] =	ssyncadd.remote.s32 $0x1  }
0xc5: {  	_ =	sfence.sel $0xFFFF  }
0xc6: {  	[dreg:$0x0] =	wrdreg $0xFFFFFFFF;
	(pc) =	sbr.abs _section_cstart, $3  }
0xc7: {  	[dreg:$0x1] =	wrdreg $0xFFFFFFFF  }
0xc8: {  	_ =	task.clear_ibuf [dreg:s7], $0x2FFFF;
	_ =	strace $0x9FFFFFFF  }
0xc9: {  	(tm) =	ssettm $0x7FFFFFFF  }
tec
execute0_lowered:
.L_overlay_start_1:
0x0: {  	(tag) =	ssettag $0x1  }
0x1: {  	s1 =	rddreg [dreg:$0x0]  }
0x2: {  	s5 =	rddreg [dreg:$0x1]  }
0x3: {  	s3 =	rddreg [dreg:$0x2]  }
0x4: {  	s0 =	rddreg [dreg:$0x3];
	s4 =	srdreg.scid  }
0x5: {  	s2 =	stileid.u32;
	s14 =	simm.s32 $0x2;
	s15 =	simm.s32 $0x1400  }
0x6: {  	s16 =	simm.s32 $0x4800;
	s17 =	simm.s32 $0x80;
	s18 =	simm.s32 $0x2800  }
0x7: {  	s19 =	simm.s32 $0x1;
	s22 =	simm.s32 $0x0;
	s6 =	sand.u32 $0x1, s4  }
0x8: {  	s7 =	sshll.u32 s2, $0x1;
	s8 =	smul.u32 $0xA000, s2;
	s4 =	simm.s32 $0x0  }
0x9: {  	s10 =	smul.u32 $0x28000, s2;
	s20 =	sshll.u32 s2, $0x6;
	s7 =	sor.u32 s6, s7  }
0xa: {  	s9 =	smul.u32 $0xA0000, s6;
	[smem:$0x7FF] =	sst s4;
	s6 =	ssub.s32 $0x2, s6  }
0xb: {  	s20 =	sor.u32 $0x1C02, s20;
	s7 =	smul.u32 $0x280, s7;
	_ =	strace $0x80000053  }
0xc: {  	s30 =	sshrl.u32 s6, $0x1;
	s31 =	sshrl.u32 s10, $0x2;
	s9 =	sadd.s32 s8, s9  }
0xd: {  	s13 =	ssub.s32 s6, s30;
	s11 =	sadd.s32 s31, s3;
	s7 =	sadd.s32 s7, s5  }
0xe: {  	s9 =	sshrl.u32 s9, $0x3;
	s10 =	sadd.s32 $0x6000, s11;
	s13 =	smax.u32 s13, $0x1  }
0xf: {  	s12 =	sadd.s32 s9, s5;
	s5 =	sadd.s32 $0x8200, s7;
	s6 =	sadd.s32 $0x3200, s7  }
0x10: {  	s7 =	sadd.s32 s8, s3;
	s8 =	sadd.s32 $0x2000, s11;
	s9 =	sadd.s32 $0x4000, s11  }
0x11: {  	v0 =	vimm.f32 $0.0e+00;
	s11 =	sadd.s32 $0x8000, s11;
	s12 =	sadd.s32 $0xD200, s12;
	s21 =	sshrl.u32 s7, $0x3  }
.LBB2_1:
0x12: {  	[tilespmem:s4], [sflag:$0x2] =	stream.linear.gather [hbm4b:s5+s4], $0x1400, $0x38;
	[tilespmem:$0x10800] =	vst v63  }
0x13: {  	_ =	swait.ge [sflag:s14], $0x1400  }
0x14: {  	[sflag:s14] =	ssyncset.done $0x0  }
0x15: {  	[sflag:s14] =	ssyncadd.s32 $0xFFFFEC00  }
0x16: {  	[tilespmem:s15], [sflag:$0x2] =	stream.linear.gather [hbm4b:s6+s4], $0x1400, $0x38;
	[tilespmem:$0x10800] =	vst v63  }
0x17: {  	_ =	swait.ge [sflag:s14], $0x1400  }
0x18: {  	[sflag:s14] =	ssyncset.done $0x0  }
0x19: {  	s24 =	simm.s32 $0x100;
	s23 =	simm.s32 $0x0;
	[sflag:s14] =	ssyncadd.s32 $0xFFFFEC00  }
.LBB2_2:
0x1a: {  	p0 =	sne.s32 s24, $0x7F00;
	[tilespmem:s23+$0x4830] =	vst v0;
	s25 =	smov.u32 s24;
	s24 =	sadd.s32 $0x100, s24  }
.Ltmp0:
0x1b: {  	[tilespmem:s23+$0x4820] =	vst v0;
	(pc) =	sbr.rel @p0 .LBB2_2-.Ltmp0, $3  }
0x1c: {  	[tilespmem:s23+$0x4800] =	vst v0  }
0x1d: {  	[tilespmem:s23+$0x4810] =	vst v0;
	_ =	sdelay $0x1  }
0x1e: {  	s23 =	sshra.s32 s25, $0x2  }
0x1f: {  	[tilespmem:s23+$0x4830] =	vst v0  }
0x20: {  	[tilespmem:s23+$0x4820] =	vst v0  }
0x21: {  	[tilespmem:s23+$0x4800] =	vst v0  }
0x22: {  	[tilespmem:s23+$0x4810] =	vst v0  }
0x23: {  	[spmem:s7] =	stream.linear.scatter [tilespmem:s16], [sflag:$0x2], $0x2000, $0x38;
	[tilespmem:$0x10800] =	vst v63  }
0x24: {  	_ =	swait.ge [sflag:s14], $0x2000  }
0x25: {  	[sflag:s14] =	ssyncset.done $0x0  }
0x26: {  	[sflag:s14] =	ssyncadd.s32 $0xFFFFE000  }
0x27: {  	[spmem:s8] =	stream.linear.scatter [tilespmem:s16], [sflag:$0x2], $0x2000, $0x38;
	[tilespmem:$0x10800] =	vst v63  }
0x28: {  	_ =	swait.ge [sflag:s14], $0x2000  }
0x29: {  	[sflag:s14] =	ssyncset.done $0x0  }
0x2a: {  	[sflag:s14] =	ssyncadd.s32 $0xFFFFE000  }
0x2b: {  	[spmem:s9] =	stream.linear.scatter [tilespmem:s16], [sflag:$0x2], $0x2000, $0x38;
	[tilespmem:$0x10800] =	vst v63  }
0x2c: {  	_ =	swait.ge [sflag:s14], $0x2000  }
0x2d: {  	[sflag:s14] =	ssyncset.done $0x0  }
0x2e: {  	[sflag:s14] =	ssyncadd.s32 $0xFFFFE000  }
0x2f: {  	[spmem:s10] =	stream.linear.scatter [tilespmem:s16], [sflag:$0x2], $0x2000, $0x38;
	[tilespmem:$0x10800] =	vst v63  }
0x30: {  	_ =	swait.ge [sflag:s14], $0x2000  }
0x31: {  	[sflag:s14] =	ssyncset.done $0x0  }
0x32: {  	[sflag:s14] =	ssyncadd.s32 $0xFFFFE000  }
0x33: {  	[spmem:s11] =	stream.linear.scatter [tilespmem:s16], [sflag:$0x2], $0x2000, $0x38;
	[tilespmem:$0x10800] =	vst v63  }
0x34: {  	_ =	swait.ge [sflag:s14], $0x2000  }
0x35: {  	[sflag:s14] =	ssyncset.done $0x0  }
0x36: {  	[sflag:s14] =	ssyncadd.s32 $0xFFFFE000  }
0x37: {  	s30 =	simm.s32 $0x0;
	[bflag:$0x0] =	sbarrier.arrive $0xFFFF  }
0x38: {  	[tilespmem:s18], [sflag:$0x1] =	stream.indirect.gather [hbm4b:s1+s17], $0x40, s30, s17, $0xb8;
	[tilespmem:$0x10800] =	vst v63  }
0x39: {  	_ =	swait.ge [sflag:s19], $0x2000  }
0x3a: {  	[sflag:s19] =	ssyncset.done $0x0  }
0x3b: {  	s31 =	simm.s32 $0x1400;
	[sflag:s19] =	ssyncadd.s32 $0xFFFFE000  }
0x3c: {  	[spmem:s3] =	stream.indirect.scatter.add.f32 [tilespmem:s18], [sflag:$0x2], $0x40, s31, s17, $0xb8;
	[tilespmem:$0x10800] =	vst v63  }
0x3d: {  	_ =	swait.ge [sflag:s14], $0x2000  }
0x3e: {  	s23 =	simm.s32 $0x200;
	s24 =	simm.s32 $0x400;
	[sflag:s14] =	ssyncset.done $0x0  }
.LBB2_4:
0x3f: {  	s25 =	sshra.s32 s23, $0x2  }
0x40: {  	[sflag:s14] =	ssyncadd.s32 $0xFFFFE000;
	s23 =	smov.u32 s24;
	s26 =	sadd.s32 $0x200, s24  }
0x41: {  	[tilespmem:s18], [sflag:$0x1] =	stream.indirect.gather [hbm4b:s1+s17], $0x40, s25, s17, $0xb8;
	[tilespmem:$0x10800] =	vst v63  }
0x42: {  	p0 =	sne.s32 s24, $0x4E00;
	_ =	swait.ge [sflag:s19], $0x2000  }
.Ltmp1:
0x43: {  	[sflag:s19] =	ssyncset.done $0x0;
	(pc) =	sbr.rel @p0 .LBB2_4-.Ltmp1, $4  }
0x44: {  	s24 =	sadd.s32 $0x1400, s25;
	[sflag:s19] =	ssyncadd.s32 $0xFFFFE000  }
0x45: {  	[spmem:s3] =	stream.indirect.scatter.add.f32 [tilespmem:s18], [sflag:$0x2], $0x40, s24, s17, $0xb8;
	[tilespmem:$0x10800] =	vst v63  }
0x46: {  	_ =	swait.ge [sflag:s14], $0x2000  }
0x47: {  	s24 =	smov.u32 s26;
	[sflag:s14] =	ssyncset.done $0x0  }
0x48: {  	s23 =	sshra.s32 s23, $0x2;
	[sflag:s14] =	ssyncadd.s32 $0xFFFFE000  }
0x49: {  	[tilespmem:s18], [sflag:$0x1] =	stream.indirect.gather [hbm4b:s1+s17], $0x40, s23, s17, $0xb8;
	[tilespmem:$0x10800] =	vst v63  }
0x4a: {  	_ =	swait.ge [sflag:s19], $0x2000  }
0x4b: {  	[sflag:s19] =	ssyncset.done $0x0  }
0x4c: {  	s23 =	sadd.s32 $0x1400, s23;
	[sflag:s19] =	ssyncadd.s32 $0xFFFFE000  }
0x4d: {  	[spmem:s3] =	stream.indirect.scatter.add.f32 [tilespmem:s18], [sflag:$0x2], $0x40, s23, s17, $0xb8;
	[tilespmem:$0x10800] =	vst v63  }
0x4e: {  	_ =	swait.ge [sflag:s14], $0x2000  }
0x4f: {  	s22 =	sadd.s32 $0x1, s22;
	[sflag:s14] =	ssyncset.done $0x0  }
0x50: {  	p0 =	sne.s32 s22, s13;
	[sflag:s14] =	ssyncadd.s32 $0xFFFFE000  }
.Ltmp2:
0x51: {  	[bflag:$0x0] =	sbarrier.arrive $0xFFFF;
	(pc) =	sbr.rel @p0 .LBB2_1-.Ltmp2, $4  }
0x52: {  	[hbm:s12], [sflag:s20] =	dma.local [spmem:s21], $0x1400  }
0x53: {  	_ =	swait.ge [sflag:s14], $0x1400  }
0x54: {  	[sflag:s14] =	ssyncset.done $0x0  }
0x55: {  	[sflag:s14] =	ssyncadd.s32 $0xFFFFEC00  }
0x56: {  	_ =	sfence.sel $0x180000  }
0x57: {  	[bflag:$0x0] =	sbarrier.arrive $0xFFFF  }
0x58: {  	p0 =	sne.s32 s2, $0x0;
	_ =	strace $0x90000053  }
0x59: {  	s0 =	sadd.s32 @!p0 $0x100000, s0;
	[bflag:$0x2] =	sbarrier.arrive $0xFFFF  }
0x5a: {  	[sflag:s0] =	ssyncadd.tile.s32 @!p0 $0x1;
	_ =	shalt  }
.Lfunc_end2:
_tile_overlayer_lowered:
.L_overlay_start_2:
0x5b: {  	(tag) =	ssettag $0x2  }
0x5c: {  	s0 =	rddreg [dreg:$0x0];
	s2 =	stileid.u32  }
0x5d: {  	s1 =	rddreg [dreg:$0x1];
	p0 =	sne.s32 s2, $0x0  }
0x5e: {  	s3 =	rddreg [dreg:$0x2];
	[bflag:$0x3] =	sbarrier.arrive $0xFFFF;
	s2 =	simm.s32 @!p0 $0x1C02  }
0x5f: {  	[timem:s3], [sflag:s2] =	dma.local @!p0 [hbm:s0], s1  }
0x60: {  	s0 =	simm.s32 @!p0 $0x2  }
0x61: {  	_ =	swait.ge @!p0 [sflag:s0], s1  }
0x62: {  	s1 =	ssub.s32 @!p0 $0x0, s1;
	[sflag:s0] =	ssyncset.done @!p0 $0x0  }
0x63: {  	[sflag:s0] =	ssyncadd.s32 @!p0 s1  }
0x64: {  	[bflag:$0x3] =	sbarrier.arrive $0xFFFF  }
0x65: {  	_ =	shalt  }

</sc_bundles>
